<compile_context>
chip_gen: v7x
topology: tpu7x:2x2x1
jax: 0.10.2.dev20260603
libtpu: 0.0.44.dev20260713+nightly
codegen_flags: <defaults>
</compile_context>

<pallas_src>
import functools

import jax
import jax.numpy as jnp
import numpy as np
from jax import lax
from jax.experimental import pallas as pl
from jax.experimental.pallas import tpu as pltpu
from jax.experimental.pallas import tpu_sc as plsc

B, N, D = 4, 4096, 768
H = 4
HD = D // H
KP = N // 16
KN = N // 32
KQ = KP + KN
RSQD = 1.0 / np.sqrt(D)
LANES = 128
NC = N // LANES
CH = 1024
NCH = N // CH
RB = 1024
NRB = N // RB
TOT = B * KQ

_PREC = jax.lax.Precision.DEFAULT
_PRECX = jax.lax.Precision.HIGHEST


def _dot(a, b, prec=_PREC):
    return jax.lax.dot_general(a, b, (((1,), (0,)), ((), ())),
                               precision=prec,
                               preferred_element_type=jnp.float32)


def _dot_nt(a, b, prec=_PREC):
    return jax.lax.dot_general(a, b, (((1,), (1,)), ((), ())),
                               precision=prec,
                               preferred_element_type=jnp.float32)


def _softmax(s):
    m = jnp.max(s, axis=-1, keepdims=True)
    e = jnp.exp(s - m)
    return e / jnp.sum(e, axis=-1, keepdims=True)


def _ln(x, g, b):
    mu = jnp.mean(x, axis=-1, keepdims=True)
    xc = x - mu
    var = jnp.mean(xc * xc, axis=-1, keepdims=True)
    return xc * jax.lax.rsqrt(var + 1e-5) * g + b


def _sigmoid(z):
    return 1.0 / (1.0 + jnp.exp(-z))


def _lane_cumsum(row):
    m = row.reshape(NC, LANES)
    li = jax.lax.broadcasted_iota(jnp.int32, (LANES, LANES), 0)
    lj = jax.lax.broadcasted_iota(jnp.int32, (LANES, LANES), 1)
    u = (li <= lj).astype(jnp.float32)
    cs = _dot(m, u, _PRECX)
    s = jnp.sum(m, axis=-1, keepdims=True)
    ti = jax.lax.broadcasted_iota(jnp.int32, (NC, NC), 0)
    tj = jax.lax.broadcasted_iota(jnp.int32, (NC, NC), 1)
    t = (tj < ti).astype(jnp.float32)
    offs = _dot(t, s, _PRECX)
    return (cs + offs).reshape(1, N)


def _select_pair(psim, nsim):
    bits = jax.lax.bitcast_convert_type(
        jnp.concatenate([psim, nsim], axis=0), jnp.int32)
    r_i = jax.lax.broadcasted_iota(jnp.int32, (2, 1), 0)
    kvec = jnp.where(r_i == 0, KP, KN)

    def body(_, lohi):
        lo, hi = lohi
        mid = (lo + hi) // 2
        c = jnp.sum((bits >= mid).astype(jnp.int32), axis=1, keepdims=True)
        big = c >= kvec
        return jnp.where(big, mid, lo), jnp.where(big, hi, mid)

    lo, _ = jax.lax.fori_loop(
        0, 31, body,
        (jnp.zeros((2, 1), jnp.int32), jnp.full((2, 1), 0x3F800001, jnp.int32)))
    gt = bits > lo
    n_gt = jnp.sum(gt.astype(jnp.int32), axis=1, keepdims=True)
    tie = bits == lo
    tief = tie.astype(jnp.float32)
    tie_rank = jnp.concatenate([_lane_cumsum(tief[0:1, :]),
                                _lane_cumsum(tief[1:2, :])], axis=0)
    need = (kvec - n_gt).astype(jnp.float32)
    sel = jnp.logical_or(gt, jnp.logical_and(tie, tie_rank <= need))
    self32 = sel.astype(jnp.float32)
    rank = jnp.concatenate([_lane_cumsum(self32[0:1, :]),
                            _lane_cumsum(self32[1:2, :])], axis=0) - self32
    return (self32[0:1, :], rank[0:1, :], self32[1:2, :], rank[1:2, :])


def _k0_body(x_ref, ln_ref, fbn2_ref, fbn3_ref):
    xc = x_ref[0]
    ln = ln_ref[...]
    fbn2_ref[0] = _ln(xc, ln[2:3, :], ln[3:4, :])
    fbn3_ref[0] = _ln(xc, ln[4:5, :], ln[5:6, :])


def _extract(sel, rk, wfl, k):
    jrow = jax.lax.broadcasted_iota(jnp.int32, (k, CH), 0)
    idx = jnp.zeros((1, k), jnp.float32)
    ws = jnp.zeros((k, 1), jnp.float32)
    for c in range(NCH):
        cols = slice(c * CH, (c + 1) * CH)
        s_c = jnp.logical_and(sel[:, cols] > 0.5,
                              rk[:, cols].astype(jnp.int32) == jrow)
        s_c = s_c.astype(jnp.float32)
        ir = (jax.lax.broadcasted_iota(jnp.int32, (1, CH), 1)
              + c * CH).astype(jnp.float32)
        idx = idx + _dot_nt(ir, s_c, _PRECX)
        ws = ws + _dot_nt(s_c, wfl[:, cols], _PRECX)
    return idx, ws


def _k1_body(x_ref, mask_ref, sw_ref,
             psim_ref, nsim_ref, gidx_ref, lidx_ref, wsel_ref):
    m = mask_ref[0]
    sw = sw_ref[...]

    r_i = jax.lax.broadcasted_iota(jnp.int32, (2, 1), 0)
    tgt = jnp.where(r_i == 0, 1, -1)
    pn = (m == tgt).astype(jnp.float32)
    qp = jnp.zeros((1, D), jnp.float32)
    qn = jnp.zeros((1, D), jnp.float32)
    for c in range(NCH):
        xc = x_ref[0, pl.ds(c * CH, CH), :]
        qp = qp + jnp.sum(xc * pn[0:1, c * CH:(c + 1) * CH].reshape(CH, 1),
                          axis=0, keepdims=True)
        qn = qn + jnp.sum(xc * pn[1:2, c * CH:(c + 1) * CH].reshape(CH, 1),
                          axis=0, keepdims=True)
    cnt = jnp.sum(pn, axis=1, keepdims=True)
    vp = qp / (cnt[0, 0] + 1e-6) * sw[0:1, :]
    vn = qn / (cnt[1, 0] + 1e-6) * sw[1:2, :]
    zps = []
    zns = []
    for c in range(NCH):
        xc = x_ref[0, pl.ds(c * CH, CH), :]
        zps.append(jnp.sum(xc * vp, axis=-1, keepdims=True).reshape(1, CH))
        zns.append(jnp.sum(xc * vn, axis=-1, keepdims=True).reshape(1, CH))
    z = jnp.concatenate([jnp.concatenate(zps, axis=1),
                         jnp.concatenate(zns, axis=1)], axis=0)
    bb = jax.lax.broadcast_in_dim(
        jnp.concatenate([sw[2:3, 0:1], sw[3:4, 0:1]], axis=0), (2, N), (0, 1))
    sim2 = _sigmoid(z + bb)
    psim = sim2[0:1, :]
    nsim = sim2[1:2, :]
    psim_ref[0] = psim
    nsim_ref[0] = nsim
    selp, rkp, seln, rkn = _select_pair(psim, nsim)
    wflp = jnp.logical_and(selp > 0.5, psim > 0.6).astype(jnp.float32)
    wfln = jnp.logical_and(seln > 0.5, nsim > 0.6).astype(jnp.float32)
    idxp, wsp = _extract(selp, rkp, wflp, KP)
    idxn, wsn = _extract(seln, rkn, wfln, KN)
    idx = jnp.concatenate([idxp, idxn], axis=1).astype(jnp.int32)
    lidx_ref[0] = idx
    gidx_ref[0] = idx + pl.program_id(0) * N
    wsel_ref[0, 0:KP, :] = wsp
    wsel_ref[0, KP:KQ, :] = wsn


def _sc_gather(xflat, pe0, gidx, lidx):
    info = plsc.get_sparse_core_info()
    nw = info.num_cores * info.num_subcores
    bpw = TOT // nw
    mesh = plsc.VectorSubcoreMesh(core_axis_name="c", subcore_axis_name="s")

    @functools.partial(
        pl.kernel, mesh=mesh,
        out_type=[jax.ShapeDtypeStruct((TOT, D), jnp.float32),
                  jax.ShapeDtypeStruct((TOT, D), jnp.float32)],
        scratch_types=[pltpu.VMEM((bpw,), jnp.int32),
                       pltpu.VMEM((bpw, D), jnp.float32),
                       pltpu.VMEM((bpw,), jnp.int32),
                       pltpu.VMEM((bpw, D), jnp.float32),
                       pltpu.SemaphoreType.DMA,
                       pltpu.SemaphoreType.DMA],
    )
    def k(xflat_hbm, pe_hbm, gidx_hbm, lidx_hbm, outx_hbm, outp_hbm,
          gi_v, gx_v, li_v, pe_v, sem1, sem2):
        wid = lax.axis_index("s") * info.num_cores + lax.axis_index("c")
        base = wid * bpw
        pltpu.sync_copy(gidx_hbm.at[pl.ds(base, bpw)], gi_v)
        pltpu.sync_copy(lidx_hbm.at[pl.ds(base, bpw)], li_v)
        cp1 = pltpu.async_copy(xflat_hbm.at[gi_v], gx_v, sem1)
        cp2 = pltpu.async_copy(pe_hbm.at[li_v], pe_v, sem2)
        cp1.wait()
        cp2.wait()
        pltpu.sync_copy(gx_v, outx_hbm.at[pl.ds(base, bpw)])
        pltpu.sync_copy(pe_v, outp_hbm.at[pl.ds(base, bpw)])

    return k(xflat, pe0, gidx, lidx)


def _k2_body(xg_ref, peg_ref, wsel_ref,
             adj_ref, w1p_ref, w2p_ref, w1n_ref, w2n_ref, q_ref):
    adj_w = adj_ref[...]

    def branch(o0, k, w1_ref, w2_ref):
        nodes = xg_ref[0, o0:o0 + k, :] * wsel_ref[0, o0:o0 + k, :]
        emb = peg_ref[0, o0:o0 + k, :]
        t = _dot(nodes, adj_w)
        a = _softmax(_dot_nt(t, nodes) * RSQD)
        h = jnp.maximum(_dot(a, _dot(nodes, w1_ref[...])), 0.0)
        return _dot(a, _dot(h, w2_ref[...])) + emb

    q_ref[0, 0:KP, :] = branch(0, KP, w1p_ref, w2p_ref)
    q_ref[0, KP:KQ, :] = branch(KP, KN, w1n_ref, w2n_ref)


def _k3_body(q_ref, fbn2_ref, ln_ref, wq_ref, wk_ref, wv_ref, wo_ref,
             bo_ref, g_ref,
             out_ref, qh_scr, acc_scr, ml_scr):
    c = pl.program_id(1)
    ln = ln_ref[...]
    scale = HD ** -0.5

    @pl.when(c == 0)
    def _init():
        qn = _ln(q_ref[0], ln[0:1, :], ln[1:2, :])
        for h in range(H):
            qh_scr[h] = _dot(qn, wq_ref[h])
            acc_scr[h] = jnp.zeros((KQ, HD), jnp.float32)
        ml_scr[0] = jnp.full((H, KQ, LANES), -1e30, jnp.float32)
        ml_scr[1] = jnp.zeros((H, KQ, LANES), jnp.float32)

    fc = fbn2_ref[0]
    for h in range(H):
        kh = _dot(fc, wk_ref[h])
        vh = _dot(fc, wv_ref[h])
        s = _dot_nt(qh_scr[h], kh) * scale
        m_old = ml_scr[0, h, :, 0:1]
        l_old = ml_scr[1, h, :, 0:1]
        m_new = jnp.maximum(m_old, jnp.max(s, axis=-1, keepdims=True))
        alpha = jnp.exp(m_old - m_new)
        p = jnp.exp(s - m_new)
        l_new = l_old * alpha + jnp.sum(p, axis=-1, keepdims=True)
        acc_scr[h] = acc_scr[h] * alpha + _dot(p, vh)
        ml_scr[0, h] = jnp.broadcast_to(m_new, (KQ, LANES))
        ml_scr[1, h] = jnp.broadcast_to(l_new, (KQ, LANES))

    @pl.when(c == NCH - 1)
    def _fin():
        attn = jnp.zeros((KQ, D), jnp.float32)
        for h in range(H):
            attn = attn + _dot(acc_scr[h] / ml_scr[1, h, :, 0:1], wo_ref[h])
        q2 = q_ref[0] + g_ref[...] * (attn + bo_ref[...])
        out_ref[0] = q2


def _k3b_body(q_ref, ln_ref, kv_wk_ref, kv_wv_ref, kq_ref, vq_ref):
    ln = ln_ref[...]
    qn4 = _ln(q_ref[0], ln[6:7, :], ln[7:8, :])
    for h in range(H):
        kq_ref[0, h] = _dot(qn4, kv_wk_ref[h])
        vq_ref[0, h] = _dot(qn4, kv_wv_ref[h])


def _k4_body(x_ref, fbn3_ref, kq_ref, vq_ref, ln_ref, wq_ref, wo_ref,
             bo_ref, g_ref, mlpw_ref, mlpb_ref, out_ref):
    fb = x_ref[0]
    fbn = fbn3_ref[0]
    ln = ln_ref[...]
    scale = HD ** -0.5
    attn = jnp.zeros((RB, D), jnp.float32)
    for h in range(H):
        qh = _dot(fbn, wq_ref[h])
        p = _softmax(_dot_nt(qh, kq_ref[0, h]) * scale)
        attn = attn + _dot(_dot(p, vq_ref[0, h]), wo_ref[h])
    fb2 = fb + g_ref[...] * (attn + bo_ref[...])
    mlp = _dot(_ln(fb2, ln[8:9, :], ln[9:10, :]), mlpw_ref[...]) + mlpb_ref[...]
    out_ref[0, 0] = fb2 + mlp


def _cp():
    return pltpu.CompilerParams(vmem_limit_bytes=62 * 1024 * 1024)


def _row_spec():
    return pl.BlockSpec((1, 1, N), lambda b: (b, 0, 0))


def _const(shape, ngrid=1):
    nd = len(shape)
    if ngrid == 1:
        return pl.BlockSpec(shape, lambda b, _n=nd: (0,) * _n)
    return pl.BlockSpec(shape, lambda b, r, _n=nd: (0,) * _n)


def _heads(w):
    return w.reshape(D, H, HD).transpose(1, 0, 2)


def kernel(x, mask, pos_emb, params):
    p = params
    lnstack = jnp.stack([p['ln1_g'], p['ln1_b'], p['ln2_g'], p['ln2_b'],
                         p['ln3_g'], p['ln3_b'], p['ln4_g'], p['ln4_b'],
                         p['ln5_g'], p['ln5_b']])
    sw = jnp.concatenate([
        p['simp_w'].T, p['simn_w'].T,
        jnp.broadcast_to(p['simp_b'].reshape(1, 1), (1, D)),
        jnp.broadcast_to(p['simn_b'].reshape(1, 1), (1, D)),
    ], axis=0)

    nd_f = jax.ShapeDtypeStruct((B, N, D), jnp.float32)
    fbn2, fbn3 = pl.pallas_call(
        _k0_body,
        grid=(B, NRB),
        in_specs=[pl.BlockSpec((1, RB, D), lambda b, r: (b, r, 0)),
                  _const((10, D), 2)],
        out_specs=[pl.BlockSpec((1, RB, D), lambda b, r: (b, r, 0))] * 2,
        out_shape=[nd_f] * 2,
        compiler_params=_cp(),
    )(x, lnstack)

    rowf = jax.ShapeDtypeStruct((B, 1, N), jnp.float32)
    rowi = jax.ShapeDtypeStruct((B, 1, KQ), jnp.int32)
    psim, nsim, gidx, lidx, wsel = pl.pallas_call(
        _k1_body,
        grid=(B,),
        in_specs=[pl.BlockSpec((1, N, D), lambda b: (b, 0, 0)),
                  _row_spec(), _const((4, D))],
        out_specs=[_row_spec(), _row_spec(),
                   pl.BlockSpec((1, 1, KQ), lambda b: (b, 0, 0)),
                   pl.BlockSpec((1, 1, KQ), lambda b: (b, 0, 0)),
                   pl.BlockSpec((1, KQ, 1), lambda b: (b, 0, 0))],
        out_shape=[rowf, rowf, rowi, rowi,
                   jax.ShapeDtypeStruct((B, KQ, 1), jnp.float32)],
        compiler_params=_cp(),
    )(x, mask.reshape(B, 1, N), sw)

    xg, peg = _sc_gather(x.reshape(B * N, D), pos_emb.reshape(N, D),
                         gidx.reshape(TOT), lidx.reshape(TOT))
    xg = xg.reshape(B, KQ, D)
    peg = peg.reshape(B, KQ, D)

    query = pl.pallas_call(
        _k2_body,
        grid=(B,),
        in_specs=[pl.BlockSpec((1, KQ, D), lambda b: (b, 0, 0)),
                  pl.BlockSpec((1, KQ, D), lambda b: (b, 0, 0)),
                  pl.BlockSpec((1, KQ, 1), lambda b: (b, 0, 0)),
                  _const((D, D)), _const((D, D)), _const((D, D)),
                  _const((D, D)), _const((D, D))],
        out_specs=pl.BlockSpec((1, KQ, D), lambda b: (b, 0, 0)),
        out_shape=jax.ShapeDtypeStruct((B, KQ, D), jnp.float32),
        compiler_params=_cp(),
    )(xg, peg, wsel,
      p['adj_w'], p['gnnp_w1'], p['gnnp_w2'], p['gnnn_w1'], p['gnnn_w2'])

    query2 = pl.pallas_call(
        _k3_body,
        grid=(B, NCH),
        in_specs=[pl.BlockSpec((1, KQ, D), lambda b, c: (b, 0, 0)),
                  pl.BlockSpec((1, CH, D), lambda b, c: (b, c, 0)),
                  _const((10, D), 2),
                  _const((H, D, HD), 2), _const((H, D, HD), 2),
                  _const((H, D, HD), 2),
                  _const((H, HD, D), 2), _const((1, D), 2), _const((1, D), 2)],
        out_specs=pl.BlockSpec((1, KQ, D), lambda b, c: (b, 0, 0)),
        out_shape=jax.ShapeDtypeStruct((B, KQ, D), jnp.float32),
        scratch_shapes=[pltpu.VMEM((H, KQ, HD), jnp.float32),
                        pltpu.VMEM((H, KQ, HD), jnp.float32),
                        pltpu.VMEM((2, H, KQ, LANES), jnp.float32)],
        compiler_params=_cp(),
    )(query, fbn2, lnstack,
      _heads(p['i2q_wq']), _heads(p['i2q_wk']), _heads(p['i2q_wv']),
      p['i2q_wo'].reshape(H, HD, D), p['i2q_bo'].reshape(1, D),
      p['g_i2t'].reshape(1, D))

    kq, vq = pl.pallas_call(
        _k3b_body,
        grid=(B,),
        in_specs=[pl.BlockSpec((1, KQ, D), lambda b: (b, 0, 0)),
                  _const((10, D)),
                  _const((H, D, HD)), _const((H, D, HD))],
        out_specs=[pl.BlockSpec((1, H, KQ, HD), lambda b: (b, 0, 0, 0))] * 2,
        out_shape=[jax.ShapeDtypeStruct((B, H, KQ, HD), jnp.float32)] * 2,
        compiler_params=_cp(),
    )(query2, lnstack, _heads(p['q2i_wk']), _heads(p['q2i_wv']))

    xo = pl.pallas_call(
        _k4_body,
        grid=(B, NRB),
        in_specs=[pl.BlockSpec((1, RB, D), lambda b, r: (b, r, 0)),
                  pl.BlockSpec((1, RB, D), lambda b, r: (b, r, 0)),
                  pl.BlockSpec((1, H, KQ, HD), lambda b, r: (b, 0, 0, 0)),
                  pl.BlockSpec((1, H, KQ, HD), lambda b, r: (b, 0, 0, 0)),
                  _const((10, D), 2),
                  _const((H, D, HD), 2), _const((H, HD, D), 2),
                  _const((1, D), 2), _const((1, D), 2),
                  _const((D, D), 2), _const((1, D), 2)],
        out_specs=pl.BlockSpec((1, 1, RB, D), lambda b, r: (b, 0, r, 0)),
        out_shape=jax.ShapeDtypeStruct((B, 1, N, D), jnp.float32),
        compiler_params=_cp(),
    )(x, fbn3, kq, vq, lnstack,
      _heads(p['q2i_wq']), p['q2i_wo'].reshape(H, HD, D),
      p['q2i_bo'].reshape(1, D), p['g_t2i'].reshape(1, D),
      p['mlp_w'], p['mlp_b'].reshape(1, D))

    return xo, psim.reshape(B, N), nsim.reshape(B, N)

# --- scband reference (transcript-rebuilt; emitter-appended) ---
"""Pipeline reference for scband-gcnfusion-block-54065048322217 (READ-ONLY COPY).

The authoritative reference and input builder live on the scoring server;
editing this copy changes nothing except your own understanding.
"""

import jax, jax.numpy as jnp
import numpy as np

B, N, D = 4, 4096, 768
H = 4
HD = D // H
KP = N // 16
KN = N // 32


def _w(k, shape):
    return jax.random.normal(k, shape, jnp.float32) * 0.02


def setup_inputs(seed: int = 0) -> dict:
    key = jax.random.key(seed)
    ks = jax.random.split(key, 32)
    x = jax.random.normal(ks[0], (B, N, D), jnp.float32)
    mask = jax.random.randint(ks[1], (B, N), 0, 3) - 1  # values in {-1, 0, 1}
    pos_emb = jax.random.normal(ks[2], (1, N, D), jnp.float32)
    p = {}
    p['simp_w'] = _w(ks[3], (D, 1)); p['simp_b'] = jnp.zeros((1,), jnp.float32)
    p['simn_w'] = _w(ks[4], (D, 1)); p['simn_b'] = jnp.zeros((1,), jnp.float32)
    p['adj_w'] = _w(ks[5], (D, D))
    p['gnnp_w1'] = _w(ks[6], (D, D)); p['gnnp_w2'] = _w(ks[7], (D, D))
    p['gnnn_w1'] = _w(ks[8], (D, D)); p['gnnn_w2'] = _w(ks[9], (D, D))
    for i in range(1, 6):
        p['ln%d_g' % i] = jnp.ones((D,), jnp.float32)
        p['ln%d_b' % i] = jnp.zeros((D,), jnp.float32)
    kidx = 10
    for pre in ['i2q', 'q2i']:
        for nm in ['wq', 'wk', 'wv', 'wo']:
            p[pre + '_' + nm] = _w(ks[kidx], (D, D)); kidx += 1
        p[pre + '_bo'] = jnp.zeros((D,), jnp.float32)
    p['mlp_w'] = _w(ks[kidx], (D, D)); kidx += 1
    p['mlp_b'] = jnp.zeros((D,), jnp.float32)
    p['g_i2t'] = jax.random.normal(ks[kidx], (1, 1, D), jnp.float32); kidx += 1
    p['g_t2i'] = jax.random.normal(ks[kidx], (1, 1, D), jnp.float32)
    return {'x': x, 'mask': mask, 'pos_emb': pos_emb, 'params': p}


def _ln(x, g, b):
    mu = x.mean(-1, keepdims=True)
    var = ((x - mu) ** 2).mean(-1, keepdims=True)
    return (x - mu) / jnp.sqrt(var + 1e-5) * g + b


def _xattn(p, pre, xq, xkv):
    Lq = xq.shape[1]; Lk = xkv.shape[1]
    q = (xq @ p[pre + '_wq']).reshape(1, Lq, H, HD).transpose(0, 2, 1, 3)
    k = (xkv @ p[pre + '_wk']).reshape(1, Lk, H, HD).transpose(0, 2, 1, 3)
    v = (xkv @ p[pre + '_wv']).reshape(1, Lk, H, HD).transpose(0, 2, 1, 3)
    attn = jax.nn.softmax((q @ k.transpose(0, 1, 3, 2)) * (HD ** -0.5), axis=-1)
    out = (attn @ v).transpose(0, 2, 1, 3).reshape(1, Lq, D)
    return out @ p[pre + '_wo'] + p[pre + '_bo']


def _gcn(nodes, adj, w1, w2):
    h = jnp.maximum(adj @ (nodes @ w1), 0.0)
    return adj @ (h @ w2)


def _forward(x, pos_emb, params, mask):
    pm = (mask[..., None] == 1).astype(jnp.float32)
    nmk = (mask[..., None] == -1).astype(jnp.float32)
    pos_query = (x * pm).sum(1, keepdims=True) / (pm.sum(1, keepdims=True) + 1e-6)
    neg_query = (x * nmk).sum(1, keepdims=True) / (nmk.sum(1, keepdims=True) + 1e-6)
    pos_sim = jax.nn.sigmoid(((x * pos_query) @ params['simp_w'] + params['simp_b'])[..., 0])
    neg_sim = jax.nn.sigmoid(((x * neg_query) @ params['simn_w'] + params['simn_b'])[..., 0])
    w_p, idx_p = jax.lax.top_k(pos_sim, KP)
    w_n, idx_n = jax.lax.top_k(neg_sim, KN)

    def batch_forward(ip, wp, inn, wn, feat):
        node_p = feat[ip] * (wp > 0.6).astype(jnp.float32)[:, None]
        a_p = jax.nn.softmax((node_p @ params['adj_w']) @ node_p.T / np.sqrt(D), axis=-1)
        query_p = _gcn(node_p, a_p, params['gnnp_w1'], params['gnnp_w2']) + pos_emb[0, ip]
        node_n = feat[inn] * (wn > 0.6).astype(jnp.float32)[:, None]
        a_n = jax.nn.softmax((node_n @ params['adj_w']) @ node_n.T / np.sqrt(D), axis=-1)
        query_n = _gcn(node_n, a_n, params['gnnn_w1'], params['gnnn_w2']) + pos_emb[0, inn]
        fb = feat[None]
        query = jnp.concatenate([query_p, query_n], axis=0)[None]
        query = query + params['g_i2t'] * _xattn(params, 'i2q', _ln(query, params['ln1_g'], params['ln1_b']), _ln(fb, params['ln2_g'], params['ln2_b']))
        fb = fb + params['g_t2i'] * _xattn(params, 'q2i', _ln(fb, params['ln3_g'], params['ln3_b']), _ln(query, params['ln4_g'], params['ln4_b']))
        fb = fb + _ln(fb, params['ln5_g'], params['ln5_b']) @ params['mlp_w'] + params['mlp_b']
        return fb

    xo = jax.vmap(batch_forward)(idx_p, w_p, idx_n, w_n, x)
    return xo, pos_sim, neg_sim


def reference(x, mask, pos_emb, params):
    return _forward(x, pos_emb, params, mask)

if __name__ == "__main__":
    import jax
    _d = setup_inputs()
    print(jax.jit(kernel)(*tuple(_d.values())))

</pallas_src>

<mosaic_0001>
#map = affine_map<(d0, d1) -> (0, 0)>
#map1 = affine_map<(d0, d1) -> (0)>
module attributes {stable_mosaic.version = 14 : i64} {
  func.func @k(%arg0: i32, %arg1: i32, %arg2: memref<16384x768xf32, #tpu.memory_space<hbm>>, %arg3: memref<4096x768xf32, #tpu.memory_space<hbm>>, %arg4: memref<1536xi32, #tpu.memory_space<hbm>>, %arg5: memref<1536xi32, #tpu.memory_space<hbm>>, %arg6: memref<1536x768xf32, #tpu.memory_space<hbm>>, %arg7: memref<1536x768xf32, #tpu.memory_space<hbm>>, %arg8: memref<48xi32, #tpu.memory_space<vmem>>, %arg9: memref<48x768xf32, #tpu.memory_space<vmem>>, %arg10: memref<48xi32, #tpu.memory_space<vmem>>, %arg11: memref<48x768xf32, #tpu.memory_space<vmem>>, %arg12: memref<!tpu.dma_semaphore, #tpu.memory_space<semaphore_mem>>, %arg13: memref<!tpu.dma_semaphore, #tpu.memory_space<semaphore_mem>>) attributes {dimension_semantics = [#tpu.dimension_semantics<core_parallel>, #tpu.dimension_semantics<subcore_parallel>], iteration_bounds = array<i64: 2, 16>, scalar_prefetch = 0 : i64, scratch_operands = 6 : i64, tpu.core_type = #tpu.core_type<sc_vector_subcore>, window_params = [{transform_indices = #map}, {transform_indices = #map}, {transform_indices = #map1}, {transform_indices = #map1}, {transform_indices = #map}, {transform_indices = #map}]} {
    %mul3A = arith.constant 2 : i32
    %mul3A_0 = arith.muli %arg1, %mul3A : i32
    %add3A = arith.addi %mul3A_0, %arg0 : i32
    %mul3A_1 = arith.constant 48 : i32
    %mul3A_2 = arith.muli %add3A, %mul3A_1 : i32
    "tpu.region"() ({
      %run_scoped3A = tpu.sem_alloc : memref<!tpu.dma_semaphore, #tpu.memory_space<semaphore_mem>>
      %dma_start3A_13 = tpu.memref_slice %arg4[%mul3A_2] : memref<1536xi32, #tpu.memory_space<hbm>> -> memref<48xi32, #tpu.memory_space<hbm>>
      %dma_start3A_14 = tpu.memref_slice %arg4[%mul3A_2] : memref<1536xi32, #tpu.memory_space<hbm>> -> memref<48xi32, #tpu.memory_space<hbm>>
      tpu.enqueue_dma source(%dma_start3A_14 : memref<48xi32, #tpu.memory_space<hbm>>) target(%arg8 : memref<48xi32, #tpu.memory_space<vmem>>) target_semaphore(%run_scoped3A : memref<!tpu.dma_semaphore, #tpu.memory_space<semaphore_mem>>)
      %dma_wait3A_15 = tpu.memref_slice %arg4[%mul3A_2] : memref<1536xi32, #tpu.memory_space<hbm>> -> memref<48xi32, #tpu.memory_space<hbm>>
      %dma_wait3A_16 = tpu.memref_slice %arg4[%mul3A_2] : memref<1536xi32, #tpu.memory_space<hbm>> -> memref<48xi32, #tpu.memory_space<hbm>>
      tpu.wait_dma2 semaphore(%run_scoped3A : memref<!tpu.dma_semaphore, #tpu.memory_space<semaphore_mem>>) src(%dma_wait3A_16 : memref<48xi32, #tpu.memory_space<hbm>>) dst(%arg8 : memref<48xi32, #tpu.memory_space<vmem>>)
      tpu.yield
    }) : () -> ()
    "tpu.region"() ({
      %run_scoped3A = tpu.sem_alloc : memref<!tpu.dma_semaphore, #tpu.memory_space<semaphore_mem>>
      %dma_start3A_13 = tpu.memref_slice %arg5[%mul3A_2] : memref<1536xi32, #tpu.memory_space<hbm>> -> memref<48xi32, #tpu.memory_space<hbm>>
      %dma_start3A_14 = tpu.memref_slice %arg5[%mul3A_2] : memref<1536xi32, #tpu.memory_space<hbm>> -> memref<48xi32, #tpu.memory_space<hbm>>
      tpu.enqueue_dma source(%dma_start3A_14 : memref<48xi32, #tpu.memory_space<hbm>>) target(%arg10 : memref<48xi32, #tpu.memory_space<vmem>>) target_semaphore(%run_scoped3A : memref<!tpu.dma_semaphore, #tpu.memory_space<semaphore_mem>>)
      %dma_wait3A_15 = tpu.memref_slice %arg5[%mul3A_2] : memref<1536xi32, #tpu.memory_space<hbm>> -> memref<48xi32, #tpu.memory_space<hbm>>
      %dma_wait3A_16 = tpu.memref_slice %arg5[%mul3A_2] : memref<1536xi32, #tpu.memory_space<hbm>> -> memref<48xi32, #tpu.memory_space<hbm>>
      tpu.wait_dma2 semaphore(%run_scoped3A : memref<!tpu.dma_semaphore, #tpu.memory_space<semaphore_mem>>) src(%dma_wait3A_16 : memref<48xi32, #tpu.memory_space<hbm>>) dst(%arg10 : memref<48xi32, #tpu.memory_space<vmem>>)
      tpu.yield
    }) : () -> ()
    %dma_start3A = arith.constant 0 : i32
    %dma_start3A_3 = arith.constant 0 : i32
    %dma_start3A_4 = tpu.memref_slice %arg2[%dma_start3A, %dma_start3A_3] : memref<16384x768xf32, #tpu.memory_space<hbm>> -> memref<16384x768xf32, #tpu.memory_space<hbm>>
    tpu.enqueue_indirect_dma source(%dma_start3A_4 : memref<16384x768xf32, #tpu.memory_space<hbm>>) target(%arg9 : memref<48x768xf32, #tpu.memory_space<vmem>>) offsets(%arg8 : memref<48xi32, #tpu.memory_space<vmem>>) semaphore(%arg12 : memref<!tpu.dma_semaphore, #tpu.memory_space<semaphore_mem>>)
    %dma_start3A_5 = arith.constant 0 : i32
    %dma_start3A_6 = arith.constant 0 : i32
    %dma_start3A_7 = tpu.memref_slice %arg3[%dma_start3A_5, %dma_start3A_6] : memref<4096x768xf32, #tpu.memory_space<hbm>> -> memref<4096x768xf32, #tpu.memory_space<hbm>>
    tpu.enqueue_indirect_dma source(%dma_start3A_7 : memref<4096x768xf32, #tpu.memory_space<hbm>>) target(%arg11 : memref<48x768xf32, #tpu.memory_space<vmem>>) offsets(%arg10 : memref<48xi32, #tpu.memory_space<vmem>>) semaphore(%arg13 : memref<!tpu.dma_semaphore, #tpu.memory_space<semaphore_mem>>)
    %dma_wait3A = arith.constant 0 : i32
    %dma_wait3A_8 = arith.constant 0 : i32
    %dma_wait3A_9 = tpu.memref_slice %arg2[%dma_wait3A, %dma_wait3A_8] : memref<16384x768xf32, #tpu.memory_space<hbm>> -> memref<16384x768xf32, #tpu.memory_space<hbm>>
    tpu.wait_indirect_dma semaphore(%arg12 : memref<!tpu.dma_semaphore, #tpu.memory_space<semaphore_mem>>) src(%dma_wait3A_9 : memref<16384x768xf32, #tpu.memory_space<hbm>>) dst(%arg9 : memref<48x768xf32, #tpu.memory_space<vmem>>)
    %dma_wait3A_10 = arith.constant 0 : i32
    %dma_wait3A_11 = arith.constant 0 : i32
    %dma_wait3A_12 = tpu.memref_slice %arg3[%dma_wait3A_10, %dma_wait3A_11] : memref<4096x768xf32, #tpu.memory_space<hbm>> -> memref<4096x768xf32, #tpu.memory_space<hbm>>
    tpu.wait_indirect_dma semaphore(%arg13 : memref<!tpu.dma_semaphore, #tpu.memory_space<semaphore_mem>>) src(%dma_wait3A_12 : memref<4096x768xf32, #tpu.memory_space<hbm>>) dst(%arg11 : memref<48x768xf32, #tpu.memory_space<vmem>>)
    "tpu.region"() ({
      %run_scoped3A = tpu.sem_alloc : memref<!tpu.dma_semaphore, #tpu.memory_space<semaphore_mem>>
      %dma_start3A_13 = arith.constant 0 : i32
      %dma_start3A_14 = tpu.memref_slice %arg6[%mul3A_2, %dma_start3A_13] : memref<1536x768xf32, #tpu.memory_space<hbm>> -> memref<48x768xf32, #tpu.memory_space<hbm>>
      %dma_start3A_15 = arith.constant 0 : i32
      %dma_start3A_16 = tpu.memref_slice %arg6[%mul3A_2, %dma_start3A_15] : memref<1536x768xf32, #tpu.memory_space<hbm>> -> memref<48x768xf32, #tpu.memory_space<hbm>>
      tpu.enqueue_dma source(%arg9 : memref<48x768xf32, #tpu.memory_space<vmem>>) target(%dma_start3A_16 : memref<48x768xf32, #tpu.memory_space<hbm>>) target_semaphore(%run_scoped3A : memref<!tpu.dma_semaphore, #tpu.memory_space<semaphore_mem>>)
      %dma_wait3A_17 = arith.constant 0 : i32
      %dma_wait3A_18 = tpu.memref_slice %arg6[%mul3A_2, %dma_wait3A_17] : memref<1536x768xf32, #tpu.memory_space<hbm>> -> memref<48x768xf32, #tpu.memory_space<hbm>>
      %dma_wait3A_19 = arith.constant 0 : i32
      %dma_wait3A_20 = tpu.memref_slice %arg6[%mul3A_2, %dma_wait3A_19] : memref<1536x768xf32, #tpu.memory_space<hbm>> -> memref<48x768xf32, #tpu.memory_space<hbm>>
      tpu.wait_dma2 semaphore(%run_scoped3A : memref<!tpu.dma_semaphore, #tpu.memory_space<semaphore_mem>>) src(%arg9 : memref<48x768xf32, #tpu.memory_space<vmem>>) dst(%dma_wait3A_20 : memref<48x768xf32, #tpu.memory_space<hbm>>)
      tpu.yield
    }) : () -> ()
    "tpu.region"() ({
      %run_scoped3A = tpu.sem_alloc : memref<!tpu.dma_semaphore, #tpu.memory_space<semaphore_mem>>
      %dma_start3A_13 = arith.constant 0 : i32
      %dma_start3A_14 = tpu.memref_slice %arg7[%mul3A_2, %dma_start3A_13] : memref<1536x768xf32, #tpu.memory_space<hbm>> -> memref<48x768xf32, #tpu.memory_space<hbm>>
      %dma_start3A_15 = arith.constant 0 : i32
      %dma_start3A_16 = tpu.memref_slice %arg7[%mul3A_2, %dma_start3A_15] : memref<1536x768xf32, #tpu.memory_space<hbm>> -> memref<48x768xf32, #tpu.memory_space<hbm>>
      tpu.enqueue_dma source(%arg11 : memref<48x768xf32, #tpu.memory_space<vmem>>) target(%dma_start3A_16 : memref<48x768xf32, #tpu.memory_space<hbm>>) target_semaphore(%run_scoped3A : memref<!tpu.dma_semaphore, #tpu.memory_space<semaphore_mem>>)
      %dma_wait3A_17 = arith.constant 0 : i32
      %dma_wait3A_18 = tpu.memref_slice %arg7[%mul3A_2, %dma_wait3A_17] : memref<1536x768xf32, #tpu.memory_space<hbm>> -> memref<48x768xf32, #tpu.memory_space<hbm>>
      %dma_wait3A_19 = arith.constant 0 : i32
      %dma_wait3A_20 = tpu.memref_slice %arg7[%mul3A_2, %dma_wait3A_19] : memref<1536x768xf32, #tpu.memory_space<hbm>> -> memref<48x768xf32, #tpu.memory_space<hbm>>
      tpu.wait_dma2 semaphore(%run_scoped3A : memref<!tpu.dma_semaphore, #tpu.memory_space<semaphore_mem>>) src(%arg11 : memref<48x768xf32, #tpu.memory_space<vmem>>) dst(%dma_wait3A_20 : memref<48x768xf32, #tpu.memory_space<hbm>>)
      tpu.yield
    }) : () -> ()
    return
  }
}

module attributes {stable_mosaic.version = 14 : i64} {
  func.func @_k0_body(%arg0: i32, %arg1: i32, %arg2: memref<1x1024x768xf32, #tpu.memory_space<vmem>>, %arg3: memref<10x768xf32, #tpu.memory_space<vmem>>, %arg4: memref<1x1024x768xf32, #tpu.memory_space<vmem>>, %arg5: memref<1x1024x768xf32, #tpu.memory_space<vmem>>) attributes {dimension_semantics = [#tpu.dimension_semantics<arbitrary>, #tpu.dimension_semantics<arbitrary>], iteration_bounds = array<i64: 4, 4>, scalar_prefetch = 0 : i64, scratch_operands = 0 : i64, tpu.core_type = #tpu.core_type<tc>, window_params = [{transform_indices = @transform_0, window_bounds = array<i64: 1, 1024, 768>}, {pipeline_mode = #tpu.pipeline_mode<synchronous>, transform_indices = @transform_1, window_bounds = array<i64: 10, 768>}, {transform_indices = @transform_2, window_bounds = array<i64: 1, 1024, 768>}, {transform_indices = @transform_3, window_bounds = array<i64: 1, 1024, 768>}]} {
    %get3A = arith.constant 0 : index
    %get3A_0 = arith.constant 0 : index
    %get3A_1 = arith.constant 0 : index
    %get3A_2 = vector.load %arg2[%get3A, %get3A_0, %get3A_1] : memref<1x1024x768xf32, #tpu.memory_space<vmem>>, vector<1x1024x768xf32>
    %get3A_3 = vector.shape_cast %get3A_2 : vector<1x1024x768xf32> to vector<1024x768xf32>
    %get3A_4 = arith.constant 0 : index
    %get3A_5 = arith.constant 0 : index
    %get3A_6 = vector.load %arg3[%get3A_4, %get3A_5] : memref<10x768xf32, #tpu.memory_space<vmem>>, vector<10x768xf32>
    %slice3A = vector.extract_strided_slice %get3A_6 {offsets = [2, 0], sizes = [1, 768], strides = [1, 1]} : vector<10x768xf32> to vector<1x768xf32>
    %slice3A_7 = vector.extract_strided_slice %get3A_6 {offsets = [3, 0], sizes = [1, 768], strides = [1, 1]} : vector<10x768xf32> to vector<1x768xf32>
    %reduce_sum3A = arith.constant dense<0.000000e+00> : vector<1024xf32>
    %reduce_sum3A_8 = vector.multi_reduction <add>, %get3A_3, %reduce_sum3A [1] : vector<1024x768xf32> to vector<1024xf32>
    %broadcast_in_dim3A = vector.shape_cast %reduce_sum3A_8 : vector<1024xf32> to vector<1024x1xf32>
    %div3A = arith.constant 7.680000e+02 : f32
    %div3A_9 = vector.broadcast %div3A : f32 to vector<1024x1xf32>
    %div3A_10 = arith.divf %broadcast_in_dim3A, %div3A_9 : vector<1024x1xf32>
    %sub3A = vector.broadcast %div3A_10 : vector<1024x1xf32> to vector<1024x768xf32>
    %sub3A_11 = arith.subf %get3A_3, %sub3A : vector<1024x768xf32>
    %integer_pow3A = arith.mulf %sub3A_11, %sub3A_11 : vector<1024x768xf32>
    %reduce_sum3A_12 = arith.constant dense<0.000000e+00> : vector<1024xf32>
    %reduce_sum3A_13 = vector.multi_reduction <add>, %integer_pow3A, %reduce_sum3A_12 [1] : vector<1024x768xf32> to vector<1024xf32>
    %broadcast_in_dim3A_14 = vector.shape_cast %reduce_sum3A_13 : vector<1024xf32> to vector<1024x1xf32>
    %div3A_15 = arith.constant 7.680000e+02 : f32
    %div3A_16 = vector.broadcast %div3A_15 : f32 to vector<1024x1xf32>
    %div3A_17 = arith.divf %broadcast_in_dim3A_14, %div3A_16 : vector<1024x1xf32>
    %sub3A_18 = vector.broadcast %div3A_10 : vector<1024x1xf32> to vector<1024x768xf32>
    %sub3A_19 = arith.subf %get3A_3, %sub3A_18 : vector<1024x768xf32>
    %add3A = arith.constant 9.99999974E-6 : f32
    %add3A_20 = vector.broadcast %add3A : f32 to vector<1024x1xf32>
    %add3A_21 = arith.addf %div3A_17, %add3A_20 : vector<1024x1xf32>
    %sqrt3A = math.sqrt %add3A_21 : vector<1024x1xf32>
    %div3A_22 = vector.broadcast %sqrt3A : vector<1024x1xf32> to vector<1024x768xf32>
    %div3A_23 = arith.divf %sub3A_19, %div3A_22 : vector<1024x768xf32>
    %mul3A = vector.broadcast %slice3A : vector<1x768xf32> to vector<1024x768xf32>
    %mul3A_24 = arith.mulf %div3A_23, %mul3A : vector<1024x768xf32>
    %add3A_25 = vector.broadcast %slice3A_7 : vector<1x768xf32> to vector<1024x768xf32>
    %add3A_26 = arith.addf %mul3A_24, %add3A_25 : vector<1024x768xf32>
    %swap3A = arith.constant 0 : index
    %swap3A_27 = arith.constant 0 : index
    %swap3A_28 = arith.constant 0 : index
    %swap3A_29 = vector.load %arg4[%swap3A, %swap3A_27, %swap3A_28] : memref<1x1024x768xf32, #tpu.memory_space<vmem>>, vector<1x1024x768xf32>
    %swap3A_30 = vector.shape_cast %swap3A_29 : vector<1x1024x768xf32> to vector<1024x768xf32>
    %swap3A_31 = vector.shape_cast %add3A_26 : vector<1024x768xf32> to vector<1x1024x768xf32>
    tpu.vector_store %arg4[%swap3A, %swap3A_27, %swap3A_28], %swap3A_31 {strides = array<i32>} : memref<1x1024x768xf32, #tpu.memory_space<vmem>>, vector<1x1024x768xf32>,
    %slice3A_32 = vector.extract_strided_slice %get3A_6 {offsets = [4, 0], sizes = [1, 768], strides = [1, 1]} : vector<10x768xf32> to vector<1x768xf32>
    %slice3A_33 = vector.extract_strided_slice %get3A_6 {offsets = [5, 0], sizes = [1, 768], strides = [1, 1]} : vector<10x768xf32> to vector<1x768xf32>
    %reduce_sum3A_34 = arith.constant dense<0.000000e+00> : vector<1024xf32>
    %reduce_sum3A_35 = vector.multi_reduction <add>, %get3A_3, %reduce_sum3A_34 [1] : vector<1024x768xf32> to vector<1024xf32>
    %broadcast_in_dim3A_36 = vector.shape_cast %reduce_sum3A_35 : vector<1024xf32> to vector<1024x1xf32>
    %div3A_37 = arith.constant 7.680000e+02 : f32
    %div3A_38 = vector.broadcast %div3A_37 : f32 to vector<1024x1xf32>
    %div3A_39 = arith.divf %broadcast_in_dim3A_36, %div3A_38 : vector<1024x1xf32>
    %sub3A_40 = vector.broadcast %div3A_39 : vector<1024x1xf32> to vector<1024x768xf32>
    %sub3A_41 = arith.subf %get3A_3, %sub3A_40 : vector<1024x768xf32>
    %integer_pow3A_42 = arith.mulf %sub3A_41, %sub3A_41 : vector<1024x768xf32>
    %reduce_sum3A_43 = arith.constant dense<0.000000e+00> : vector<1024xf32>
    %reduce_sum3A_44 = vector.multi_reduction <add>, %integer_pow3A_42, %reduce_sum3A_43 [1] : vector<1024x768xf32> to vector<1024xf32>
    %broadcast_in_dim3A_45 = vector.shape_cast %reduce_sum3A_44 : vector<1024xf32> to vector<1024x1xf32>
    %div3A_46 = arith.constant 7.680000e+02 : f32
    %div3A_47 = vector.broadcast %div3A_46 : f32 to vector<1024x1xf32>
    %div3A_48 = arith.divf %broadcast_in_dim3A_45, %div3A_47 : vector<1024x1xf32>
    %sub3A_49 = vector.broadcast %div3A_39 : vector<1024x1xf32> to vector<1024x768xf32>
    %sub3A_50 = arith.subf %get3A_3, %sub3A_49 : vector<1024x768xf32>
    %add3A_51 = arith.constant 9.99999974E-6 : f32
    %add3A_52 = vector.broadcast %add3A_51 : f32 to vector<1024x1xf32>
    %add3A_53 = arith.addf %div3A_48, %add3A_52 : vector<1024x1xf32>
    %sqrt3A_54 = math.sqrt %add3A_53 : vector<1024x1xf32>
    %div3A_55 = vector.broadcast %sqrt3A_54 : vector<1024x1xf32> to vector<1024x768xf32>
    %div3A_56 = arith.divf %sub3A_50, %div3A_55 : vector<1024x768xf32>
    %mul3A_57 = vector.broadcast %slice3A_32 : vector<1x768xf32> to vector<1024x768xf32>
    %mul3A_58 = arith.mulf %div3A_56, %mul3A_57 : vector<1024x768xf32>
    %add3A_59 = vector.broadcast %slice3A_33 : vector<1x768xf32> to vector<1024x768xf32>
    %add3A_60 = arith.addf %mul3A_58, %add3A_59 : vector<1024x768xf32>
    %swap3A_61 = arith.constant 0 : index
    %swap3A_62 = arith.constant 0 : index
    %swap3A_63 = arith.constant 0 : index
    %swap3A_64 = vector.load %arg5[%swap3A_61, %swap3A_62, %swap3A_63] : memref<1x1024x768xf32, #tpu.memory_space<vmem>>, vector<1x1024x768xf32>
    %swap3A_65 = vector.shape_cast %swap3A_64 : vector<1x1024x768xf32> to vector<1024x768xf32>
    %swap3A_66 = vector.shape_cast %add3A_60 : vector<1024x768xf32> to vector<1x1024x768xf32>
    tpu.vector_store %arg5[%swap3A_61, %swap3A_62, %swap3A_63], %swap3A_66 {strides = array<i32>} : memref<1x1024x768xf32, #tpu.memory_space<vmem>>, vector<1x1024x768xf32>,
    return
  }
  func.func @transform_0(%arg0: i32, %arg1: i32) -> (i32, i32, i32) {
    %c0_i32 = arith.constant 0 : i32
    %c0_i32_0 = arith.constant 0 : i32
    return %arg0, %arg1, %c0_i32 : i32, i32, i32
  }
  func.func @transform_1(%arg0: i32, %arg1: i32) -> (i32, i32) {
    %c0_i32 = arith.constant 0 : i32
    %c0_i32_0 = arith.constant 0 : i32
    %c0_i32_1 = arith.constant 0 : i32
    return %c0_i32, %c0_i32_0 : i32, i32
  }
  func.func @transform_2(%arg0: i32, %arg1: i32) -> (i32, i32, i32) {
    %c0_i32 = arith.constant 0 : i32
    %c0_i32_0 = arith.constant 0 : i32
    return %arg0, %arg1, %c0_i32 : i32, i32, i32
  }
  func.func @transform_3(%arg0: i32, %arg1: i32) -> (i32, i32, i32) {
    %c0_i32 = arith.constant 0 : i32
    %c0_i32_0 = arith.constant 0 : i32
    return %arg0, %arg1, %c0_i32 : i32, i32, i32
  }
}

module attributes {stable_mosaic.version = 14 : i64} {
  func.func @_k1_body(%arg0: i32, %arg1: memref<1x4096x768xf32, #tpu.memory_space<vmem>>, %arg2: memref<1x1x4096xi32, #tpu.memory_space<vmem>>, %arg3: memref<4x768xf32, #tpu.memory_space<vmem>>, %arg4: memref<1x1x4096xf32, #tpu.memory_space<vmem>>, %arg5: memref<1x1x4096xf32, #tpu.memory_space<vmem>>, %arg6: memref<1x1x384xi32, #tpu.memory_space<vmem>>, %arg7: memref<1x1x384xi32, #tpu.memory_space<vmem>>, %arg8: memref<1x384x1xf32, #tpu.memory_space<vmem>>) attributes {dimension_semantics = [#tpu.dimension_semantics<arbitrary>], iteration_bounds = array<i64: 4>, scalar_prefetch = 0 : i64, scratch_operands = 0 : i64, tpu.core_type = #tpu.core_type<tc>, window_params = [{transform_indices = @transform_0, window_bounds = array<i64: 1, 4096, 768>}, {transform_indices = @transform_1, window_bounds = array<i64: 1, 1, 4096>}, {pipeline_mode = #tpu.pipeline_mode<synchronous>, transform_indices = @transform_2, window_bounds = array<i64: 4, 768>}, {transform_indices = @transform_3, window_bounds = array<i64: 1, 1, 4096>}, {transform_indices = @transform_4, window_bounds = array<i64: 1, 1, 4096>}, {transform_indices = @transform_5, window_bounds = array<i64: 1, 1, 384>}, {transform_indices = @transform_6, window_bounds = array<i64: 1, 1, 384>}, {transform_indices = @transform_7, window_bounds = array<i64: 1, 384, 1>}]} {
    %get3A = arith.constant 0 : index
    %get3A_0 = arith.constant 0 : index
    %get3A_1 = arith.constant 0 : index
    %get3A_2 = vector.load %arg2[%get3A, %get3A_0, %get3A_1] : memref<1x1x4096xi32, #tpu.memory_space<vmem>>, vector<1x1x4096xi32>
    %get3A_3 = vector.shape_cast %get3A_2 : vector<1x1x4096xi32> to vector<1x4096xi32>
    %get3A_4 = arith.constant 0 : index
    %get3A_5 = arith.constant 0 : index
    %get3A_6 = vector.load %arg3[%get3A_4, %get3A_5] : memref<4x768xf32, #tpu.memory_space<vmem>>, vector<4x768xf32>
    %iota3A = tpu.iota {dimensions = array<i32: 0>} : vector<2x1xi32>
    %eq3A = arith.constant 0 : i32
    %eq3A_7 = vector.broadcast %eq3A : i32 to vector<2x1xi32>
    %eq3A_8 = arith.cmpi eq, %iota3A, %eq3A_7 : vector<2x1xi32>
    %jit3A = arith.constant 1 : i32
    %jit3A_9 = arith.constant -1 : i32
    %broadcast_in_dim3A = vector.broadcast %jit3A : i32 to vector<2x1xi32>
    %broadcast_in_dim3A_10 = vector.broadcast %jit3A_9 : i32 to vector<2x1xi32>
    %select_n3A = arith.select %eq3A_8, %broadcast_in_dim3A, %broadcast_in_dim3A_10 : vector<2x1xi1>, vector<2x1xi32>
    %eq3A_11 = vector.broadcast %get3A_3 : vector<1x4096xi32> to vector<2x4096xi32>
    %eq3A_12 = vector.broadcast %select_n3A : vector<2x1xi32> to vector<2x4096xi32>
    %eq3A_13 = arith.cmpi eq, %eq3A_11, %eq3A_12 : vector<2x4096xi32>
    %convert_element_type3A = arith.extui %eq3A_13 : vector<2x4096xi1> to vector<2x4096xi32>
    %convert_element_type3A_14 = arith.sitofp %convert_element_type3A : vector<2x4096xi32> to vector<2x4096xf32>
    %broadcast_in_dim3A_15 = arith.constant 0.000000e+00 : f32
    %broadcast_in_dim3A_16 = vector.broadcast %broadcast_in_dim3A_15 : f32 to vector<1x768xf32>
    %broadcast_in_dim3A_17 = arith.constant 0.000000e+00 : f32
    %broadcast_in_dim3A_18 = vector.broadcast %broadcast_in_dim3A_17 : f32 to vector<1x768xf32>
    %get3A_19 = arith.constant 0 : index
    %get3A_20 = arith.constant 0 : index
    %get3A_21 = arith.constant 0 : index
    %get3A_22 = vector.load %arg1[%get3A_19, %get3A_20, %get3A_21] : memref<1x4096x768xf32, #tpu.memory_space<vmem>>, vector<1x1024x768xf32>
    %get3A_23 = vector.shape_cast %get3A_22 : vector<1x1024x768xf32> to vector<1024x768xf32>
    %slice3A = vector.extract_strided_slice %convert_element_type3A_14 {offsets = [0, 0], sizes = [1, 1024], strides = [1, 1]} : vector<2x4096xf32> to vector<1x1024xf32>
    %reshape3A = vector.shape_cast %slice3A : vector<1x1024xf32> to vector<1024x1xf32>
    %mul3A = vector.broadcast %reshape3A : vector<1024x1xf32> to vector<1024x768xf32>
    %mul3A_24 = arith.mulf %get3A_23, %mul3A : vector<1024x768xf32>
    %reduce_sum3A = arith.constant dense<0.000000e+00> : vector<768xf32>
    %reduce_sum3A_25 = vector.multi_reduction <add>, %mul3A_24, %reduce_sum3A [0] : vector<1024x768xf32> to vector<768xf32>
    %broadcast_in_dim3A_26 = vector.shape_cast %reduce_sum3A_25 : vector<768xf32> to vector<1x768xf32>
    %add3A = arith.addf %broadcast_in_dim3A_16, %broadcast_in_dim3A_26 : vector<1x768xf32>
    %slice3A_27 = vector.extract_strided_slice %convert_element_type3A_14 {offsets = [1, 0], sizes = [1, 1024], strides = [1, 1]} : vector<2x4096xf32> to vector<1x1024xf32>
    %reshape3A_28 = vector.shape_cast %slice3A_27 : vector<1x1024xf32> to vector<1024x1xf32>
    %mul3A_29 = vector.broadcast %reshape3A_28 : vector<1024x1xf32> to vector<1024x768xf32>
    %mul3A_30 = arith.mulf %get3A_23, %mul3A_29 : vector<1024x768xf32>
    %reduce_sum3A_31 = arith.constant dense<0.000000e+00> : vector<768xf32>
    %reduce_sum3A_32 = vector.multi_reduction <add>, %mul3A_30, %reduce_sum3A_31 [0] : vector<1024x768xf32> to vector<768xf32>
    %broadcast_in_dim3A_33 = vector.shape_cast %reduce_sum3A_32 : vector<768xf32> to vector<1x768xf32>
    %add3A_34 = arith.addf %broadcast_in_dim3A_18, %broadcast_in_dim3A_33 : vector<1x768xf32>
    %get3A_35 = arith.constant 0 : index
    %get3A_36 = arith.constant 1024 : index
    %get3A_37 = arith.constant 0 : index
    %get3A_38 = vector.load %arg1[%get3A_35, %get3A_36, %get3A_37] : memref<1x4096x768xf32, #tpu.memory_space<vmem>>, vector<1x1024x768xf32>
    %get3A_39 = vector.shape_cast %get3A_38 : vector<1x1024x768xf32> to vector<1024x768xf32>
    %slice3A_40 = vector.extract_strided_slice %convert_element_type3A_14 {offsets = [0, 1024], sizes = [1, 1024], strides = [1, 1]} : vector<2x4096xf32> to vector<1x1024xf32>
    %reshape3A_41 = vector.shape_cast %slice3A_40 : vector<1x1024xf32> to vector<1024x1xf32>
    %mul3A_42 = vector.broadcast %reshape3A_41 : vector<1024x1xf32> to vector<1024x768xf32>
    %mul3A_43 = arith.mulf %get3A_39, %mul3A_42 : vector<1024x768xf32>
    %reduce_sum3A_44 = arith.constant dense<0.000000e+00> : vector<768xf32>
    %reduce_sum3A_45 = vector.multi_reduction <add>, %mul3A_43, %reduce_sum3A_44 [0] : vector<1024x768xf32> to vector<768xf32>
    %broadcast_in_dim3A_46 = vector.shape_cast %reduce_sum3A_45 : vector<768xf32> to vector<1x768xf32>
    %add3A_47 = arith.addf %add3A, %broadcast_in_dim3A_46 : vector<1x768xf32>
    %slice3A_48 = vector.extract_strided_slice %convert_element_type3A_14 {offsets = [1, 1024], sizes = [1, 1024], strides = [1, 1]} : vector<2x4096xf32> to vector<1x1024xf32>
    %reshape3A_49 = vector.shape_cast %slice3A_48 : vector<1x1024xf32> to vector<1024x1xf32>
    %mul3A_50 = vector.broadcast %reshape3A_49 : vector<1024x1xf32> to vector<1024x768xf32>
    %mul3A_51 = arith.mulf %get3A_39, %mul3A_50 : vector<1024x768xf32>
    %reduce_sum3A_52 = arith.constant dense<0.000000e+00> : vector<768xf32>
    %reduce_sum3A_53 = vector.multi_reduction <add>, %mul3A_51, %reduce_sum3A_52 [0] : vector<1024x768xf32> to vector<768xf32>
    %broadcast_in_dim3A_54 = vector.shape_cast %reduce_sum3A_53 : vector<768xf32> to vector<1x768xf32>
    %add3A_55 = arith.addf %add3A_34, %broadcast_in_dim3A_54 : vector<1x768xf32>
    %get3A_56 = arith.constant 0 : index
    %get3A_57 = arith.constant 2048 : index
    %get3A_58 = arith.constant 0 : index
    %get3A_59 = vector.load %arg1[%get3A_56, %get3A_57, %get3A_58] : memref<1x4096x768xf32, #tpu.memory_space<vmem>>, vector<1x1024x768xf32>
    %get3A_60 = vector.shape_cast %get3A_59 : vector<1x1024x768xf32> to vector<1024x768xf32>
    %slice3A_61 = vector.extract_strided_slice %convert_element_type3A_14 {offsets = [0, 2048], sizes = [1, 1024], strides = [1, 1]} : vector<2x4096xf32> to vector<1x1024xf32>
    %reshape3A_62 = vector.shape_cast %slice3A_61 : vector<1x1024xf32> to vector<1024x1xf32>
    %mul3A_63 = vector.broadcast %reshape3A_62 : vector<1024x1xf32> to vector<1024x768xf32>
    %mul3A_64 = arith.mulf %get3A_60, %mul3A_63 : vector<1024x768xf32>
    %reduce_sum3A_65 = arith.constant dense<0.000000e+00> : vector<768xf32>
    %reduce_sum3A_66 = vector.multi_reduction <add>, %mul3A_64, %reduce_sum3A_65 [0] : vector<1024x768xf32> to vector<768xf32>
    %broadcast_in_dim3A_67 = vector.shape_cast %reduce_sum3A_66 : vector<768xf32> to vector<1x768xf32>
    %add3A_68 = arith.addf %add3A_47, %broadcast_in_dim3A_67 : vector<1x768xf32>
    %slice3A_69 = vector.extract_strided_slice %convert_element_type3A_14 {offsets = [1, 2048], sizes = [1, 1024], strides = [1, 1]} : vector<2x4096xf32> to vector<1x1024xf32>
    %reshape3A_70 = vector.shape_cast %slice3A_69 : vector<1x1024xf32> to vector<1024x1xf32>
    %mul3A_71 = vector.broadcast %reshape3A_70 : vector<1024x1xf32> to vector<1024x768xf32>
    %mul3A_72 = arith.mulf %get3A_60, %mul3A_71 : vector<1024x768xf32>
    %reduce_sum3A_73 = arith.constant dense<0.000000e+00> : vector<768xf32>
    %reduce_sum3A_74 = vector.multi_reduction <add>, %mul3A_72, %reduce_sum3A_73 [0] : vector<1024x768xf32> to vector<768xf32>
    %broadcast_in_dim3A_75 = vector.shape_cast %reduce_sum3A_74 : vector<768xf32> to vector<1x768xf32>
    %add3A_76 = arith.addf %add3A_55, %broadcast_in_dim3A_75 : vector<1x768xf32>
    %get3A_77 = arith.constant 0 : index
    %get3A_78 = arith.constant 3072 : index
    %get3A_79 = arith.constant 0 : index
    %get3A_80 = vector.load %arg1[%get3A_77, %get3A_78, %get3A_79] : memref<1x4096x768xf32, #tpu.memory_space<vmem>>, vector<1x1024x768xf32>
    %get3A_81 = vector.shape_cast %get3A_80 : vector<1x1024x768xf32> to vector<1024x768xf32>
    %slice3A_82 = vector.extract_strided_slice %convert_element_type3A_14 {offsets = [0, 3072], sizes = [1, 1024], strides = [1, 1]} : vector<2x4096xf32> to vector<1x1024xf32>
    %reshape3A_83 = vector.shape_cast %slice3A_82 : vector<1x1024xf32> to vector<1024x1xf32>
    %mul3A_84 = vector.broadcast %reshape3A_83 : vector<1024x1xf32> to vector<1024x768xf32>
    %mul3A_85 = arith.mulf %get3A_81, %mul3A_84 : vector<1024x768xf32>
    %reduce_sum3A_86 = arith.constant dense<0.000000e+00> : vector<768xf32>
    %reduce_sum3A_87 = vector.multi_reduction <add>, %mul3A_85, %reduce_sum3A_86 [0] : vector<1024x768xf32> to vector<768xf32>
    %broadcast_in_dim3A_88 = vector.shape_cast %reduce_sum3A_87 : vector<768xf32> to vector<1x768xf32>
    %add3A_89 = arith.addf %add3A_68, %broadcast_in_dim3A_88 : vector<1x768xf32>
    %slice3A_90 = vector.extract_strided_slice %convert_element_type3A_14 {offsets = [1, 3072], sizes = [1, 1024], strides = [1, 1]} : vector<2x4096xf32> to vector<1x1024xf32>
    %reshape3A_91 = vector.shape_cast %slice3A_90 : vector<1x1024xf32> to vector<1024x1xf32>
    %mul3A_92 = vector.broadcast %reshape3A_91 : vector<1024x1xf32> to vector<1024x768xf32>
    %mul3A_93 = arith.mulf %get3A_81, %mul3A_92 : vector<1024x768xf32>
    %reduce_sum3A_94 = arith.constant dense<0.000000e+00> : vector<768xf32>
    %reduce_sum3A_95 = vector.multi_reduction <add>, %mul3A_93, %reduce_sum3A_94 [0] : vector<1024x768xf32> to vector<768xf32>
    %broadcast_in_dim3A_96 = vector.shape_cast %reduce_sum3A_95 : vector<768xf32> to vector<1x768xf32>
    %add3A_97 = arith.addf %add3A_76, %broadcast_in_dim3A_96 : vector<1x768xf32>
    %reduce_sum3A_98 = arith.constant dense<0.000000e+00> : vector<2xf32>
    %reduce_sum3A_99 = vector.multi_reduction <add>, %convert_element_type3A_14, %reduce_sum3A_98 [1] : vector<2x4096xf32> to vector<2xf32>
    %broadcast_in_dim3A_100 = vector.shape_cast %reduce_sum3A_99 : vector<2xf32> to vector<2x1xf32>
    %slice3A_101 = vector.extract_strided_slice %broadcast_in_dim3A_100 {offsets = [0, 0], sizes = [1, 1], strides = [1, 1]} : vector<2x1xf32> to vector<1x1xf32>
    %squeeze3A = vector.extract %slice3A_101[0, 0] : f32 from vector<1x1xf32>
    %add3A_102 = arith.constant 9.99999997E-7 : f32
    %add3A_103 = arith.addf %squeeze3A, %add3A_102 : f32
    %div3A = vector.broadcast %add3A_103 : f32 to vector<1x768xf32>
    %div3A_104 = arith.divf %add3A_89, %div3A : vector<1x768xf32>
    %slice3A_105 = vector.extract_strided_slice %get3A_6 {offsets = [0, 0], sizes = [1, 768], strides = [1, 1]} : vector<4x768xf32> to vector<1x768xf32>
    %mul3A_106 = arith.mulf %div3A_104, %slice3A_105 : vector<1x768xf32>
    %slice3A_107 = vector.extract_strided_slice %broadcast_in_dim3A_100 {offsets = [1, 0], sizes = [1, 1], strides = [1, 1]} : vector<2x1xf32> to vector<1x1xf32>
    %squeeze3A_108 = vector.extract %slice3A_107[0, 0] : f32 from vector<1x1xf32>
    %add3A_109 = arith.constant 9.99999997E-7 : f32
    %add3A_110 = arith.addf %squeeze3A_108, %add3A_109 : f32
    %div3A_111 = vector.broadcast %add3A_110 : f32 to vector<1x768xf32>
    %div3A_112 = arith.divf %add3A_97, %div3A_111 : vector<1x768xf32>
    %slice3A_113 = vector.extract_strided_slice %get3A_6 {offsets = [1, 0], sizes = [1, 768], strides = [1, 1]} : vector<4x768xf32> to vector<1x768xf32>
    %mul3A_114 = arith.mulf %div3A_112, %slice3A_113 : vector<1x768xf32>
    %get3A_115 = arith.constant 0 : index
    %get3A_116 = arith.constant 0 : index
    %get3A_117 = arith.constant 0 : index
    %get3A_118 = vector.load %arg1[%get3A_115, %get3A_116, %get3A_117] : memref<1x4096x768xf32, #tpu.memory_space<vmem>>, vector<1x1024x768xf32>
    %get3A_119 = vector.shape_cast %get3A_118 : vector<1x1024x768xf32> to vector<1024x768xf32>
    %mul3A_120 = vector.broadcast %mul3A_106 : vector<1x768xf32> to vector<1024x768xf32>
    %mul3A_121 = arith.mulf %get3A_119, %mul3A_120 : vector<1024x768xf32>
    %reduce_sum3A_122 = arith.constant dense<0.000000e+00> : vector<1024xf32>
    %reduce_sum3A_123 = vector.multi_reduction <add>, %mul3A_121, %reduce_sum3A_122 [1] : vector<1024x768xf32> to vector<1024xf32>
    %broadcast_in_dim3A_124 = vector.shape_cast %reduce_sum3A_123 : vector<1024xf32> to vector<1024x1xf32>
    %reshape3A_125 = vector.shape_cast %broadcast_in_dim3A_124 : vector<1024x1xf32> to vector<1x1024xf32>
    %mul3A_126 = vector.broadcast %mul3A_114 : vector<1x768xf32> to vector<1024x768xf32>
    %mul3A_127 = arith.mulf %get3A_119, %mul3A_126 : vector<1024x768xf32>
    %reduce_sum3A_128 = arith.constant dense<0.000000e+00> : vector<1024xf32>
    %reduce_sum3A_129 = vector.multi_reduction <add>, %mul3A_127, %reduce_sum3A_128 [1] : vector<1024x768xf32> to vector<1024xf32>
    %broadcast_in_dim3A_130 = vector.shape_cast %reduce_sum3A_129 : vector<1024xf32> to vector<1024x1xf32>
    %reshape3A_131 = vector.shape_cast %broadcast_in_dim3A_130 : vector<1024x1xf32> to vector<1x1024xf32>
    %get3A_132 = arith.constant 0 : index
    %get3A_133 = arith.constant 1024 : index
    %get3A_134 = arith.constant 0 : index
    %get3A_135 = vector.load %arg1[%get3A_132, %get3A_133, %get3A_134] : memref<1x4096x768xf32, #tpu.memory_space<vmem>>, vector<1x1024x768xf32>
    %get3A_136 = vector.shape_cast %get3A_135 : vector<1x1024x768xf32> to vector<1024x768xf32>
    %mul3A_137 = vector.broadcast %mul3A_106 : vector<1x768xf32> to vector<1024x768xf32>
    %mul3A_138 = arith.mulf %get3A_136, %mul3A_137 : vector<1024x768xf32>
    %reduce_sum3A_139 = arith.constant dense<0.000000e+00> : vector<1024xf32>
    %reduce_sum3A_140 = vector.multi_reduction <add>, %mul3A_138, %reduce_sum3A_139 [1] : vector<1024x768xf32> to vector<1024xf32>
    %broadcast_in_dim3A_141 = vector.shape_cast %reduce_sum3A_140 : vector<1024xf32> to vector<1024x1xf32>
    %reshape3A_142 = vector.shape_cast %broadcast_in_dim3A_141 : vector<1024x1xf32> to vector<1x1024xf32>
    %mul3A_143 = vector.broadcast %mul3A_114 : vector<1x768xf32> to vector<1024x768xf32>
    %mul3A_144 = arith.mulf %get3A_136, %mul3A_143 : vector<1024x768xf32>
    %reduce_sum3A_145 = arith.constant dense<0.000000e+00> : vector<1024xf32>
    %reduce_sum3A_146 = vector.multi_reduction <add>, %mul3A_144, %reduce_sum3A_145 [1] : vector<1024x768xf32> to vector<1024xf32>
    %broadcast_in_dim3A_147 = vector.shape_cast %reduce_sum3A_146 : vector<1024xf32> to vector<1024x1xf32>
    %reshape3A_148 = vector.shape_cast %broadcast_in_dim3A_147 : vector<1024x1xf32> to vector<1x1024xf32>
    %get3A_149 = arith.constant 0 : index
    %get3A_150 = arith.constant 2048 : index
    %get3A_151 = arith.constant 0 : index
    %get3A_152 = vector.load %arg1[%get3A_149, %get3A_150, %get3A_151] : memref<1x4096x768xf32, #tpu.memory_space<vmem>>, vector<1x1024x768xf32>
    %get3A_153 = vector.shape_cast %get3A_152 : vector<1x1024x768xf32> to vector<1024x768xf32>
    %mul3A_154 = vector.broadcast %mul3A_106 : vector<1x768xf32> to vector<1024x768xf32>
    %mul3A_155 = arith.mulf %get3A_153, %mul3A_154 : vector<1024x768xf32>
    %reduce_sum3A_156 = arith.constant dense<0.000000e+00> : vector<1024xf32>
    %reduce_sum3A_157 = vector.multi_reduction <add>, %mul3A_155, %reduce_sum3A_156 [1] : vector<1024x768xf32> to vector<1024xf32>
    %broadcast_in_dim3A_158 = vector.shape_cast %reduce_sum3A_157 : vector<1024xf32> to vector<1024x1xf32>
    %reshape3A_159 = vector.shape_cast %broadcast_in_dim3A_158 : vector<1024x1xf32> to vector<1x1024xf32>
    %mul3A_160 = vector.broadcast %mul3A_114 : vector<1x768xf32> to vector<1024x768xf32>
    %mul3A_161 = arith.mulf %get3A_153, %mul3A_160 : vector<1024x768xf32>
    %reduce_sum3A_162 = arith.constant dense<0.000000e+00> : vector<1024xf32>
    %reduce_sum3A_163 = vector.multi_reduction <add>, %mul3A_161, %reduce_sum3A_162 [1] : vector<1024x768xf32> to vector<1024xf32>
    %broadcast_in_dim3A_164 = vector.shape_cast %reduce_sum3A_163 : vector<1024xf32> to vector<1024x1xf32>
    %reshape3A_165 = vector.shape_cast %broadcast_in_dim3A_164 : vector<1024x1xf32> to vector<1x1024xf32>
    %get3A_166 = arith.constant 0 : index
    %get3A_167 = arith.constant 3072 : index
    %get3A_168 = arith.constant 0 : index
    %get3A_169 = vector.load %arg1[%get3A_166, %get3A_167, %get3A_168] : memref<1x4096x768xf32, #tpu.memory_space<vmem>>, vector<1x1024x768xf32>
    %get3A_170 = vector.shape_cast %get3A_169 : vector<1x1024x768xf32> to vector<1024x768xf32>
    %mul3A_171 = vector.broadcast %mul3A_106 : vector<1x768xf32> to vector<1024x768xf32>
    %mul3A_172 = arith.mulf %get3A_170, %mul3A_171 : vector<1024x768xf32>
    %reduce_sum3A_173 = arith.constant dense<0.000000e+00> : vector<1024xf32>
    %reduce_sum3A_174 = vector.multi_reduction <add>, %mul3A_172, %reduce_sum3A_173 [1] : vector<1024x768xf32> to vector<1024xf32>
    %broadcast_in_dim3A_175 = vector.shape_cast %reduce_sum3A_174 : vector<1024xf32> to vector<1024x1xf32>
    %reshape3A_176 = vector.shape_cast %broadcast_in_dim3A_175 : vector<1024x1xf32> to vector<1x1024xf32>
    %mul3A_177 = vector.broadcast %mul3A_114 : vector<1x768xf32> to vector<1024x768xf32>
    %mul3A_178 = arith.mulf %get3A_170, %mul3A_177 : vector<1024x768xf32>
    %reduce_sum3A_179 = arith.constant dense<0.000000e+00> : vector<1024xf32>
    %reduce_sum3A_180 = vector.multi_reduction <add>, %mul3A_178, %reduce_sum3A_179 [1] : vector<1024x768xf32> to vector<1024xf32>
    %broadcast_in_dim3A_181 = vector.shape_cast %reduce_sum3A_180 : vector<1024xf32> to vector<1024x1xf32>
    %reshape3A_182 = vector.shape_cast %broadcast_in_dim3A_181 : vector<1024x1xf32> to vector<1x1024xf32>
    %concatenate3A = tpu.concatenate %reshape3A_125, %reshape3A_142, %reshape3A_159, %reshape3A_176 in 1 : vector<1x1024xf32>, vector<1x1024xf32>, vector<1x1024xf32>, vector<1x1024xf32> -> vector<1x4096xf32>
    %concatenate3A_183 = tpu.concatenate %reshape3A_131, %reshape3A_148, %reshape3A_165, %reshape3A_182 in 1 : vector<1x1024xf32>, vector<1x1024xf32>, vector<1x1024xf32>, vector<1x1024xf32> -> vector<1x4096xf32>
    %concatenate3A_184 = tpu.concatenate %concatenate3A, %concatenate3A_183 in 0 : vector<1x4096xf32>, vector<1x4096xf32> -> vector<2x4096xf32>
    %slice3A_185 = vector.extract_strided_slice %get3A_6 {offsets = [2, 0], sizes = [1, 1], strides = [1, 1]} : vector<4x768xf32> to vector<1x1xf32>
    %slice3A_186 = vector.extract_strided_slice %get3A_6 {offsets = [3, 0], sizes = [1, 1], strides = [1, 1]} : vector<4x768xf32> to vector<1x1xf32>
    %concatenate3A_187 = tpu.concatenate %slice3A_185, %slice3A_186 in 0 : vector<1x1xf32>, vector<1x1xf32> -> vector<2x1xf32>
    %broadcast_in_dim3A_188 = vector.shape_cast %concatenate3A_187 : vector<2x1xf32> to vector<2x1xf32>
    %broadcast_in_dim3A_189 = vector.broadcast %broadcast_in_dim3A_188 : vector<2x1xf32> to vector<2x4096xf32>
    %add3A_190 = arith.addf %concatenate3A_184, %broadcast_in_dim3A_189 : vector<2x4096xf32>
    %neg3A = arith.constant 0.000000e+00 : f32
    %neg3A_191 = vector.broadcast %neg3A : f32 to vector<2x4096xf32>
    %neg3A_192 = arith.subf %neg3A_191, %add3A_190 : vector<2x4096xf32>
    %exp3A = math.exp %neg3A_192 : vector<2x4096xf32>
    %add3A_193 = arith.constant 1.000000e+00 : f32
    %add3A_194 = vector.broadcast %add3A_193 : f32 to vector<2x4096xf32>
    %add3A_195 = arith.addf %add3A_194, %exp3A : vector<2x4096xf32>
    %div3A_196 = arith.constant 1.000000e+00 : f32
    %div3A_197 = vector.broadcast %div3A_196 : f32 to vector<2x4096xf32>
    %div3A_198 = arith.divf %div3A_197, %add3A_195 : vector<2x4096xf32>
    %slice3A_199 = vector.extract_strided_slice %div3A_198 {offsets = [0, 0], sizes = [1, 4096], strides = [1, 1]} : vector<2x4096xf32> to vector<1x4096xf32>
    %slice3A_200 = vector.extract_strided_slice %div3A_198 {offsets = [1, 0], sizes = [1, 4096], strides = [1, 1]} : vector<2x4096xf32> to vector<1x4096xf32>
    %swap3A = arith.constant 0 : index
    %swap3A_201 = arith.constant 0 : index
    %swap3A_202 = arith.constant 0 : index
    %swap3A_203 = vector.load %arg4[%swap3A, %swap3A_201, %swap3A_202] : memref<1x1x4096xf32, #tpu.memory_space<vmem>>, vector<1x1x4096xf32>
    %swap3A_204 = vector.shape_cast %swap3A_203 : vector<1x1x4096xf32> to vector<1x4096xf32>
    %swap3A_205 = vector.shape_cast %slice3A_199 : vector<1x4096xf32> to vector<1x1x4096xf32>
    tpu.vector_store %arg4[%swap3A, %swap3A_201, %swap3A_202], %swap3A_205 {strides = array<i32>} : memref<1x1x4096xf32, #tpu.memory_space<vmem>>, vector<1x1x4096xf32>,
    %swap3A_206 = arith.constant 0 : index
    %swap3A_207 = arith.constant 0 : index
    %swap3A_208 = arith.constant 0 : index
    %swap3A_209 = vector.load %arg5[%swap3A_206, %swap3A_207, %swap3A_208] : memref<1x1x4096xf32, #tpu.memory_space<vmem>>, vector<1x1x4096xf32>
    %swap3A_210 = vector.shape_cast %swap3A_209 : vector<1x1x4096xf32> to vector<1x4096xf32>
    %swap3A_211 = vector.shape_cast %slice3A_200 : vector<1x4096xf32> to vector<1x1x4096xf32>
    tpu.vector_store %arg5[%swap3A_206, %swap3A_207, %swap3A_208], %swap3A_211 {strides = array<i32>} : memref<1x1x4096xf32, #tpu.memory_space<vmem>>, vector<1x1x4096xf32>,
    %concatenate3A_212 = tpu.concatenate %slice3A_199, %slice3A_200 in 0 : vector<1x4096xf32>, vector<1x4096xf32> -> vector<2x4096xf32>
    %bitcast_convert_type3A = tpu.bitcast %concatenate3A_212 : vector<2x4096xf32> -> vector<2x4096xi32>
    %iota3A_213 = tpu.iota {dimensions = array<i32: 0>} : vector<2x1xi32>
    %eq3A_214 = arith.constant 0 : i32
    %eq3A_215 = vector.broadcast %eq3A_214 : i32 to vector<2x1xi32>
    %eq3A_216 = arith.cmpi eq, %iota3A_213, %eq3A_215 : vector<2x1xi32>
    %jit3A_217 = arith.constant 256 : i32
    %jit3A_218 = arith.constant 128 : i32
    %broadcast_in_dim3A_219 = vector.broadcast %jit3A_217 : i32 to vector<2x1xi32>
    %broadcast_in_dim3A_220 = vector.broadcast %jit3A_218 : i32 to vector<2x1xi32>
    %select_n3A_221 = arith.select %eq3A_216, %broadcast_in_dim3A_219, %broadcast_in_dim3A_220 : vector<2x1xi1>, vector<2x1xi32>
    %broadcast_in_dim3A_222 = arith.constant 0 : i32
    %broadcast_in_dim3A_223 = vector.broadcast %broadcast_in_dim3A_222 : i32 to vector<2x1xi32>
    %broadcast_in_dim3A_224 = arith.constant 1065353217 : i32
    %broadcast_in_dim3A_225 = vector.broadcast %broadcast_in_dim3A_224 : i32 to vector<2x1xi32>
    %scan3A = arith.constant 0 : i32
    %scan3A_226 = arith.constant 31 : i32
    %scan3A_227 = arith.addi %scan3A, %scan3A_226 : i32
    %scan3A_228 = arith.constant 1 : i32
    %scan3A_229:2 = scf.for %scan3A_586 = %scan3A to %scan3A_227 step %scan3A_228 iter_args(%scan3A_587 = %broadcast_in_dim3A_223, %scan3A_588 = %broadcast_in_dim3A_225) -> (vector<2x1xi32>, vector<2x1xi32>)  : i32 {
      %add3A_589 = arith.addi %scan3A_587, %scan3A_588 : vector<2x1xi32>
      %jit3A_590 = arith.constant 2 : i32
      %div3A_591 = vector.broadcast %jit3A_590 : i32 to vector<2x1xi32>
      %div3A_592 = arith.divsi %add3A_589, %div3A_591 : vector<2x1xi32>
      %sign3A = arith.constant 0 : i32
      %sign3A_593 = vector.broadcast %sign3A : i32 to vector<2x1xi32>
      %sign3A_594 = arith.cmpi sgt, %add3A_589, %sign3A_593 : vector<2x1xi32>
      %sign3A_595 = arith.extui %sign3A_594 : vector<2x1xi1> to vector<2x1xi32>
      %sign3A_596 = arith.constant 0 : i32
      %sign3A_597 = vector.broadcast %sign3A_596 : i32 to vector<2x1xi32>
      %sign3A_598 = arith.cmpi slt, %add3A_589, %sign3A_597 : vector<2x1xi32>
      %sign3A_599 = arith.extui %sign3A_598 : vector<2x1xi1> to vector<2x1xi32>
      %sign3A_600 = arith.subi %sign3A_595, %sign3A_599 : vector<2x1xi32>
      %sign3A_601 = arith.constant 0 : i32
      %sign3A_602 = arith.cmpi sgt, %jit3A_590, %sign3A_601 : i32
      %sign3A_603 = arith.extui %sign3A_602 : i1 to i32
      %sign3A_604 = arith.constant 0 : i32
      %sign3A_605 = arith.cmpi slt, %jit3A_590, %sign3A_604 : i32
      %sign3A_606 = arith.extui %sign3A_605 : i1 to i32
      %sign3A_607 = arith.subi %sign3A_603, %sign3A_606 : i32
      %ne3A = vector.broadcast %sign3A_607 : i32 to vector<2x1xi32>
      %ne3A_608 = arith.cmpi ne, %sign3A_600, %ne3A : vector<2x1xi32>
      %rem3A = vector.broadcast %jit3A_590 : i32 to vector<2x1xi32>
      %rem3A_609 = arith.remsi %add3A_589, %rem3A : vector<2x1xi32>
      %ne3A_610 = arith.constant 0 : i32
      %ne3A_611 = vector.broadcast %ne3A_610 : i32 to vector<2x1xi32>
      %ne3A_612 = arith.cmpi ne, %rem3A_609, %ne3A_611 : vector<2x1xi32>
      %and3A_613 = arith.andi %ne3A_608, %ne3A_612 : vector<2x1xi1>
      %sub3A_614 = arith.constant 1 : i32
      %sub3A_615 = vector.broadcast %sub3A_614 : i32 to vector<2x1xi32>
      %sub3A_616 = arith.subi %div3A_592, %sub3A_615 : vector<2x1xi32>
      %select_n3A_617 = arith.select %and3A_613, %sub3A_616, %div3A_592 : vector<2x1xi1>, vector<2x1xi32>
      %ge3A = vector.broadcast %select_n3A_617 : vector<2x1xi32> to vector<2x4096xi32>
      %ge3A_618 = arith.cmpi sge, %bitcast_convert_type3A, %ge3A : vector<2x4096xi32>
      %convert_element_type3A_619 = arith.extui %ge3A_618 : vector<2x4096xi1> to vector<2x4096xi32>
      %reduce_sum3A_620 = arith.constant dense<0> : vector<2xi32>
      %reduce_sum3A_621 = vector.multi_reduction <add>, %convert_element_type3A_619, %reduce_sum3A_620 [1] : vector<2x4096xi32> to vector<2xi32>
      %broadcast_in_dim3A_622 = vector.shape_cast %reduce_sum3A_621 : vector<2xi32> to vector<2x1xi32>
      %ge3A_623 = arith.cmpi sge, %broadcast_in_dim3A_622, %select_n3A_221 : vector<2x1xi32>
      %select_n3A_624 = arith.select %ge3A_623, %select_n3A_617, %scan3A_587 : vector<2x1xi1>, vector<2x1xi32>
      %select_n3A_625 = arith.select %ge3A_623, %scan3A_588, %select_n3A_617 : vector<2x1xi1>, vector<2x1xi32>
      scf.yield %select_n3A_624, %select_n3A_625 : vector<2x1xi32>, vector<2x1xi32>
    }
    %gt3A = vector.broadcast %scan3A_229#0 : vector<2x1xi32> to vector<2x4096xi32>
    %gt3A_230 = arith.cmpi sgt, %bitcast_convert_type3A, %gt3A : vector<2x4096xi32>
    %convert_element_type3A_231 = arith.extui %gt3A_230 : vector<2x4096xi1> to vector<2x4096xi32>
    %reduce_sum3A_232 = arith.constant dense<0> : vector<2xi32>
    %reduce_sum3A_233 = vector.multi_reduction <add>, %convert_element_type3A_231, %reduce_sum3A_232 [1] : vector<2x4096xi32> to vector<2xi32>
    %broadcast_in_dim3A_234 = vector.shape_cast %reduce_sum3A_233 : vector<2xi32> to vector<2x1xi32>
    %eq3A_235 = vector.broadcast %scan3A_229#0 : vector<2x1xi32> to vector<2x4096xi32>
    %eq3A_236 = arith.cmpi eq, %bitcast_convert_type3A, %eq3A_235 : vector<2x4096xi32>
    %convert_element_type3A_237 = arith.extui %eq3A_236 : vector<2x4096xi1> to vector<2x4096xi32>
    %convert_element_type3A_238 = arith.sitofp %convert_element_type3A_237 : vector<2x4096xi32> to vector<2x4096xf32>
    %slice3A_239 = vector.extract_strided_slice %convert_element_type3A_238 {offsets = [0, 0], sizes = [1, 4096], strides = [1, 1]} : vector<2x4096xf32> to vector<1x4096xf32>
    %reshape3A_240 = vector.shape_cast %slice3A_239 : vector<1x4096xf32> to vector<32x128xf32>
    %iota3A_241 = tpu.iota {dimensions = array<i32: 0>} : vector<128x128xi32>
    %iota3A_242 = tpu.iota {dimensions = array<i32: 1>} : vector<128x128xi32>
    %le3A = arith.cmpi sle, %iota3A_241, %iota3A_242 : vector<128x128xi32>
    %convert_element_type3A_243 = arith.extui %le3A : vector<128x128xi1> to vector<128x128xi32>
    %convert_element_type3A_244 = arith.sitofp %convert_element_type3A_243 : vector<128x128xi32> to vector<128x128xf32>
    %dot_general3A = arith.constant dense<0.000000e+00> : vector<32x128xf32>
    %dot_general3A_245 = tpu.matmul %reshape3A_240, %convert_element_type3A_244, %dot_general3A {dimension_numbers = #tpu.dot_dimension_numbers<[1], [0], [0], [1], [0, 0, 1, 1], [], []>, precision = #tpu.contract_precision<fp32>, transpose_lhs_hint = false} : vector<32x128xf32>, vector<128x128xf32>, vector<32x128xf32> -> vector<32x128xf32>
    %reduce_sum3A_246 = arith.constant dense<0.000000e+00> : vector<32xf32>
    %reduce_sum3A_247 = vector.multi_reduction <add>, %reshape3A_240, %reduce_sum3A_246 [1] : vector<32x128xf32> to vector<32xf32>
    %broadcast_in_dim3A_248 = vector.shape_cast %reduce_sum3A_247 : vector<32xf32> to vector<32x1xf32>
    %iota3A_249 = tpu.iota {dimensions = array<i32: 0>} : vector<32x32xi32>
    %iota3A_250 = tpu.iota {dimensions = array<i32: 1>} : vector<32x32xi32>
    %lt3A = arith.cmpi slt, %iota3A_250, %iota3A_249 : vector<32x32xi32>
    %convert_element_type3A_251 = arith.extui %lt3A : vector<32x32xi1> to vector<32x32xi32>
    %convert_element_type3A_252 = arith.sitofp %convert_element_type3A_251 : vector<32x32xi32> to vector<32x32xf32>
    %dot_general3A_253 = arith.constant dense<0.000000e+00> : vector<32x1xf32>
    %dot_general3A_254 = tpu.matmul %convert_element_type3A_252, %broadcast_in_dim3A_248, %dot_general3A_253 {dimension_numbers = #tpu.dot_dimension_numbers<[1], [0], [0], [1], [0, 0, 1, 1], [], []>, precision = #tpu.contract_precision<fp32>, transpose_lhs_hint = false} : vector<32x32xf32>, vector<32x1xf32>, vector<32x1xf32> -> vector<32x1xf32>
    %add3A_255 = vector.broadcast %dot_general3A_254 : vector<32x1xf32> to vector<32x128xf32>
    %add3A_256 = arith.addf %dot_general3A_245, %add3A_255 : vector<32x128xf32>
    %reshape3A_257 = vector.shape_cast %add3A_256 : vector<32x128xf32> to vector<1x4096xf32>
    %slice3A_258 = vector.extract_strided_slice %convert_element_type3A_238 {offsets = [1, 0], sizes = [1, 4096], strides = [1, 1]} : vector<2x4096xf32> to vector<1x4096xf32>
    %reshape3A_259 = vector.shape_cast %slice3A_258 : vector<1x4096xf32> to vector<32x128xf32>
    %iota3A_260 = tpu.iota {dimensions = array<i32: 0>} : vector<128x128xi32>
    %iota3A_261 = tpu.iota {dimensions = array<i32: 1>} : vector<128x128xi32>
    %le3A_262 = arith.cmpi sle, %iota3A_260, %iota3A_261 : vector<128x128xi32>
    %convert_element_type3A_263 = arith.extui %le3A_262 : vector<128x128xi1> to vector<128x128xi32>
    %convert_element_type3A_264 = arith.sitofp %convert_element_type3A_263 : vector<128x128xi32> to vector<128x128xf32>
    %dot_general3A_265 = arith.constant dense<0.000000e+00> : vector<32x128xf32>
    %dot_general3A_266 = tpu.matmul %reshape3A_259, %convert_element_type3A_264, %dot_general3A_265 {dimension_numbers = #tpu.dot_dimension_numbers<[1], [0], [0], [1], [0, 0, 1, 1], [], []>, precision = #tpu.contract_precision<fp32>, transpose_lhs_hint = false} : vector<32x128xf32>, vector<128x128xf32>, vector<32x128xf32> -> vector<32x128xf32>
    %reduce_sum3A_267 = arith.constant dense<0.000000e+00> : vector<32xf32>
    %reduce_sum3A_268 = vector.multi_reduction <add>, %reshape3A_259, %reduce_sum3A_267 [1] : vector<32x128xf32> to vector<32xf32>
    %broadcast_in_dim3A_269 = vector.shape_cast %reduce_sum3A_268 : vector<32xf32> to vector<32x1xf32>
    %iota3A_270 = tpu.iota {dimensions = array<i32: 0>} : vector<32x32xi32>
    %iota3A_271 = tpu.iota {dimensions = array<i32: 1>} : vector<32x32xi32>
    %lt3A_272 = arith.cmpi slt, %iota3A_271, %iota3A_270 : vector<32x32xi32>
    %convert_element_type3A_273 = arith.extui %lt3A_272 : vector<32x32xi1> to vector<32x32xi32>
    %convert_element_type3A_274 = arith.sitofp %convert_element_type3A_273 : vector<32x32xi32> to vector<32x32xf32>
    %dot_general3A_275 = arith.constant dense<0.000000e+00> : vector<32x1xf32>
    %dot_general3A_276 = tpu.matmul %convert_element_type3A_274, %broadcast_in_dim3A_269, %dot_general3A_275 {dimension_numbers = #tpu.dot_dimension_numbers<[1], [0], [0], [1], [0, 0, 1, 1], [], []>, precision = #tpu.contract_precision<fp32>, transpose_lhs_hint = false} : vector<32x32xf32>, vector<32x1xf32>, vector<32x1xf32> -> vector<32x1xf32>
    %add3A_277 = vector.broadcast %dot_general3A_276 : vector<32x1xf32> to vector<32x128xf32>
    %add3A_278 = arith.addf %dot_general3A_266, %add3A_277 : vector<32x128xf32>
    %reshape3A_279 = vector.shape_cast %add3A_278 : vector<32x128xf32> to vector<1x4096xf32>
    %concatenate3A_280 = tpu.concatenate %reshape3A_257, %reshape3A_279 in 0 : vector<1x4096xf32>, vector<1x4096xf32> -> vector<2x4096xf32>
    %sub3A = arith.subi %select_n3A_221, %broadcast_in_dim3A_234 : vector<2x1xi32>
    %convert_element_type3A_281 = arith.sitofp %sub3A : vector<2x1xi32> to vector<2x1xf32>
    %le3A_282 = vector.broadcast %convert_element_type3A_281 : vector<2x1xf32> to vector<2x4096xf32>
    %le3A_283 = arith.cmpf ole, %concatenate3A_280, %le3A_282 : vector<2x4096xf32>
    %and3A = arith.andi %eq3A_236, %le3A_283 : vector<2x4096xi1>
    %or3A = arith.ori %gt3A_230, %and3A : vector<2x4096xi1>
    %convert_element_type3A_284 = arith.extui %or3A : vector<2x4096xi1> to vector<2x4096xi32>
    %convert_element_type3A_285 = arith.sitofp %convert_element_type3A_284 : vector<2x4096xi32> to vector<2x4096xf32>
    %slice3A_286 = vector.extract_strided_slice %convert_element_type3A_285 {offsets = [0, 0], sizes = [1, 4096], strides = [1, 1]} : vector<2x4096xf32> to vector<1x4096xf32>
    %reshape3A_287 = vector.shape_cast %slice3A_286 : vector<1x4096xf32> to vector<32x128xf32>
    %iota3A_288 = tpu.iota {dimensions = array<i32: 0>} : vector<128x128xi32>
    %iota3A_289 = tpu.iota {dimensions = array<i32: 1>} : vector<128x128xi32>
    %le3A_290 = arith.cmpi sle, %iota3A_288, %iota3A_289 : vector<128x128xi32>
    %convert_element_type3A_291 = arith.extui %le3A_290 : vector<128x128xi1> to vector<128x128xi32>
    %convert_element_type3A_292 = arith.sitofp %convert_element_type3A_291 : vector<128x128xi32> to vector<128x128xf32>
    %dot_general3A_293 = arith.constant dense<0.000000e+00> : vector<32x128xf32>
    %dot_general3A_294 = tpu.matmul %reshape3A_287, %convert_element_type3A_292, %dot_general3A_293 {dimension_numbers = #tpu.dot_dimension_numbers<[1], [0], [0], [1], [0, 0, 1, 1], [], []>, precision = #tpu.contract_precision<fp32>, transpose_lhs_hint = false} : vector<32x128xf32>, vector<128x128xf32>, vector<32x128xf32> -> vector<32x128xf32>
    %reduce_sum3A_295 = arith.constant dense<0.000000e+00> : vector<32xf32>
    %reduce_sum3A_296 = vector.multi_reduction <add>, %reshape3A_287, %reduce_sum3A_295 [1] : vector<32x128xf32> to vector<32xf32>
    %broadcast_in_dim3A_297 = vector.shape_cast %reduce_sum3A_296 : vector<32xf32> to vector<32x1xf32>
    %iota3A_298 = tpu.iota {dimensions = array<i32: 0>} : vector<32x32xi32>
    %iota3A_299 = tpu.iota {dimensions = array<i32: 1>} : vector<32x32xi32>
    %lt3A_300 = arith.cmpi slt, %iota3A_299, %iota3A_298 : vector<32x32xi32>
    %convert_element_type3A_301 = arith.extui %lt3A_300 : vector<32x32xi1> to vector<32x32xi32>
    %convert_element_type3A_302 = arith.sitofp %convert_element_type3A_301 : vector<32x32xi32> to vector<32x32xf32>
    %dot_general3A_303 = arith.constant dense<0.000000e+00> : vector<32x1xf32>
    %dot_general3A_304 = tpu.matmul %convert_element_type3A_302, %broadcast_in_dim3A_297, %dot_general3A_303 {dimension_numbers = #tpu.dot_dimension_numbers<[1], [0], [0], [1], [0, 0, 1, 1], [], []>, precision = #tpu.contract_precision<fp32>, transpose_lhs_hint = false} : vector<32x32xf32>, vector<32x1xf32>, vector<32x1xf32> -> vector<32x1xf32>
    %add3A_305 = vector.broadcast %dot_general3A_304 : vector<32x1xf32> to vector<32x128xf32>
    %add3A_306 = arith.addf %dot_general3A_294, %add3A_305 : vector<32x128xf32>
    %reshape3A_307 = vector.shape_cast %add3A_306 : vector<32x128xf32> to vector<1x4096xf32>
    %slice3A_308 = vector.extract_strided_slice %convert_element_type3A_285 {offsets = [1, 0], sizes = [1, 4096], strides = [1, 1]} : vector<2x4096xf32> to vector<1x4096xf32>
    %reshape3A_309 = vector.shape_cast %slice3A_308 : vector<1x4096xf32> to vector<32x128xf32>
    %iota3A_310 = tpu.iota {dimensions = array<i32: 0>} : vector<128x128xi32>
    %iota3A_311 = tpu.iota {dimensions = array<i32: 1>} : vector<128x128xi32>
    %le3A_312 = arith.cmpi sle, %iota3A_310, %iota3A_311 : vector<128x128xi32>
    %convert_element_type3A_313 = arith.extui %le3A_312 : vector<128x128xi1> to vector<128x128xi32>
    %convert_element_type3A_314 = arith.sitofp %convert_element_type3A_313 : vector<128x128xi32> to vector<128x128xf32>
    %dot_general3A_315 = arith.constant dense<0.000000e+00> : vector<32x128xf32>
    %dot_general3A_316 = tpu.matmul %reshape3A_309, %convert_element_type3A_314, %dot_general3A_315 {dimension_numbers = #tpu.dot_dimension_numbers<[1], [0], [0], [1], [0, 0, 1, 1], [], []>, precision = #tpu.contract_precision<fp32>, transpose_lhs_hint = false} : vector<32x128xf32>, vector<128x128xf32>, vector<32x128xf32> -> vector<32x128xf32>
    %reduce_sum3A_317 = arith.constant dense<0.000000e+00> : vector<32xf32>
    %reduce_sum3A_318 = vector.multi_reduction <add>, %reshape3A_309, %reduce_sum3A_317 [1] : vector<32x128xf32> to vector<32xf32>
    %broadcast_in_dim3A_319 = vector.shape_cast %reduce_sum3A_318 : vector<32xf32> to vector<32x1xf32>
    %iota3A_320 = tpu.iota {dimensions = array<i32: 0>} : vector<32x32xi32>
    %iota3A_321 = tpu.iota {dimensions = array<i32: 1>} : vector<32x32xi32>
    %lt3A_322 = arith.cmpi slt, %iota3A_321, %iota3A_320 : vector<32x32xi32>
    %convert_element_type3A_323 = arith.extui %lt3A_322 : vector<32x32xi1> to vector<32x32xi32>
    %convert_element_type3A_324 = arith.sitofp %convert_element_type3A_323 : vector<32x32xi32> to vector<32x32xf32>
    %dot_general3A_325 = arith.constant dense<0.000000e+00> : vector<32x1xf32>
    %dot_general3A_326 = tpu.matmul %convert_element_type3A_324, %broadcast_in_dim3A_319, %dot_general3A_325 {dimension_numbers = #tpu.dot_dimension_numbers<[1], [0], [0], [1], [0, 0, 1, 1], [], []>, precision = #tpu.contract_precision<fp32>, transpose_lhs_hint = false} : vector<32x32xf32>, vector<32x1xf32>, vector<32x1xf32> -> vector<32x1xf32>
    %add3A_327 = vector.broadcast %dot_general3A_326 : vector<32x1xf32> to vector<32x128xf32>
    %add3A_328 = arith.addf %dot_general3A_316, %add3A_327 : vector<32x128xf32>
    %reshape3A_329 = vector.shape_cast %add3A_328 : vector<32x128xf32> to vector<1x4096xf32>
    %concatenate3A_330 = tpu.concatenate %reshape3A_307, %reshape3A_329 in 0 : vector<1x4096xf32>, vector<1x4096xf32> -> vector<2x4096xf32>
    %sub3A_331 = arith.subf %concatenate3A_330, %convert_element_type3A_285 : vector<2x4096xf32>
    %slice3A_332 = vector.extract_strided_slice %convert_element_type3A_285 {offsets = [0, 0], sizes = [1, 4096], strides = [1, 1]} : vector<2x4096xf32> to vector<1x4096xf32>
    %slice3A_333 = vector.extract_strided_slice %sub3A_331 {offsets = [0, 0], sizes = [1, 4096], strides = [1, 1]} : vector<2x4096xf32> to vector<1x4096xf32>
    %slice3A_334 = vector.extract_strided_slice %convert_element_type3A_285 {offsets = [1, 0], sizes = [1, 4096], strides = [1, 1]} : vector<2x4096xf32> to vector<1x4096xf32>
    %slice3A_335 = vector.extract_strided_slice %sub3A_331 {offsets = [1, 0], sizes = [1, 4096], strides = [1, 1]} : vector<2x4096xf32> to vector<1x4096xf32>
    %gt3A_336 = arith.constant 5.000000e-01 : f32
    %gt3A_337 = vector.broadcast %gt3A_336 : f32 to vector<1x4096xf32>
    %gt3A_338 = arith.cmpf ogt, %slice3A_332, %gt3A_337 : vector<1x4096xf32>
    %gt3A_339 = arith.constant 6.000000e-01 : f32
    %gt3A_340 = vector.broadcast %gt3A_339 : f32 to vector<1x4096xf32>
    %gt3A_341 = arith.cmpf ogt, %slice3A_199, %gt3A_340 : vector<1x4096xf32>
    %and3A_342 = arith.andi %gt3A_338, %gt3A_341 : vector<1x4096xi1>
    %convert_element_type3A_343 = arith.extui %and3A_342 : vector<1x4096xi1> to vector<1x4096xi32>
    %convert_element_type3A_344 = arith.sitofp %convert_element_type3A_343 : vector<1x4096xi32> to vector<1x4096xf32>
    %gt3A_345 = arith.constant 5.000000e-01 : f32
    %gt3A_346 = vector.broadcast %gt3A_345 : f32 to vector<1x4096xf32>
    %gt3A_347 = arith.cmpf ogt, %slice3A_334, %gt3A_346 : vector<1x4096xf32>
    %gt3A_348 = arith.constant 6.000000e-01 : f32
    %gt3A_349 = vector.broadcast %gt3A_348 : f32 to vector<1x4096xf32>
    %gt3A_350 = arith.cmpf ogt, %slice3A_200, %gt3A_349 : vector<1x4096xf32>
    %and3A_351 = arith.andi %gt3A_347, %gt3A_350 : vector<1x4096xi1>
    %convert_element_type3A_352 = arith.extui %and3A_351 : vector<1x4096xi1> to vector<1x4096xi32>
    %convert_element_type3A_353 = arith.sitofp %convert_element_type3A_352 : vector<1x4096xi32> to vector<1x4096xf32>
    %iota3A_354 = tpu.iota {dimensions = array<i32: 0>} : vector<256x1024xi32>
    %broadcast_in_dim3A_355 = arith.constant 0.000000e+00 : f32
    %broadcast_in_dim3A_356 = vector.broadcast %broadcast_in_dim3A_355 : f32 to vector<1x256xf32>
    %broadcast_in_dim3A_357 = arith.constant 0.000000e+00 : f32
    %broadcast_in_dim3A_358 = vector.broadcast %broadcast_in_dim3A_357 : f32 to vector<256x1xf32>
    %slice3A_359 = vector.extract_strided_slice %slice3A_332 {offsets = [0, 0], sizes = [1, 1024], strides = [1, 1]} : vector<1x4096xf32> to vector<1x1024xf32>
    %gt3A_360 = arith.constant 5.000000e-01 : f32
    %gt3A_361 = vector.broadcast %gt3A_360 : f32 to vector<1x1024xf32>
    %gt3A_362 = arith.cmpf ogt, %slice3A_359, %gt3A_361 : vector<1x1024xf32>
    %slice3A_363 = vector.extract_strided_slice %slice3A_333 {offsets = [0, 0], sizes = [1, 1024], strides = [1, 1]} : vector<1x4096xf32> to vector<1x1024xf32>
    %convert_element_type3A_364 = arith.fptosi %slice3A_363 : vector<1x1024xf32> to vector<1x1024xi32>
    %eq3A_365 = vector.broadcast %convert_element_type3A_364 : vector<1x1024xi32> to vector<256x1024xi32>
    %eq3A_366 = arith.cmpi eq, %eq3A_365, %iota3A_354 : vector<256x1024xi32>
    %and3A_367 = vector.broadcast %gt3A_362 : vector<1x1024xi1> to vector<256x1024xi1>
    %and3A_368 = arith.andi %and3A_367, %eq3A_366 : vector<256x1024xi1>
    %convert_element_type3A_369 = arith.extui %and3A_368 : vector<256x1024xi1> to vector<256x1024xi32>
    %convert_element_type3A_370 = arith.sitofp %convert_element_type3A_369 : vector<256x1024xi32> to vector<256x1024xf32>
    %iota3A_371 = tpu.iota {dimensions = array<i32: 1>} : vector<1x1024xi32>
    %add3A_372 = arith.constant 0 : i32
    %add3A_373 = vector.broadcast %add3A_372 : i32 to vector<1x1024xi32>
    %add3A_374 = arith.addi %iota3A_371, %add3A_373 : vector<1x1024xi32>
    %convert_element_type3A_375 = arith.sitofp %add3A_374 : vector<1x1024xi32> to vector<1x1024xf32>
    %dot_general3A_376 = arith.constant dense<0.000000e+00> : vector<1x256xf32>
    %dot_general3A_377 = tpu.matmul %convert_element_type3A_375, %convert_element_type3A_370, %dot_general3A_376 {dimension_numbers = #tpu.dot_dimension_numbers<[1], [1], [0], [0], [0, 0, 1, 0], [], []>, precision = #tpu.contract_precision<fp32>, transpose_lhs_hint = false} : vector<1x1024xf32>, vector<256x1024xf32>, vector<1x256xf32> -> vector<1x256xf32>
    %add3A_378 = arith.addf %broadcast_in_dim3A_356, %dot_general3A_377 : vector<1x256xf32>
    %slice3A_379 = vector.extract_strided_slice %convert_element_type3A_344 {offsets = [0, 0], sizes = [1, 1024], strides = [1, 1]} : vector<1x4096xf32> to vector<1x1024xf32>
    %dot_general3A_380 = arith.constant dense<0.000000e+00> : vector<256x1xf32>
    %dot_general3A_381 = tpu.matmul %convert_element_type3A_370, %slice3A_379, %dot_general3A_380 {dimension_numbers = #tpu.dot_dimension_numbers<[1], [1], [0], [0], [0, 0, 1, 0], [], []>, precision = #tpu.contract_precision<fp32>, transpose_lhs_hint = false} : vector<256x1024xf32>, vector<1x1024xf32>, vector<256x1xf32> -> vector<256x1xf32>
    %add3A_382 = arith.addf %broadcast_in_dim3A_358, %dot_general3A_381 : vector<256x1xf32>
    %slice3A_383 = vector.extract_strided_slice %slice3A_332 {offsets = [0, 1024], sizes = [1, 1024], strides = [1, 1]} : vector<1x4096xf32> to vector<1x1024xf32>
    %gt3A_384 = arith.constant 5.000000e-01 : f32
    %gt3A_385 = vector.broadcast %gt3A_384 : f32 to vector<1x1024xf32>
    %gt3A_386 = arith.cmpf ogt, %slice3A_383, %gt3A_385 : vector<1x1024xf32>
    %slice3A_387 = vector.extract_strided_slice %slice3A_333 {offsets = [0, 1024], sizes = [1, 1024], strides = [1, 1]} : vector<1x4096xf32> to vector<1x1024xf32>
    %convert_element_type3A_388 = arith.fptosi %slice3A_387 : vector<1x1024xf32> to vector<1x1024xi32>
    %eq3A_389 = vector.broadcast %convert_element_type3A_388 : vector<1x1024xi32> to vector<256x1024xi32>
    %eq3A_390 = arith.cmpi eq, %eq3A_389, %iota3A_354 : vector<256x1024xi32>
    %and3A_391 = vector.broadcast %gt3A_386 : vector<1x1024xi1> to vector<256x1024xi1>
    %and3A_392 = arith.andi %and3A_391, %eq3A_390 : vector<256x1024xi1>
    %convert_element_type3A_393 = arith.extui %and3A_392 : vector<256x1024xi1> to vector<256x1024xi32>
    %convert_element_type3A_394 = arith.sitofp %convert_element_type3A_393 : vector<256x1024xi32> to vector<256x1024xf32>
    %iota3A_395 = tpu.iota {dimensions = array<i32: 1>} : vector<1x1024xi32>
    %add3A_396 = arith.constant 1024 : i32
    %add3A_397 = vector.broadcast %add3A_396 : i32 to vector<1x1024xi32>
    %add3A_398 = arith.addi %iota3A_395, %add3A_397 : vector<1x1024xi32>
    %convert_element_type3A_399 = arith.sitofp %add3A_398 : vector<1x1024xi32> to vector<1x1024xf32>
    %dot_general3A_400 = arith.constant dense<0.000000e+00> : vector<1x256xf32>
    %dot_general3A_401 = tpu.matmul %convert_element_type3A_399, %convert_element_type3A_394, %dot_general3A_400 {dimension_numbers = #tpu.dot_dimension_numbers<[1], [1], [0], [0], [0, 0, 1, 0], [], []>, precision = #tpu.contract_precision<fp32>, transpose_lhs_hint = false} : vector<1x1024xf32>, vector<256x1024xf32>, vector<1x256xf32> -> vector<1x256xf32>
    %add3A_402 = arith.addf %add3A_378, %dot_general3A_401 : vector<1x256xf32>
    %slice3A_403 = vector.extract_strided_slice %convert_element_type3A_344 {offsets = [0, 1024], sizes = [1, 1024], strides = [1, 1]} : vector<1x4096xf32> to vector<1x1024xf32>
    %dot_general3A_404 = arith.constant dense<0.000000e+00> : vector<256x1xf32>
    %dot_general3A_405 = tpu.matmul %convert_element_type3A_394, %slice3A_403, %dot_general3A_404 {dimension_numbers = #tpu.dot_dimension_numbers<[1], [1], [0], [0], [0, 0, 1, 0], [], []>, precision = #tpu.contract_precision<fp32>, transpose_lhs_hint = false} : vector<256x1024xf32>, vector<1x1024xf32>, vector<256x1xf32> -> vector<256x1xf32>
    %add3A_406 = arith.addf %add3A_382, %dot_general3A_405 : vector<256x1xf32>
    %slice3A_407 = vector.extract_strided_slice %slice3A_332 {offsets = [0, 2048], sizes = [1, 1024], strides = [1, 1]} : vector<1x4096xf32> to vector<1x1024xf32>
    %gt3A_408 = arith.constant 5.000000e-01 : f32
    %gt3A_409 = vector.broadcast %gt3A_408 : f32 to vector<1x1024xf32>
    %gt3A_410 = arith.cmpf ogt, %slice3A_407, %gt3A_409 : vector<1x1024xf32>
    %slice3A_411 = vector.extract_strided_slice %slice3A_333 {offsets = [0, 2048], sizes = [1, 1024], strides = [1, 1]} : vector<1x4096xf32> to vector<1x1024xf32>
    %convert_element_type3A_412 = arith.fptosi %slice3A_411 : vector<1x1024xf32> to vector<1x1024xi32>
    %eq3A_413 = vector.broadcast %convert_element_type3A_412 : vector<1x1024xi32> to vector<256x1024xi32>
    %eq3A_414 = arith.cmpi eq, %eq3A_413, %iota3A_354 : vector<256x1024xi32>
    %and3A_415 = vector.broadcast %gt3A_410 : vector<1x1024xi1> to vector<256x1024xi1>
    %and3A_416 = arith.andi %and3A_415, %eq3A_414 : vector<256x1024xi1>
    %convert_element_type3A_417 = arith.extui %and3A_416 : vector<256x1024xi1> to vector<256x1024xi32>
    %convert_element_type3A_418 = arith.sitofp %convert_element_type3A_417 : vector<256x1024xi32> to vector<256x1024xf32>
    %iota3A_419 = tpu.iota {dimensions = array<i32: 1>} : vector<1x1024xi32>
    %add3A_420 = arith.constant 2048 : i32
    %add3A_421 = vector.broadcast %add3A_420 : i32 to vector<1x1024xi32>
    %add3A_422 = arith.addi %iota3A_419, %add3A_421 : vector<1x1024xi32>
    %convert_element_type3A_423 = arith.sitofp %add3A_422 : vector<1x1024xi32> to vector<1x1024xf32>
    %dot_general3A_424 = arith.constant dense<0.000000e+00> : vector<1x256xf32>
    %dot_general3A_425 = tpu.matmul %convert_element_type3A_423, %convert_element_type3A_418, %dot_general3A_424 {dimension_numbers = #tpu.dot_dimension_numbers<[1], [1], [0], [0], [0, 0, 1, 0], [], []>, precision = #tpu.contract_precision<fp32>, transpose_lhs_hint = false} : vector<1x1024xf32>, vector<256x1024xf32>, vector<1x256xf32> -> vector<1x256xf32>
    %add3A_426 = arith.addf %add3A_402, %dot_general3A_425 : vector<1x256xf32>
    %slice3A_427 = vector.extract_strided_slice %convert_element_type3A_344 {offsets = [0, 2048], sizes = [1, 1024], strides = [1, 1]} : vector<1x4096xf32> to vector<1x1024xf32>
    %dot_general3A_428 = arith.constant dense<0.000000e+00> : vector<256x1xf32>
    %dot_general3A_429 = tpu.matmul %convert_element_type3A_418, %slice3A_427, %dot_general3A_428 {dimension_numbers = #tpu.dot_dimension_numbers<[1], [1], [0], [0], [0, 0, 1, 0], [], []>, precision = #tpu.contract_precision<fp32>, transpose_lhs_hint = false} : vector<256x1024xf32>, vector<1x1024xf32>, vector<256x1xf32> -> vector<256x1xf32>
    %add3A_430 = arith.addf %add3A_406, %dot_general3A_429 : vector<256x1xf32>
    %slice3A_431 = vector.extract_strided_slice %slice3A_332 {offsets = [0, 3072], sizes = [1, 1024], strides = [1, 1]} : vector<1x4096xf32> to vector<1x1024xf32>
    %gt3A_432 = arith.constant 5.000000e-01 : f32
    %gt3A_433 = vector.broadcast %gt3A_432 : f32 to vector<1x1024xf32>
    %gt3A_434 = arith.cmpf ogt, %slice3A_431, %gt3A_433 : vector<1x1024xf32>
    %slice3A_435 = vector.extract_strided_slice %slice3A_333 {offsets = [0, 3072], sizes = [1, 1024], strides = [1, 1]} : vector<1x4096xf32> to vector<1x1024xf32>
    %convert_element_type3A_436 = arith.fptosi %slice3A_435 : vector<1x1024xf32> to vector<1x1024xi32>
    %eq3A_437 = vector.broadcast %convert_element_type3A_436 : vector<1x1024xi32> to vector<256x1024xi32>
    %eq3A_438 = arith.cmpi eq, %eq3A_437, %iota3A_354 : vector<256x1024xi32>
    %and3A_439 = vector.broadcast %gt3A_434 : vector<1x1024xi1> to vector<256x1024xi1>
    %and3A_440 = arith.andi %and3A_439, %eq3A_438 : vector<256x1024xi1>
    %convert_element_type3A_441 = arith.extui %and3A_440 : vector<256x1024xi1> to vector<256x1024xi32>
    %convert_element_type3A_442 = arith.sitofp %convert_element_type3A_441 : vector<256x1024xi32> to vector<256x1024xf32>
    %iota3A_443 = tpu.iota {dimensions = array<i32: 1>} : vector<1x1024xi32>
    %add3A_444 = arith.constant 3072 : i32
    %add3A_445 = vector.broadcast %add3A_444 : i32 to vector<1x1024xi32>
    %add3A_446 = arith.addi %iota3A_443, %add3A_445 : vector<1x1024xi32>
    %convert_element_type3A_447 = arith.sitofp %add3A_446 : vector<1x1024xi32> to vector<1x1024xf32>
    %dot_general3A_448 = arith.constant dense<0.000000e+00> : vector<1x256xf32>
    %dot_general3A_449 = tpu.matmul %convert_element_type3A_447, %convert_element_type3A_442, %dot_general3A_448 {dimension_numbers = #tpu.dot_dimension_numbers<[1], [1], [0], [0], [0, 0, 1, 0], [], []>, precision = #tpu.contract_precision<fp32>, transpose_lhs_hint = false} : vector<1x1024xf32>, vector<256x1024xf32>, vector<1x256xf32> -> vector<1x256xf32>
    %add3A_450 = arith.addf %add3A_426, %dot_general3A_449 : vector<1x256xf32>
    %slice3A_451 = vector.extract_strided_slice %convert_element_type3A_344 {offsets = [0, 3072], sizes = [1, 1024], strides = [1, 1]} : vector<1x4096xf32> to vector<1x1024xf32>
    %dot_general3A_452 = arith.constant dense<0.000000e+00> : vector<256x1xf32>
    %dot_general3A_453 = tpu.matmul %convert_element_type3A_442, %slice3A_451, %dot_general3A_452 {dimension_numbers = #tpu.dot_dimension_numbers<[1], [1], [0], [0], [0, 0, 1, 0], [], []>, precision = #tpu.contract_precision<fp32>, transpose_lhs_hint = false} : vector<256x1024xf32>, vector<1x1024xf32>, vector<256x1xf32> -> vector<256x1xf32>
    %add3A_454 = arith.addf %add3A_430, %dot_general3A_453 : vector<256x1xf32>
    %iota3A_455 = tpu.iota {dimensions = array<i32: 0>} : vector<128x1024xi32>
    %broadcast_in_dim3A_456 = arith.constant 0.000000e+00 : f32
    %broadcast_in_dim3A_457 = vector.broadcast %broadcast_in_dim3A_456 : f32 to vector<1x128xf32>
    %broadcast_in_dim3A_458 = arith.constant 0.000000e+00 : f32
    %broadcast_in_dim3A_459 = vector.broadcast %broadcast_in_dim3A_458 : f32 to vector<128x1xf32>
    %slice3A_460 = vector.extract_strided_slice %slice3A_334 {offsets = [0, 0], sizes = [1, 1024], strides = [1, 1]} : vector<1x4096xf32> to vector<1x1024xf32>
    %gt3A_461 = arith.constant 5.000000e-01 : f32
    %gt3A_462 = vector.broadcast %gt3A_461 : f32 to vector<1x1024xf32>
    %gt3A_463 = arith.cmpf ogt, %slice3A_460, %gt3A_462 : vector<1x1024xf32>
    %slice3A_464 = vector.extract_strided_slice %slice3A_335 {offsets = [0, 0], sizes = [1, 1024], strides = [1, 1]} : vector<1x4096xf32> to vector<1x1024xf32>
    %convert_element_type3A_465 = arith.fptosi %slice3A_464 : vector<1x1024xf32> to vector<1x1024xi32>
    %eq3A_466 = vector.broadcast %convert_element_type3A_465 : vector<1x1024xi32> to vector<128x1024xi32>
    %eq3A_467 = arith.cmpi eq, %eq3A_466, %iota3A_455 : vector<128x1024xi32>
    %and3A_468 = vector.broadcast %gt3A_463 : vector<1x1024xi1> to vector<128x1024xi1>
    %and3A_469 = arith.andi %and3A_468, %eq3A_467 : vector<128x1024xi1>
    %convert_element_type3A_470 = arith.extui %and3A_469 : vector<128x1024xi1> to vector<128x1024xi32>
    %convert_element_type3A_471 = arith.sitofp %convert_element_type3A_470 : vector<128x1024xi32> to vector<128x1024xf32>
    %iota3A_472 = tpu.iota {dimensions = array<i32: 1>} : vector<1x1024xi32>
    %add3A_473 = arith.constant 0 : i32
    %add3A_474 = vector.broadcast %add3A_473 : i32 to vector<1x1024xi32>
    %add3A_475 = arith.addi %iota3A_472, %add3A_474 : vector<1x1024xi32>
    %convert_element_type3A_476 = arith.sitofp %add3A_475 : vector<1x1024xi32> to vector<1x1024xf32>
    %dot_general3A_477 = arith.constant dense<0.000000e+00> : vector<1x128xf32>
    %dot_general3A_478 = tpu.matmul %convert_element_type3A_476, %convert_element_type3A_471, %dot_general3A_477 {dimension_numbers = #tpu.dot_dimension_numbers<[1], [1], [0], [0], [0, 0, 1, 0], [], []>, precision = #tpu.contract_precision<fp32>, transpose_lhs_hint = false} : vector<1x1024xf32>, vector<128x1024xf32>, vector<1x128xf32> -> vector<1x128xf32>
    %add3A_479 = arith.addf %broadcast_in_dim3A_457, %dot_general3A_478 : vector<1x128xf32>
    %slice3A_480 = vector.extract_strided_slice %convert_element_type3A_353 {offsets = [0, 0], sizes = [1, 1024], strides = [1, 1]} : vector<1x4096xf32> to vector<1x1024xf32>
    %dot_general3A_481 = arith.constant dense<0.000000e+00> : vector<128x1xf32>
    %dot_general3A_482 = tpu.matmul %convert_element_type3A_471, %slice3A_480, %dot_general3A_481 {dimension_numbers = #tpu.dot_dimension_numbers<[1], [1], [0], [0], [0, 0, 1, 0], [], []>, precision = #tpu.contract_precision<fp32>, transpose_lhs_hint = false} : vector<128x1024xf32>, vector<1x1024xf32>, vector<128x1xf32> -> vector<128x1xf32>
    %add3A_483 = arith.addf %broadcast_in_dim3A_459, %dot_general3A_482 : vector<128x1xf32>
    %slice3A_484 = vector.extract_strided_slice %slice3A_334 {offsets = [0, 1024], sizes = [1, 1024], strides = [1, 1]} : vector<1x4096xf32> to vector<1x1024xf32>
    %gt3A_485 = arith.constant 5.000000e-01 : f32
    %gt3A_486 = vector.broadcast %gt3A_485 : f32 to vector<1x1024xf32>
    %gt3A_487 = arith.cmpf ogt, %slice3A_484, %gt3A_486 : vector<1x1024xf32>
    %slice3A_488 = vector.extract_strided_slice %slice3A_335 {offsets = [0, 1024], sizes = [1, 1024], strides = [1, 1]} : vector<1x4096xf32> to vector<1x1024xf32>
    %convert_element_type3A_489 = arith.fptosi %slice3A_488 : vector<1x1024xf32> to vector<1x1024xi32>
    %eq3A_490 = vector.broadcast %convert_element_type3A_489 : vector<1x1024xi32> to vector<128x1024xi32>
    %eq3A_491 = arith.cmpi eq, %eq3A_490, %iota3A_455 : vector<128x1024xi32>
    %and3A_492 = vector.broadcast %gt3A_487 : vector<1x1024xi1> to vector<128x1024xi1>
    %and3A_493 = arith.andi %and3A_492, %eq3A_491 : vector<128x1024xi1>
    %convert_element_type3A_494 = arith.extui %and3A_493 : vector<128x1024xi1> to vector<128x1024xi32>
    %convert_element_type3A_495 = arith.sitofp %convert_element_type3A_494 : vector<128x1024xi32> to vector<128x1024xf32>
    %iota3A_496 = tpu.iota {dimensions = array<i32: 1>} : vector<1x1024xi32>
    %add3A_497 = arith.constant 1024 : i32
    %add3A_498 = vector.broadcast %add3A_497 : i32 to vector<1x1024xi32>
    %add3A_499 = arith.addi %iota3A_496, %add3A_498 : vector<1x1024xi32>
    %convert_element_type3A_500 = arith.sitofp %add3A_499 : vector<1x1024xi32> to vector<1x1024xf32>
    %dot_general3A_501 = arith.constant dense<0.000000e+00> : vector<1x128xf32>
    %dot_general3A_502 = tpu.matmul %convert_element_type3A_500, %convert_element_type3A_495, %dot_general3A_501 {dimension_numbers = #tpu.dot_dimension_numbers<[1], [1], [0], [0], [0, 0, 1, 0], [], []>, precision = #tpu.contract_precision<fp32>, transpose_lhs_hint = false} : vector<1x1024xf32>, vector<128x1024xf32>, vector<1x128xf32> -> vector<1x128xf32>
    %add3A_503 = arith.addf %add3A_479, %dot_general3A_502 : vector<1x128xf32>
    %slice3A_504 = vector.extract_strided_slice %convert_element_type3A_353 {offsets = [0, 1024], sizes = [1, 1024], strides = [1, 1]} : vector<1x4096xf32> to vector<1x1024xf32>
    %dot_general3A_505 = arith.constant dense<0.000000e+00> : vector<128x1xf32>
    %dot_general3A_506 = tpu.matmul %convert_element_type3A_495, %slice3A_504, %dot_general3A_505 {dimension_numbers = #tpu.dot_dimension_numbers<[1], [1], [0], [0], [0, 0, 1, 0], [], []>, precision = #tpu.contract_precision<fp32>, transpose_lhs_hint = false} : vector<128x1024xf32>, vector<1x1024xf32>, vector<128x1xf32> -> vector<128x1xf32>
    %add3A_507 = arith.addf %add3A_483, %dot_general3A_506 : vector<128x1xf32>
    %slice3A_508 = vector.extract_strided_slice %slice3A_334 {offsets = [0, 2048], sizes = [1, 1024], strides = [1, 1]} : vector<1x4096xf32> to vector<1x1024xf32>
    %gt3A_509 = arith.constant 5.000000e-01 : f32
    %gt3A_510 = vector.broadcast %gt3A_509 : f32 to vector<1x1024xf32>
    %gt3A_511 = arith.cmpf ogt, %slice3A_508, %gt3A_510 : vector<1x1024xf32>
    %slice3A_512 = vector.extract_strided_slice %slice3A_335 {offsets = [0, 2048], sizes = [1, 1024], strides = [1, 1]} : vector<1x4096xf32> to vector<1x1024xf32>
    %convert_element_type3A_513 = arith.fptosi %slice3A_512 : vector<1x1024xf32> to vector<1x1024xi32>
    %eq3A_514 = vector.broadcast %convert_element_type3A_513 : vector<1x1024xi32> to vector<128x1024xi32>
    %eq3A_515 = arith.cmpi eq, %eq3A_514, %iota3A_455 : vector<128x1024xi32>
    %and3A_516 = vector.broadcast %gt3A_511 : vector<1x1024xi1> to vector<128x1024xi1>
    %and3A_517 = arith.andi %and3A_516, %eq3A_515 : vector<128x1024xi1>
    %convert_element_type3A_518 = arith.extui %and3A_517 : vector<128x1024xi1> to vector<128x1024xi32>
    %convert_element_type3A_519 = arith.sitofp %convert_element_type3A_518 : vector<128x1024xi32> to vector<128x1024xf32>
    %iota3A_520 = tpu.iota {dimensions = array<i32: 1>} : vector<1x1024xi32>
    %add3A_521 = arith.constant 2048 : i32
    %add3A_522 = vector.broadcast %add3A_521 : i32 to vector<1x1024xi32>
    %add3A_523 = arith.addi %iota3A_520, %add3A_522 : vector<1x1024xi32>
    %convert_element_type3A_524 = arith.sitofp %add3A_523 : vector<1x1024xi32> to vector<1x1024xf32>
    %dot_general3A_525 = arith.constant dense<0.000000e+00> : vector<1x128xf32>
    %dot_general3A_526 = tpu.matmul %convert_element_type3A_524, %convert_element_type3A_519, %dot_general3A_525 {dimension_numbers = #tpu.dot_dimension_numbers<[1], [1], [0], [0], [0, 0, 1, 0], [], []>, precision = #tpu.contract_precision<fp32>, transpose_lhs_hint = false} : vector<1x1024xf32>, vector<128x1024xf32>, vector<1x128xf32> -> vector<1x128xf32>
    %add3A_527 = arith.addf %add3A_503, %dot_general3A_526 : vector<1x128xf32>
    %slice3A_528 = vector.extract_strided_slice %convert_element_type3A_353 {offsets = [0, 2048], sizes = [1, 1024], strides = [1, 1]} : vector<1x4096xf32> to vector<1x1024xf32>
    %dot_general3A_529 = arith.constant dense<0.000000e+00> : vector<128x1xf32>
    %dot_general3A_530 = tpu.matmul %convert_element_type3A_519, %slice3A_528, %dot_general3A_529 {dimension_numbers = #tpu.dot_dimension_numbers<[1], [1], [0], [0], [0, 0, 1, 0], [], []>, precision = #tpu.contract_precision<fp32>, transpose_lhs_hint = false} : vector<128x1024xf32>, vector<1x1024xf32>, vector<128x1xf32> -> vector<128x1xf32>
    %add3A_531 = arith.addf %add3A_507, %dot_general3A_530 : vector<128x1xf32>
    %slice3A_532 = vector.extract_strided_slice %slice3A_334 {offsets = [0, 3072], sizes = [1, 1024], strides = [1, 1]} : vector<1x4096xf32> to vector<1x1024xf32>
    %gt3A_533 = arith.constant 5.000000e-01 : f32
    %gt3A_534 = vector.broadcast %gt3A_533 : f32 to vector<1x1024xf32>
    %gt3A_535 = arith.cmpf ogt, %slice3A_532, %gt3A_534 : vector<1x1024xf32>
    %slice3A_536 = vector.extract_strided_slice %slice3A_335 {offsets = [0, 3072], sizes = [1, 1024], strides = [1, 1]} : vector<1x4096xf32> to vector<1x1024xf32>
    %convert_element_type3A_537 = arith.fptosi %slice3A_536 : vector<1x1024xf32> to vector<1x1024xi32>
    %eq3A_538 = vector.broadcast %convert_element_type3A_537 : vector<1x1024xi32> to vector<128x1024xi32>
    %eq3A_539 = arith.cmpi eq, %eq3A_538, %iota3A_455 : vector<128x1024xi32>
    %and3A_540 = vector.broadcast %gt3A_535 : vector<1x1024xi1> to vector<128x1024xi1>
    %and3A_541 = arith.andi %and3A_540, %eq3A_539 : vector<128x1024xi1>
    %convert_element_type3A_542 = arith.extui %and3A_541 : vector<128x1024xi1> to vector<128x1024xi32>
    %convert_element_type3A_543 = arith.sitofp %convert_element_type3A_542 : vector<128x1024xi32> to vector<128x1024xf32>
    %iota3A_544 = tpu.iota {dimensions = array<i32: 1>} : vector<1x1024xi32>
    %add3A_545 = arith.constant 3072 : i32
    %add3A_546 = vector.broadcast %add3A_545 : i32 to vector<1x1024xi32>
    %add3A_547 = arith.addi %iota3A_544, %add3A_546 : vector<1x1024xi32>
    %convert_element_type3A_548 = arith.sitofp %add3A_547 : vector<1x1024xi32> to vector<1x1024xf32>
    %dot_general3A_549 = arith.constant dense<0.000000e+00> : vector<1x128xf32>
    %dot_general3A_550 = tpu.matmul %convert_element_type3A_548, %convert_element_type3A_543, %dot_general3A_549 {dimension_numbers = #tpu.dot_dimension_numbers<[1], [1], [0], [0], [0, 0, 1, 0], [], []>, precision = #tpu.contract_precision<fp32>, transpose_lhs_hint = false} : vector<1x1024xf32>, vector<128x1024xf32>, vector<1x128xf32> -> vector<1x128xf32>
    %add3A_551 = arith.addf %add3A_527, %dot_general3A_550 : vector<1x128xf32>
    %slice3A_552 = vector.extract_strided_slice %convert_element_type3A_353 {offsets = [0, 3072], sizes = [1, 1024], strides = [1, 1]} : vector<1x4096xf32> to vector<1x1024xf32>
    %dot_general3A_553 = arith.constant dense<0.000000e+00> : vector<128x1xf32>
    %dot_general3A_554 = tpu.matmul %convert_element_type3A_543, %slice3A_552, %dot_general3A_553 {dimension_numbers = #tpu.dot_dimension_numbers<[1], [1], [0], [0], [0, 0, 1, 0], [], []>, precision = #tpu.contract_precision<fp32>, transpose_lhs_hint = false} : vector<128x1024xf32>, vector<1x1024xf32>, vector<128x1xf32> -> vector<128x1xf32>
    %add3A_555 = arith.addf %add3A_531, %dot_general3A_554 : vector<128x1xf32>
    %concatenate3A_556 = tpu.concatenate %add3A_450, %add3A_551 in 1 : vector<1x256xf32>, vector<1x128xf32> -> vector<1x384xf32>
    %convert_element_type3A_557 = arith.fptosi %concatenate3A_556 : vector<1x384xf32> to vector<1x384xi32>
    %swap3A_558 = arith.constant 0 : index
    %swap3A_559 = arith.constant 0 : index
    %swap3A_560 = arith.constant 0 : index
    %swap3A_561 = vector.load %arg7[%swap3A_558, %swap3A_559, %swap3A_560] : memref<1x1x384xi32, #tpu.memory_space<vmem>>, vector<1x1x384xi32>
    %swap3A_562 = vector.shape_cast %swap3A_561 : vector<1x1x384xi32> to vector<1x384xi32>
    %swap3A_563 = vector.shape_cast %convert_element_type3A_557 : vector<1x384xi32> to vector<1x1x384xi32>
    tpu.vector_store %arg7[%swap3A_558, %swap3A_559, %swap3A_560], %swap3A_563 {strides = array<i32>} : memref<1x1x384xi32, #tpu.memory_space<vmem>>, vector<1x1x384xi32>,
    %mul3A_564 = arith.constant 4096 : i32
    %mul3A_565 = arith.muli %arg0, %mul3A_564 : i32
    %add3A_566 = vector.broadcast %mul3A_565 : i32 to vector<1x384xi32>
    %add3A_567 = arith.addi %convert_element_type3A_557, %add3A_566 : vector<1x384xi32>
    %swap3A_568 = arith.constant 0 : index
    %swap3A_569 = arith.constant 0 : index
    %swap3A_570 = arith.constant 0 : index
    %swap3A_571 = vector.load %arg6[%swap3A_568, %swap3A_569, %swap3A_570] : memref<1x1x384xi32, #tpu.memory_space<vmem>>, vector<1x1x384xi32>
    %swap3A_572 = vector.shape_cast %swap3A_571 : vector<1x1x384xi32> to vector<1x384xi32>
    %swap3A_573 = vector.shape_cast %add3A_567 : vector<1x384xi32> to vector<1x1x384xi32>
    tpu.vector_store %arg6[%swap3A_568, %swap3A_569, %swap3A_570], %swap3A_573 {strides = array<i32>} : memref<1x1x384xi32, #tpu.memory_space<vmem>>, vector<1x1x384xi32>,
    %swap3A_574 = arith.constant 0 : index
    %swap3A_575 = arith.constant 0 : index
    %swap3A_576 = arith.constant 0 : index
    %swap3A_577 = vector.load %arg8[%swap3A_574, %swap3A_575, %swap3A_576] : memref<1x384x1xf32, #tpu.memory_space<vmem>>, vector<1x256x1xf32>
    %swap3A_578 = vector.shape_cast %swap3A_577 : vector<1x256x1xf32> to vector<256x1xf32>
    %swap3A_579 = vector.shape_cast %add3A_454 : vector<256x1xf32> to vector<1x256x1xf32>
    tpu.vector_store %arg8[%swap3A_574, %swap3A_575, %swap3A_576], %swap3A_579 {strides = array<i32>} : memref<1x384x1xf32, #tpu.memory_space<vmem>>, vector<1x256x1xf32>,
    %swap3A_580 = arith.constant 0 : index
    %swap3A_581 = arith.constant 256 : index
    %swap3A_582 = arith.constant 0 : index
    %swap3A_583 = vector.load %arg8[%swap3A_580, %swap3A_581, %swap3A_582] : memref<1x384x1xf32, #tpu.memory_space<vmem>>, vector<1x128x1xf32>
    %swap3A_584 = vector.shape_cast %swap3A_583 : vector<1x128x1xf32> to vector<128x1xf32>
    %swap3A_585 = vector.shape_cast %add3A_555 : vector<128x1xf32> to vector<1x128x1xf32>
    tpu.vector_store %arg8[%swap3A_580, %swap3A_581, %swap3A_582], %swap3A_585 {strides = array<i32>} : memref<1x384x1xf32, #tpu.memory_space<vmem>>, vector<1x128x1xf32>,
    return
  }
  func.func @transform_0(%arg0: i32) -> (i32, i32, i32) {
    %c0_i32 = arith.constant 0 : i32
    %c0_i32_0 = arith.constant 0 : i32
    %c0_i32_1 = arith.constant 0 : i32
    return %arg0, %c0_i32, %c0_i32_0 : i32, i32, i32
  }
  func.func @transform_1(%arg0: i32) -> (i32, i32, i32) {
    %c0_i32 = arith.constant 0 : i32
    %c0_i32_0 = arith.constant 0 : i32
    %c0_i32_1 = arith.constant 0 : i32
    return %arg0, %c0_i32, %c0_i32_0 : i32, i32, i32
  }
  func.func @transform_2(%arg0: i32) -> (i32, i32) {
    %c0_i32 = arith.constant 0 : i32
    %c0_i32_0 = arith.constant 0 : i32
    %c0_i32_1 = arith.constant 0 : i32
    return %c0_i32, %c0_i32_0 : i32, i32
  }
  func.func @transform_3(%arg0: i32) -> (i32, i32, i32) {
    %c0_i32 = arith.constant 0 : i32
    %c0_i32_0 = arith.constant 0 : i32
    %c0_i32_1 = arith.constant 0 : i32
    return %arg0, %c0_i32, %c0_i32_0 : i32, i32, i32
  }
  func.func @transform_4(%arg0: i32) -> (i32, i32, i32) {
    %c0_i32 = arith.constant 0 : i32
    %c0_i32_0 = arith.constant 0 : i32
    %c0_i32_1 = arith.constant 0 : i32
    return %arg0, %c0_i32, %c0_i32_0 : i32, i32, i32
  }
  func.func @transform_5(%arg0: i32) -> (i32, i32, i32) {
    %c0_i32 = arith.constant 0 : i32
    %c0_i32_0 = arith.constant 0 : i32
    %c0_i32_1 = arith.constant 0 : i32
    return %arg0, %c0_i32, %c0_i32_0 : i32, i32, i32
  }
  func.func @transform_6(%arg0: i32) -> (i32, i32, i32) {
    %c0_i32 = arith.constant 0 : i32
    %c0_i32_0 = arith.constant 0 : i32
    %c0_i32_1 = arith.constant 0 : i32
    return %arg0, %c0_i32, %c0_i32_0 : i32, i32, i32
  }
  func.func @transform_7(%arg0: i32) -> (i32, i32, i32) {
    %c0_i32 = arith.constant 0 : i32
    %c0_i32_0 = arith.constant 0 : i32
    %c0_i32_1 = arith.constant 0 : i32
    return %arg0, %c0_i32, %c0_i32_0 : i32, i32, i32
  }
}

module attributes {stable_mosaic.version = 14 : i64} {
  func.func @_k2_body(%arg0: i32, %arg1: memref<1x384x768xf32, #tpu.memory_space<vmem>>, %arg2: memref<1x384x768xf32, #tpu.memory_space<vmem>>, %arg3: memref<1x384x1xf32, #tpu.memory_space<vmem>>, %arg4: memref<768x768xf32, #tpu.memory_space<vmem>>, %arg5: memref<768x768xf32, #tpu.memory_space<vmem>>, %arg6: memref<768x768xf32, #tpu.memory_space<vmem>>, %arg7: memref<768x768xf32, #tpu.memory_space<vmem>>, %arg8: memref<768x768xf32, #tpu.memory_space<vmem>>, %arg9: memref<1x384x768xf32, #tpu.memory_space<vmem>>) attributes {dimension_semantics = [#tpu.dimension_semantics<arbitrary>], iteration_bounds = array<i64: 4>, scalar_prefetch = 0 : i64, scratch_operands = 0 : i64, tpu.core_type = #tpu.core_type<tc>, window_params = [{transform_indices = @transform_0, window_bounds = array<i64: 1, 384, 768>}, {transform_indices = @transform_1, window_bounds = array<i64: 1, 384, 768>}, {transform_indices = @transform_2, window_bounds = array<i64: 1, 384, 1>}, {pipeline_mode = #tpu.pipeline_mode<synchronous>, transform_indices = @transform_3, window_bounds = array<i64: 768, 768>}, {pipeline_mode = #tpu.pipeline_mode<synchronous>, transform_indices = @transform_4, window_bounds = array<i64: 768, 768>}, {pipeline_mode = #tpu.pipeline_mode<synchronous>, transform_indices = @transform_5, window_bounds = array<i64: 768, 768>}, {pipeline_mode = #tpu.pipeline_mode<synchronous>, transform_indices = @transform_6, window_bounds = array<i64: 768, 768>}, {pipeline_mode = #tpu.pipeline_mode<synchronous>, transform_indices = @transform_7, window_bounds = array<i64: 768, 768>}, {transform_indices = @transform_8, window_bounds = array<i64: 1, 384, 768>}]} {
    %get3A = arith.constant 0 : index
    %get3A_0 = arith.constant 0 : index
    %get3A_1 = vector.load %arg4[%get3A, %get3A_0] : memref<768x768xf32, #tpu.memory_space<vmem>>, vector<768x768xf32>
    %get3A_2 = arith.constant 0 : index
    %get3A_3 = arith.constant 0 : index
    %get3A_4 = arith.constant 0 : index
    %get3A_5 = vector.load %arg1[%get3A_2, %get3A_3, %get3A_4] : memref<1x384x768xf32, #tpu.memory_space<vmem>>, vector<1x256x768xf32>
    %get3A_6 = vector.shape_cast %get3A_5 : vector<1x256x768xf32> to vector<256x768xf32>
    %get3A_7 = arith.constant 0 : index
    %get3A_8 = arith.constant 0 : index
    %get3A_9 = arith.constant 0 : index
    %get3A_10 = vector.load %arg3[%get3A_7, %get3A_8, %get3A_9] : memref<1x384x1xf32, #tpu.memory_space<vmem>>, vector<1x256x1xf32>
    %get3A_11 = vector.shape_cast %get3A_10 : vector<1x256x1xf32> to vector<256x1xf32>
    %mul3A = vector.broadcast %get3A_11 : vector<256x1xf32> to vector<256x768xf32>
    %mul3A_12 = arith.mulf %get3A_6, %mul3A : vector<256x768xf32>
    %get3A_13 = arith.constant 0 : index
    %get3A_14 = arith.constant 0 : index
    %get3A_15 = arith.constant 0 : index
    %get3A_16 = vector.load %arg2[%get3A_13, %get3A_14, %get3A_15] : memref<1x384x768xf32, #tpu.memory_space<vmem>>, vector<1x256x768xf32>
    %get3A_17 = vector.shape_cast %get3A_16 : vector<1x256x768xf32> to vector<256x768xf32>
    %dot_general3A = arith.constant dense<0.000000e+00> : vector<256x768xf32>
    %dot_general3A_18 = tpu.matmul %mul3A_12, %get3A_1, %dot_general3A {dimension_numbers = #tpu.dot_dimension_numbers<[1], [0], [0], [1], [0, 0, 1, 1], [], []>, transpose_lhs_hint = false} : vector<256x768xf32>, vector<768x768xf32>, vector<256x768xf32> -> vector<256x768xf32>
    %dot_general3A_19 = arith.constant dense<0.000000e+00> : vector<256x256xf32>
    %dot_general3A_20 = tpu.matmul %dot_general3A_18, %mul3A_12, %dot_general3A_19 {dimension_numbers = #tpu.dot_dimension_numbers<[1], [1], [0], [0], [0, 0, 1, 0], [], []>, transpose_lhs_hint = false} : vector<256x768xf32>, vector<256x768xf32>, vector<256x256xf32> -> vector<256x256xf32>
    %mul3A_21 = arith.constant 0.0360843912 : f32
    %mul3A_22 = vector.broadcast %mul3A_21 : f32 to vector<256x256xf32>
    %mul3A_23 = arith.mulf %dot_general3A_20, %mul3A_22 : vector<256x256xf32>
    %reduce_max3A = arith.constant dense<0xFF800000> : vector<256xf32>
    %reduce_max3A_24 = vector.multi_reduction <maximumf>, %mul3A_23, %reduce_max3A [1] : vector<256x256xf32> to vector<256xf32>
    %broadcast_in_dim3A = vector.shape_cast %reduce_max3A_24 : vector<256xf32> to vector<256x1xf32>
    %sub3A = vector.broadcast %broadcast_in_dim3A : vector<256x1xf32> to vector<256x256xf32>
    %sub3A_25 = arith.subf %mul3A_23, %sub3A : vector<256x256xf32>
    %exp3A = math.exp %sub3A_25 : vector<256x256xf32>
    %reduce_sum3A = arith.constant dense<0.000000e+00> : vector<256xf32>
    %reduce_sum3A_26 = vector.multi_reduction <add>, %exp3A, %reduce_sum3A [1] : vector<256x256xf32> to vector<256xf32>
    %broadcast_in_dim3A_27 = vector.shape_cast %reduce_sum3A_26 : vector<256xf32> to vector<256x1xf32>
    %div3A = vector.broadcast %broadcast_in_dim3A_27 : vector<256x1xf32> to vector<256x256xf32>
    %div3A_28 = arith.divf %exp3A, %div3A : vector<256x256xf32>
    %get3A_29 = arith.constant 0 : index
    %get3A_30 = arith.constant 0 : index
    %get3A_31 = vector.load %arg5[%get3A_29, %get3A_30] : memref<768x768xf32, #tpu.memory_space<vmem>>, vector<768x768xf32>
    %dot_general3A_32 = arith.constant dense<0.000000e+00> : vector<256x768xf32>
    %dot_general3A_33 = tpu.matmul %mul3A_12, %get3A_31, %dot_general3A_32 {dimension_numbers = #tpu.dot_dimension_numbers<[1], [0], [0], [1], [0, 0, 1, 1], [], []>, transpose_lhs_hint = false} : vector<256x768xf32>, vector<768x768xf32>, vector<256x768xf32> -> vector<256x768xf32>
    %dot_general3A_34 = arith.constant dense<0.000000e+00> : vector<256x768xf32>
    %dot_general3A_35 = tpu.matmul %div3A_28, %dot_general3A_33, %dot_general3A_34 {dimension_numbers = #tpu.dot_dimension_numbers<[1], [0], [0], [1], [0, 0, 1, 1], [], []>, transpose_lhs_hint = false} : vector<256x256xf32>, vector<256x768xf32>, vector<256x768xf32> -> vector<256x768xf32>
    %max3A = arith.constant 0.000000e+00 : f32
    %max3A_36 = vector.broadcast %max3A : f32 to vector<256x768xf32>
    %max3A_37 = arith.maximumf %dot_general3A_35, %max3A_36 : vector<256x768xf32>
    %get3A_38 = arith.constant 0 : index
    %get3A_39 = arith.constant 0 : index
    %get3A_40 = vector.load %arg6[%get3A_38, %get3A_39] : memref<768x768xf32, #tpu.memory_space<vmem>>, vector<768x768xf32>
    %dot_general3A_41 = arith.constant dense<0.000000e+00> : vector<256x768xf32>
    %dot_general3A_42 = tpu.matmul %max3A_37, %get3A_40, %dot_general3A_41 {dimension_numbers = #tpu.dot_dimension_numbers<[1], [0], [0], [1], [0, 0, 1, 1], [], []>, transpose_lhs_hint = false} : vector<256x768xf32>, vector<768x768xf32>, vector<256x768xf32> -> vector<256x768xf32>
    %dot_general3A_43 = arith.constant dense<0.000000e+00> : vector<256x768xf32>
    %dot_general3A_44 = tpu.matmul %div3A_28, %dot_general3A_42, %dot_general3A_43 {dimension_numbers = #tpu.dot_dimension_numbers<[1], [0], [0], [1], [0, 0, 1, 1], [], []>, transpose_lhs_hint = false} : vector<256x256xf32>, vector<256x768xf32>, vector<256x768xf32> -> vector<256x768xf32>
    %add3A = arith.addf %dot_general3A_44, %get3A_17 : vector<256x768xf32>
    %swap3A = arith.constant 0 : index
    %swap3A_45 = arith.constant 0 : index
    %swap3A_46 = arith.constant 0 : index
    %swap3A_47 = vector.load %arg9[%swap3A, %swap3A_45, %swap3A_46] : memref<1x384x768xf32, #tpu.memory_space<vmem>>, vector<1x256x768xf32>
    %swap3A_48 = vector.shape_cast %swap3A_47 : vector<1x256x768xf32> to vector<256x768xf32>
    %swap3A_49 = vector.shape_cast %add3A : vector<256x768xf32> to vector<1x256x768xf32>
    tpu.vector_store %arg9[%swap3A, %swap3A_45, %swap3A_46], %swap3A_49 {strides = array<i32>} : memref<1x384x768xf32, #tpu.memory_space<vmem>>, vector<1x256x768xf32>,
    %get3A_50 = arith.constant 0 : index
    %get3A_51 = arith.constant 256 : index
    %get3A_52 = arith.constant 0 : index
    %get3A_53 = vector.load %arg1[%get3A_50, %get3A_51, %get3A_52] : memref<1x384x768xf32, #tpu.memory_space<vmem>>, vector<1x128x768xf32>
    %get3A_54 = vector.shape_cast %get3A_53 : vector<1x128x768xf32> to vector<128x768xf32>
    %get3A_55 = arith.constant 0 : index
    %get3A_56 = arith.constant 256 : index
    %get3A_57 = arith.constant 0 : index
    %get3A_58 = vector.load %arg3[%get3A_55, %get3A_56, %get3A_57] : memref<1x384x1xf32, #tpu.memory_space<vmem>>, vector<1x128x1xf32>
    %get3A_59 = vector.shape_cast %get3A_58 : vector<1x128x1xf32> to vector<128x1xf32>
    %mul3A_60 = vector.broadcast %get3A_59 : vector<128x1xf32> to vector<128x768xf32>
    %mul3A_61 = arith.mulf %get3A_54, %mul3A_60 : vector<128x768xf32>
    %get3A_62 = arith.constant 0 : index
    %get3A_63 = arith.constant 256 : index
    %get3A_64 = arith.constant 0 : index
    %get3A_65 = vector.load %arg2[%get3A_62, %get3A_63, %get3A_64] : memref<1x384x768xf32, #tpu.memory_space<vmem>>, vector<1x128x768xf32>
    %get3A_66 = vector.shape_cast %get3A_65 : vector<1x128x768xf32> to vector<128x768xf32>
    %dot_general3A_67 = arith.constant dense<0.000000e+00> : vector<128x768xf32>
    %dot_general3A_68 = tpu.matmul %mul3A_61, %get3A_1, %dot_general3A_67 {dimension_numbers = #tpu.dot_dimension_numbers<[1], [0], [0], [1], [0, 0, 1, 1], [], []>, transpose_lhs_hint = false} : vector<128x768xf32>, vector<768x768xf32>, vector<128x768xf32> -> vector<128x768xf32>
    %dot_general3A_69 = arith.constant dense<0.000000e+00> : vector<128x128xf32>
    %dot_general3A_70 = tpu.matmul %dot_general3A_68, %mul3A_61, %dot_general3A_69 {dimension_numbers = #tpu.dot_dimension_numbers<[1], [1], [0], [0], [0, 0, 1, 0], [], []>, transpose_lhs_hint = false} : vector<128x768xf32>, vector<128x768xf32>, vector<128x128xf32> -> vector<128x128xf32>
    %mul3A_71 = arith.constant 0.0360843912 : f32
    %mul3A_72 = vector.broadcast %mul3A_71 : f32 to vector<128x128xf32>
    %mul3A_73 = arith.mulf %dot_general3A_70, %mul3A_72 : vector<128x128xf32>
    %reduce_max3A_74 = arith.constant dense<0xFF800000> : vector<128xf32>
    %reduce_max3A_75 = vector.multi_reduction <maximumf>, %mul3A_73, %reduce_max3A_74 [1] : vector<128x128xf32> to vector<128xf32>
    %broadcast_in_dim3A_76 = vector.shape_cast %reduce_max3A_75 : vector<128xf32> to vector<128x1xf32>
    %sub3A_77 = vector.broadcast %broadcast_in_dim3A_76 : vector<128x1xf32> to vector<128x128xf32>
    %sub3A_78 = arith.subf %mul3A_73, %sub3A_77 : vector<128x128xf32>
    %exp3A_79 = math.exp %sub3A_78 : vector<128x128xf32>
    %reduce_sum3A_80 = arith.constant dense<0.000000e+00> : vector<128xf32>
    %reduce_sum3A_81 = vector.multi_reduction <add>, %exp3A_79, %reduce_sum3A_80 [1] : vector<128x128xf32> to vector<128xf32>
    %broadcast_in_dim3A_82 = vector.shape_cast %reduce_sum3A_81 : vector<128xf32> to vector<128x1xf32>
    %div3A_83 = vector.broadcast %broadcast_in_dim3A_82 : vector<128x1xf32> to vector<128x128xf32>
    %div3A_84 = arith.divf %exp3A_79, %div3A_83 : vector<128x128xf32>
    %get3A_85 = arith.constant 0 : index
    %get3A_86 = arith.constant 0 : index
    %get3A_87 = vector.load %arg7[%get3A_85, %get3A_86] : memref<768x768xf32, #tpu.memory_space<vmem>>, vector<768x768xf32>
    %dot_general3A_88 = arith.constant dense<0.000000e+00> : vector<128x768xf32>
    %dot_general3A_89 = tpu.matmul %mul3A_61, %get3A_87, %dot_general3A_88 {dimension_numbers = #tpu.dot_dimension_numbers<[1], [0], [0], [1], [0, 0, 1, 1], [], []>, transpose_lhs_hint = false} : vector<128x768xf32>, vector<768x768xf32>, vector<128x768xf32> -> vector<128x768xf32>
    %dot_general3A_90 = arith.constant dense<0.000000e+00> : vector<128x768xf32>
    %dot_general3A_91 = tpu.matmul %div3A_84, %dot_general3A_89, %dot_general3A_90 {dimension_numbers = #tpu.dot_dimension_numbers<[1], [0], [0], [1], [0, 0, 1, 1], [], []>, transpose_lhs_hint = false} : vector<128x128xf32>, vector<128x768xf32>, vector<128x768xf32> -> vector<128x768xf32>
    %max3A_92 = arith.constant 0.000000e+00 : f32
    %max3A_93 = vector.broadcast %max3A_92 : f32 to vector<128x768xf32>
    %max3A_94 = arith.maximumf %dot_general3A_91, %max3A_93 : vector<128x768xf32>
    %get3A_95 = arith.constant 0 : index
    %get3A_96 = arith.constant 0 : index
    %get3A_97 = vector.load %arg8[%get3A_95, %get3A_96] : memref<768x768xf32, #tpu.memory_space<vmem>>, vector<768x768xf32>
    %dot_general3A_98 = arith.constant dense<0.000000e+00> : vector<128x768xf32>
    %dot_general3A_99 = tpu.matmul %max3A_94, %get3A_97, %dot_general3A_98 {dimension_numbers = #tpu.dot_dimension_numbers<[1], [0], [0], [1], [0, 0, 1, 1], [], []>, transpose_lhs_hint = false} : vector<128x768xf32>, vector<768x768xf32>, vector<128x768xf32> -> vector<128x768xf32>
    %dot_general3A_100 = arith.constant dense<0.000000e+00> : vector<128x768xf32>
    %dot_general3A_101 = tpu.matmul %div3A_84, %dot_general3A_99, %dot_general3A_100 {dimension_numbers = #tpu.dot_dimension_numbers<[1], [0], [0], [1], [0, 0, 1, 1], [], []>, transpose_lhs_hint = false} : vector<128x128xf32>, vector<128x768xf32>, vector<128x768xf32> -> vector<128x768xf32>
    %add3A_102 = arith.addf %dot_general3A_101, %get3A_66 : vector<128x768xf32>
    %swap3A_103 = arith.constant 0 : index
    %swap3A_104 = arith.constant 256 : index
    %swap3A_105 = arith.constant 0 : index
    %swap3A_106 = vector.load %arg9[%swap3A_103, %swap3A_104, %swap3A_105] : memref<1x384x768xf32, #tpu.memory_space<vmem>>, vector<1x128x768xf32>
    %swap3A_107 = vector.shape_cast %swap3A_106 : vector<1x128x768xf32> to vector<128x768xf32>
    %swap3A_108 = vector.shape_cast %add3A_102 : vector<128x768xf32> to vector<1x128x768xf32>
    tpu.vector_store %arg9[%swap3A_103, %swap3A_104, %swap3A_105], %swap3A_108 {strides = array<i32>} : memref<1x384x768xf32, #tpu.memory_space<vmem>>, vector<1x128x768xf32>,
    return
  }
  func.func @transform_0(%arg0: i32) -> (i32, i32, i32) {
    %c0_i32 = arith.constant 0 : i32
    %c0_i32_0 = arith.constant 0 : i32
    %c0_i32_1 = arith.constant 0 : i32
    return %arg0, %c0_i32, %c0_i32_0 : i32, i32, i32
  }
  func.func @transform_1(%arg0: i32) -> (i32, i32, i32) {
    %c0_i32 = arith.constant 0 : i32
    %c0_i32_0 = arith.constant 0 : i32
    %c0_i32_1 = arith.constant 0 : i32
    return %arg0, %c0_i32, %c0_i32_0 : i32, i32, i32
  }
  func.func @transform_2(%arg0: i32) -> (i32, i32, i32) {
    %c0_i32 = arith.constant 0 : i32
    %c0_i32_0 = arith.constant 0 : i32
    %c0_i32_1 = arith.constant 0 : i32
    return %arg0, %c0_i32, %c0_i32_0 : i32, i32, i32
  }
  func.func @transform_3(%arg0: i32) -> (i32, i32) {
    %c0_i32 = arith.constant 0 : i32
    %c0_i32_0 = arith.constant 0 : i32
    %c0_i32_1 = arith.constant 0 : i32
    return %c0_i32, %c0_i32_0 : i32, i32
  }
  func.func @transform_4(%arg0: i32) -> (i32, i32) {
    %c0_i32 = arith.constant 0 : i32
    %c0_i32_0 = arith.constant 0 : i32
    %c0_i32_1 = arith.constant 0 : i32
    return %c0_i32, %c0_i32_0 : i32, i32
  }
  func.func @transform_5(%arg0: i32) -> (i32, i32) {
    %c0_i32 = arith.constant 0 : i32
    %c0_i32_0 = arith.constant 0 : i32
    %c0_i32_1 = arith.constant 0 : i32
    return %c0_i32, %c0_i32_0 : i32, i32
  }
  func.func @transform_6(%arg0: i32) -> (i32, i32) {
    %c0_i32 = arith.constant 0 : i32
    %c0_i32_0 = arith.constant 0 : i32
    %c0_i32_1 = arith.constant 0 : i32
    return %c0_i32, %c0_i32_0 : i32, i32
  }
  func.func @transform_7(%arg0: i32) -> (i32, i32) {
    %c0_i32 = arith.constant 0 : i32
    %c0_i32_0 = arith.constant 0 : i32
    %c0_i32_1 = arith.constant 0 : i32
    return %c0_i32, %c0_i32_0 : i32, i32
  }
  func.func @transform_8(%arg0: i32) -> (i32, i32, i32) {
    %c0_i32 = arith.constant 0 : i32
    %c0_i32_0 = arith.constant 0 : i32
    %c0_i32_1 = arith.constant 0 : i32
    return %arg0, %c0_i32, %c0_i32_0 : i32, i32, i32
  }
}

module attributes {stable_mosaic.version = 14 : i64} {
  func.func @_k3_body(%arg0: i32, %arg1: i32, %arg2: memref<1x384x768xf32, #tpu.memory_space<vmem>>, %arg3: memref<1x1024x768xf32, #tpu.memory_space<vmem>>, %arg4: memref<10x768xf32, #tpu.memory_space<vmem>>, %arg5: memref<4x768x192xf32, #tpu.memory_space<vmem>>, %arg6: memref<4x768x192xf32, #tpu.memory_space<vmem>>, %arg7: memref<4x768x192xf32, #tpu.memory_space<vmem>>, %arg8: memref<4x192x768xf32, #tpu.memory_space<vmem>>, %arg9: memref<1x768xf32, #tpu.memory_space<vmem>>, %arg10: memref<1x768xf32, #tpu.memory_space<vmem>>, %arg11: memref<1x384x768xf32, #tpu.memory_space<vmem>>, %arg12: memref<4x384x192xf32, #tpu.memory_space<vmem>>, %arg13: memref<4x384x192xf32, #tpu.memory_space<vmem>>, %arg14: memref<2x4x384x128xf32, #tpu.memory_space<vmem>>) attributes {dimension_semantics = [#tpu.dimension_semantics<arbitrary>, #tpu.dimension_semantics<arbitrary>], iteration_bounds = array<i64: 4, 4>, scalar_prefetch = 0 : i64, scratch_operands = 3 : i64, tpu.core_type = #tpu.core_type<tc>, window_params = [{transform_indices = @transform_0, window_bounds = array<i64: 1, 384, 768>}, {transform_indices = @transform_1, window_bounds = array<i64: 1, 1024, 768>}, {pipeline_mode = #tpu.pipeline_mode<synchronous>, transform_indices = @transform_2, window_bounds = array<i64: 10, 768>}, {pipeline_mode = #tpu.pipeline_mode<synchronous>, transform_indices = @transform_3, window_bounds = array<i64: 4, 768, 192>}, {pipeline_mode = #tpu.pipeline_mode<synchronous>, transform_indices = @transform_4, window_bounds = array<i64: 4, 768, 192>}, {pipeline_mode = #tpu.pipeline_mode<synchronous>, transform_indices = @transform_5, window_bounds = array<i64: 4, 768, 192>}, {pipeline_mode = #tpu.pipeline_mode<synchronous>, transform_indices = @transform_6, window_bounds = array<i64: 4, 192, 768>}, {pipeline_mode = #tpu.pipeline_mode<synchronous>, transform_indices = @transform_7, window_bounds = array<i64: 1, 768>}, {pipeline_mode = #tpu.pipeline_mode<synchronous>, transform_indices = @transform_8, window_bounds = array<i64: 1, 768>}, {transform_indices = @transform_9, window_bounds = array<i64: 1, 384, 768>}]} {
    %get3A = arith.constant 0 : index
    %get3A_0 = arith.constant 0 : index
    %get3A_1 = vector.load %arg4[%get3A, %get3A_0] : memref<10x768xf32, #tpu.memory_space<vmem>>, vector<10x768xf32>
    %eq3A = arith.constant 0 : i32
    %eq3A_2 = arith.cmpi eq, %arg1, %eq3A : i32
    %convert_element_type3A = arith.extui %eq3A_2 : i1 to i32
    %cond3A = arith.constant 0 : i32
    %cond3A_3 = arith.cmpi ne, %convert_element_type3A, %cond3A : i32
    scf.if %cond3A_3 {
      %get3A_340 = arith.constant 0 : index
      %get3A_341 = arith.constant 0 : index
      %get3A_342 = arith.constant 0 : index
      %get3A_343 = vector.load %arg2[%get3A_340, %get3A_341, %get3A_342] : memref<1x384x768xf32, #tpu.memory_space<vmem>>, vector<1x384x768xf32>
      %get3A_344 = vector.shape_cast %get3A_343 : vector<1x384x768xf32> to vector<384x768xf32>
      %slice3A = vector.extract_strided_slice %get3A_1 {offsets = [0, 0], sizes = [1, 768], strides = [1, 1]} : vector<10x768xf32> to vector<1x768xf32>
      %slice3A_345 = vector.extract_strided_slice %get3A_1 {offsets = [1, 0], sizes = [1, 768], strides = [1, 1]} : vector<10x768xf32> to vector<1x768xf32>
      %reduce_sum3A_346 = arith.constant dense<0.000000e+00> : vector<384xf32>
      %reduce_sum3A_347 = vector.multi_reduction <add>, %get3A_344, %reduce_sum3A_346 [1] : vector<384x768xf32> to vector<384xf32>
      %broadcast_in_dim3A_348 = vector.shape_cast %reduce_sum3A_347 : vector<384xf32> to vector<384x1xf32>
      %div3A = arith.constant 7.680000e+02 : f32
      %div3A_349 = vector.broadcast %div3A : f32 to vector<384x1xf32>
      %div3A_350 = arith.divf %broadcast_in_dim3A_348, %div3A_349 : vector<384x1xf32>
      %sub3A_351 = vector.broadcast %div3A_350 : vector<384x1xf32> to vector<384x768xf32>
      %sub3A_352 = arith.subf %get3A_344, %sub3A_351 : vector<384x768xf32>
      %integer_pow3A = arith.mulf %sub3A_352, %sub3A_352 : vector<384x768xf32>
      %reduce_sum3A_353 = arith.constant dense<0.000000e+00> : vector<384xf32>
      %reduce_sum3A_354 = vector.multi_reduction <add>, %integer_pow3A, %reduce_sum3A_353 [1] : vector<384x768xf32> to vector<384xf32>
      %broadcast_in_dim3A_355 = vector.shape_cast %reduce_sum3A_354 : vector<384xf32> to vector<384x1xf32>
      %div3A_356 = arith.constant 7.680000e+02 : f32
      %div3A_357 = vector.broadcast %div3A_356 : f32 to vector<384x1xf32>
      %div3A_358 = arith.divf %broadcast_in_dim3A_355, %div3A_357 : vector<384x1xf32>
      %sub3A_359 = vector.broadcast %div3A_350 : vector<384x1xf32> to vector<384x768xf32>
      %sub3A_360 = arith.subf %get3A_344, %sub3A_359 : vector<384x768xf32>
      %add3A_361 = arith.constant 9.99999974E-6 : f32
      %add3A_362 = vector.broadcast %add3A_361 : f32 to vector<384x1xf32>
      %add3A_363 = arith.addf %div3A_358, %add3A_362 : vector<384x1xf32>
      %sqrt3A = math.sqrt %add3A_363 : vector<384x1xf32>
      %div3A_364 = vector.broadcast %sqrt3A : vector<384x1xf32> to vector<384x768xf32>
      %div3A_365 = arith.divf %sub3A_360, %div3A_364 : vector<384x768xf32>
      %mul3A_366 = vector.broadcast %slice3A : vector<1x768xf32> to vector<384x768xf32>
      %mul3A_367 = arith.mulf %div3A_365, %mul3A_366 : vector<384x768xf32>
      %add3A_368 = vector.broadcast %slice3A_345 : vector<1x768xf32> to vector<384x768xf32>
      %add3A_369 = arith.addf %mul3A_367, %add3A_368 : vector<384x768xf32>
      %get3A_370 = arith.constant 0 : index
      %get3A_371 = arith.constant 0 : index
      %get3A_372 = arith.constant 0 : index
      %get3A_373 = vector.load %arg5[%get3A_370, %get3A_371, %get3A_372] : memref<4x768x192xf32, #tpu.memory_space<vmem>>, vector<1x768x192xf32>
      %get3A_374 = vector.shape_cast %get3A_373 : vector<1x768x192xf32> to vector<768x192xf32>
      %dot_general3A_375 = arith.constant dense<0.000000e+00> : vector<384x192xf32>
      %dot_general3A_376 = tpu.matmul %add3A_369, %get3A_374, %dot_general3A_375 {dimension_numbers = #tpu.dot_dimension_numbers<[1], [0], [0], [1], [0, 0, 1, 1], [], []>, transpose_lhs_hint = false} : vector<384x768xf32>, vector<768x192xf32>, vector<384x192xf32> -> vector<384x192xf32>
      %swap3A_377 = arith.constant 0 : index
      %swap3A_378 = arith.constant 0 : index
      %swap3A_379 = arith.constant 0 : index
      %swap3A_380 = vector.load %arg12[%swap3A_377, %swap3A_378, %swap3A_379] : memref<4x384x192xf32, #tpu.memory_space<vmem>>, vector<1x384x192xf32>
      %swap3A_381 = vector.shape_cast %swap3A_380 : vector<1x384x192xf32> to vector<384x192xf32>
      %swap3A_382 = vector.shape_cast %dot_general3A_376 : vector<384x192xf32> to vector<1x384x192xf32>
      tpu.vector_store %arg12[%swap3A_377, %swap3A_378, %swap3A_379], %swap3A_382 {strides = array<i32>} : memref<4x384x192xf32, #tpu.memory_space<vmem>>, vector<1x384x192xf32>,
      %broadcast_in_dim3A_383 = arith.constant 0.000000e+00 : f32
      %broadcast_in_dim3A_384 = vector.broadcast %broadcast_in_dim3A_383 : f32 to vector<384x192xf32>
      %swap3A_385 = arith.constant 0 : index
      %swap3A_386 = arith.constant 0 : index
      %swap3A_387 = arith.constant 0 : index
      %swap3A_388 = vector.load %arg13[%swap3A_385, %swap3A_386, %swap3A_387] : memref<4x384x192xf32, #tpu.memory_space<vmem>>, vector<1x384x192xf32>
      %swap3A_389 = vector.shape_cast %swap3A_388 : vector<1x384x192xf32> to vector<384x192xf32>
      %swap3A_390 = vector.shape_cast %broadcast_in_dim3A_384 : vector<384x192xf32> to vector<1x384x192xf32>
      tpu.vector_store %arg13[%swap3A_385, %swap3A_386, %swap3A_387], %swap3A_390 {strides = array<i32>} : memref<4x384x192xf32, #tpu.memory_space<vmem>>, vector<1x384x192xf32>,
      %get3A_391 = arith.constant 1 : index
      %get3A_392 = arith.constant 0 : index
      %get3A_393 = arith.constant 0 : index
      %get3A_394 = vector.load %arg5[%get3A_391, %get3A_392, %get3A_393] : memref<4x768x192xf32, #tpu.memory_space<vmem>>, vector<1x768x192xf32>
      %get3A_395 = vector.shape_cast %get3A_394 : vector<1x768x192xf32> to vector<768x192xf32>
      %dot_general3A_396 = arith.constant dense<0.000000e+00> : vector<384x192xf32>
      %dot_general3A_397 = tpu.matmul %add3A_369, %get3A_395, %dot_general3A_396 {dimension_numbers = #tpu.dot_dimension_numbers<[1], [0], [0], [1], [0, 0, 1, 1], [], []>, transpose_lhs_hint = false} : vector<384x768xf32>, vector<768x192xf32>, vector<384x192xf32> -> vector<384x192xf32>
      %swap3A_398 = arith.constant 1 : index
      %swap3A_399 = arith.constant 0 : index
      %swap3A_400 = arith.constant 0 : index
      %swap3A_401 = vector.load %arg12[%swap3A_398, %swap3A_399, %swap3A_400] : memref<4x384x192xf32, #tpu.memory_space<vmem>>, vector<1x384x192xf32>
      %swap3A_402 = vector.shape_cast %swap3A_401 : vector<1x384x192xf32> to vector<384x192xf32>
      %swap3A_403 = vector.shape_cast %dot_general3A_397 : vector<384x192xf32> to vector<1x384x192xf32>
      tpu.vector_store %arg12[%swap3A_398, %swap3A_399, %swap3A_400], %swap3A_403 {strides = array<i32>} : memref<4x384x192xf32, #tpu.memory_space<vmem>>, vector<1x384x192xf32>,
      %broadcast_in_dim3A_404 = arith.constant 0.000000e+00 : f32
      %broadcast_in_dim3A_405 = vector.broadcast %broadcast_in_dim3A_404 : f32 to vector<384x192xf32>
      %swap3A_406 = arith.constant 1 : index
      %swap3A_407 = arith.constant 0 : index
      %swap3A_408 = arith.constant 0 : index
      %swap3A_409 = vector.load %arg13[%swap3A_406, %swap3A_407, %swap3A_408] : memref<4x384x192xf32, #tpu.memory_space<vmem>>, vector<1x384x192xf32>
      %swap3A_410 = vector.shape_cast %swap3A_409 : vector<1x384x192xf32> to vector<384x192xf32>
      %swap3A_411 = vector.shape_cast %broadcast_in_dim3A_405 : vector<384x192xf32> to vector<1x384x192xf32>
      tpu.vector_store %arg13[%swap3A_406, %swap3A_407, %swap3A_408], %swap3A_411 {strides = array<i32>} : memref<4x384x192xf32, #tpu.memory_space<vmem>>, vector<1x384x192xf32>,
      %get3A_412 = arith.constant 2 : index
      %get3A_413 = arith.constant 0 : index
      %get3A_414 = arith.constant 0 : index
      %get3A_415 = vector.load %arg5[%get3A_412, %get3A_413, %get3A_414] : memref<4x768x192xf32, #tpu.memory_space<vmem>>, vector<1x768x192xf32>
      %get3A_416 = vector.shape_cast %get3A_415 : vector<1x768x192xf32> to vector<768x192xf32>
      %dot_general3A_417 = arith.constant dense<0.000000e+00> : vector<384x192xf32>
      %dot_general3A_418 = tpu.matmul %add3A_369, %get3A_416, %dot_general3A_417 {dimension_numbers = #tpu.dot_dimension_numbers<[1], [0], [0], [1], [0, 0, 1, 1], [], []>, transpose_lhs_hint = false} : vector<384x768xf32>, vector<768x192xf32>, vector<384x192xf32> -> vector<384x192xf32>
      %swap3A_419 = arith.constant 2 : index
      %swap3A_420 = arith.constant 0 : index
      %swap3A_421 = arith.constant 0 : index
      %swap3A_422 = vector.load %arg12[%swap3A_419, %swap3A_420, %swap3A_421] : memref<4x384x192xf32, #tpu.memory_space<vmem>>, vector<1x384x192xf32>
      %swap3A_423 = vector.shape_cast %swap3A_422 : vector<1x384x192xf32> to vector<384x192xf32>
      %swap3A_424 = vector.shape_cast %dot_general3A_418 : vector<384x192xf32> to vector<1x384x192xf32>
      tpu.vector_store %arg12[%swap3A_419, %swap3A_420, %swap3A_421], %swap3A_424 {strides = array<i32>} : memref<4x384x192xf32, #tpu.memory_space<vmem>>, vector<1x384x192xf32>,
      %broadcast_in_dim3A_425 = arith.constant 0.000000e+00 : f32
      %broadcast_in_dim3A_426 = vector.broadcast %broadcast_in_dim3A_425 : f32 to vector<384x192xf32>
      %swap3A_427 = arith.constant 2 : index
      %swap3A_428 = arith.constant 0 : index
      %swap3A_429 = arith.constant 0 : index
      %swap3A_430 = vector.load %arg13[%swap3A_427, %swap3A_428, %swap3A_429] : memref<4x384x192xf32, #tpu.memory_space<vmem>>, vector<1x384x192xf32>
      %swap3A_431 = vector.shape_cast %swap3A_430 : vector<1x384x192xf32> to vector<384x192xf32>
      %swap3A_432 = vector.shape_cast %broadcast_in_dim3A_426 : vector<384x192xf32> to vector<1x384x192xf32>
      tpu.vector_store %arg13[%swap3A_427, %swap3A_428, %swap3A_429], %swap3A_432 {strides = array<i32>} : memref<4x384x192xf32, #tpu.memory_space<vmem>>, vector<1x384x192xf32>,
      %get3A_433 = arith.constant 3 : index
      %get3A_434 = arith.constant 0 : index
      %get3A_435 = arith.constant 0 : index
      %get3A_436 = vector.load %arg5[%get3A_433, %get3A_434, %get3A_435] : memref<4x768x192xf32, #tpu.memory_space<vmem>>, vector<1x768x192xf32>
      %get3A_437 = vector.shape_cast %get3A_436 : vector<1x768x192xf32> to vector<768x192xf32>
      %dot_general3A_438 = arith.constant dense<0.000000e+00> : vector<384x192xf32>
      %dot_general3A_439 = tpu.matmul %add3A_369, %get3A_437, %dot_general3A_438 {dimension_numbers = #tpu.dot_dimension_numbers<[1], [0], [0], [1], [0, 0, 1, 1], [], []>, transpose_lhs_hint = false} : vector<384x768xf32>, vector<768x192xf32>, vector<384x192xf32> -> vector<384x192xf32>
      %swap3A_440 = arith.constant 3 : index
      %swap3A_441 = arith.constant 0 : index
      %swap3A_442 = arith.constant 0 : index
      %swap3A_443 = vector.load %arg12[%swap3A_440, %swap3A_441, %swap3A_442] : memref<4x384x192xf32, #tpu.memory_space<vmem>>, vector<1x384x192xf32>
      %swap3A_444 = vector.shape_cast %swap3A_443 : vector<1x384x192xf32> to vector<384x192xf32>
      %swap3A_445 = vector.shape_cast %dot_general3A_439 : vector<384x192xf32> to vector<1x384x192xf32>
      tpu.vector_store %arg12[%swap3A_440, %swap3A_441, %swap3A_442], %swap3A_445 {strides = array<i32>} : memref<4x384x192xf32, #tpu.memory_space<vmem>>, vector<1x384x192xf32>,
      %broadcast_in_dim3A_446 = arith.constant 0.000000e+00 : f32
      %broadcast_in_dim3A_447 = vector.broadcast %broadcast_in_dim3A_446 : f32 to vector<384x192xf32>
      %swap3A_448 = arith.constant 3 : index
      %swap3A_449 = arith.constant 0 : index
      %swap3A_450 = arith.constant 0 : index
      %swap3A_451 = vector.load %arg13[%swap3A_448, %swap3A_449, %swap3A_450] : memref<4x384x192xf32, #tpu.memory_space<vmem>>, vector<1x384x192xf32>
      %swap3A_452 = vector.shape_cast %swap3A_451 : vector<1x384x192xf32> to vector<384x192xf32>
      %swap3A_453 = vector.shape_cast %broadcast_in_dim3A_447 : vector<384x192xf32> to vector<1x384x192xf32>
      tpu.vector_store %arg13[%swap3A_448, %swap3A_449, %swap3A_450], %swap3A_453 {strides = array<i32>} : memref<4x384x192xf32, #tpu.memory_space<vmem>>, vector<1x384x192xf32>,
      %broadcast_in_dim3A_454 = arith.constant -1.000000e+30 : f32
      %broadcast_in_dim3A_455 = vector.broadcast %broadcast_in_dim3A_454 : f32 to vector<4x384x128xf32>
      %swap3A_456 = arith.constant 0 : index
      %swap3A_457 = arith.constant 0 : index
      %swap3A_458 = arith.constant 0 : index
      %swap3A_459 = arith.constant 0 : index
      %swap3A_460 = vector.load %arg14[%swap3A_456, %swap3A_457, %swap3A_458, %swap3A_459] : memref<2x4x384x128xf32, #tpu.memory_space<vmem>>, vector<1x4x384x128xf32>
      %swap3A_461 = vector.shape_cast %swap3A_460 : vector<1x4x384x128xf32> to vector<4x384x128xf32>
      %swap3A_462 = vector.shape_cast %broadcast_in_dim3A_455 : vector<4x384x128xf32> to vector<1x4x384x128xf32>
      tpu.vector_store %arg14[%swap3A_456, %swap3A_457, %swap3A_458, %swap3A_459], %swap3A_462 {strides = array<i32>} : memref<2x4x384x128xf32, #tpu.memory_space<vmem>>, vector<1x4x384x128xf32>,
      %broadcast_in_dim3A_463 = arith.constant 0.000000e+00 : f32
      %broadcast_in_dim3A_464 = vector.broadcast %broadcast_in_dim3A_463 : f32 to vector<4x384x128xf32>
      %swap3A_465 = arith.constant 1 : index
      %swap3A_466 = arith.constant 0 : index
      %swap3A_467 = arith.constant 0 : index
      %swap3A_468 = arith.constant 0 : index
      %swap3A_469 = vector.load %arg14[%swap3A_465, %swap3A_466, %swap3A_467, %swap3A_468] : memref<2x4x384x128xf32, #tpu.memory_space<vmem>>, vector<1x4x384x128xf32>
      %swap3A_470 = vector.shape_cast %swap3A_469 : vector<1x4x384x128xf32> to vector<4x384x128xf32>
      %swap3A_471 = vector.shape_cast %broadcast_in_dim3A_464 : vector<4x384x128xf32> to vector<1x4x384x128xf32>
      tpu.vector_store %arg14[%swap3A_465, %swap3A_466, %swap3A_467, %swap3A_468], %swap3A_471 {strides = array<i32>} : memref<2x4x384x128xf32, #tpu.memory_space<vmem>>, vector<1x4x384x128xf32>,
    } else {
    }
    %get3A_4 = arith.constant 0 : index
    %get3A_5 = arith.constant 0 : index
    %get3A_6 = arith.constant 0 : index
    %get3A_7 = vector.load %arg3[%get3A_4, %get3A_5, %get3A_6] : memref<1x1024x768xf32, #tpu.memory_space<vmem>>, vector<1x1024x768xf32>
    %get3A_8 = vector.shape_cast %get3A_7 : vector<1x1024x768xf32> to vector<1024x768xf32>
    %get3A_9 = arith.constant 0 : index
    %get3A_10 = arith.constant 0 : index
    %get3A_11 = arith.constant 0 : index
    %get3A_12 = vector.load %arg6[%get3A_9, %get3A_10, %get3A_11] : memref<4x768x192xf32, #tpu.memory_space<vmem>>, vector<1x768x192xf32>
    %get3A_13 = vector.shape_cast %get3A_12 : vector<1x768x192xf32> to vector<768x192xf32>
    %dot_general3A = arith.constant dense<0.000000e+00> : vector<1024x192xf32>
    %dot_general3A_14 = tpu.matmul %get3A_8, %get3A_13, %dot_general3A {dimension_numbers = #tpu.dot_dimension_numbers<[1], [0], [0], [1], [0, 0, 1, 1], [], []>, transpose_lhs_hint = false} : vector<1024x768xf32>, vector<768x192xf32>, vector<1024x192xf32> -> vector<1024x192xf32>
    %get3A_15 = arith.constant 0 : index
    %get3A_16 = arith.constant 0 : index
    %get3A_17 = arith.constant 0 : index
    %get3A_18 = vector.load %arg7[%get3A_15, %get3A_16, %get3A_17] : memref<4x768x192xf32, #tpu.memory_space<vmem>>, vector<1x768x192xf32>
    %get3A_19 = vector.shape_cast %get3A_18 : vector<1x768x192xf32> to vector<768x192xf32>
    %dot_general3A_20 = arith.constant dense<0.000000e+00> : vector<1024x192xf32>
    %dot_general3A_21 = tpu.matmul %get3A_8, %get3A_19, %dot_general3A_20 {dimension_numbers = #tpu.dot_dimension_numbers<[1], [0], [0], [1], [0, 0, 1, 1], [], []>, transpose_lhs_hint = false} : vector<1024x768xf32>, vector<768x192xf32>, vector<1024x192xf32> -> vector<1024x192xf32>
    %get3A_22 = arith.constant 0 : index
    %get3A_23 = arith.constant 0 : index
    %get3A_24 = arith.constant 0 : index
    %get3A_25 = vector.load %arg12[%get3A_22, %get3A_23, %get3A_24] : memref<4x384x192xf32, #tpu.memory_space<vmem>>, vector<1x384x192xf32>
    %get3A_26 = vector.shape_cast %get3A_25 : vector<1x384x192xf32> to vector<384x192xf32>
    %dot_general3A_27 = arith.constant dense<0.000000e+00> : vector<384x1024xf32>
    %dot_general3A_28 = tpu.matmul %get3A_26, %dot_general3A_14, %dot_general3A_27 {dimension_numbers = #tpu.dot_dimension_numbers<[1], [1], [0], [0], [0, 0, 1, 0], [], []>, transpose_lhs_hint = false} : vector<384x192xf32>, vector<1024x192xf32>, vector<384x1024xf32> -> vector<384x1024xf32>
    %mul3A = arith.constant 0.0721687824 : f32
    %mul3A_29 = vector.broadcast %mul3A : f32 to vector<384x1024xf32>
    %mul3A_30 = arith.mulf %dot_general3A_28, %mul3A_29 : vector<384x1024xf32>
    %get3A_31 = arith.constant 0 : index
    %get3A_32 = arith.constant 0 : index
    %get3A_33 = arith.constant 0 : index
    %get3A_34 = arith.constant 0 : index
    %get3A_35 = vector.load %arg14[%get3A_31, %get3A_32, %get3A_33, %get3A_34] : memref<2x4x384x128xf32, #tpu.memory_space<vmem>>, vector<1x1x384x1xf32>
    %get3A_36 = vector.shape_cast %get3A_35 : vector<1x1x384x1xf32> to vector<384x1xf32>
    %get3A_37 = arith.constant 1 : index
    %get3A_38 = arith.constant 0 : index
    %get3A_39 = arith.constant 0 : index
    %get3A_40 = arith.constant 0 : index
    %get3A_41 = vector.load %arg14[%get3A_37, %get3A_38, %get3A_39, %get3A_40] : memref<2x4x384x128xf32, #tpu.memory_space<vmem>>, vector<1x1x384x1xf32>
    %get3A_42 = vector.shape_cast %get3A_41 : vector<1x1x384x1xf32> to vector<384x1xf32>
    %reduce_max3A = arith.constant dense<0xFF800000> : vector<384xf32>
    %reduce_max3A_43 = vector.multi_reduction <maximumf>, %mul3A_30, %reduce_max3A [1] : vector<384x1024xf32> to vector<384xf32>
    %broadcast_in_dim3A = vector.shape_cast %reduce_max3A_43 : vector<384xf32> to vector<384x1xf32>
    %max3A = arith.maximumf %get3A_36, %broadcast_in_dim3A : vector<384x1xf32>
    %sub3A = arith.subf %get3A_36, %max3A : vector<384x1xf32>
    %exp3A = math.exp %sub3A : vector<384x1xf32>
    %sub3A_44 = vector.broadcast %max3A : vector<384x1xf32> to vector<384x1024xf32>
    %sub3A_45 = arith.subf %mul3A_30, %sub3A_44 : vector<384x1024xf32>
    %exp3A_46 = math.exp %sub3A_45 : vector<384x1024xf32>
    %mul3A_47 = arith.mulf %get3A_42, %exp3A : vector<384x1xf32>
    %reduce_sum3A = arith.constant dense<0.000000e+00> : vector<384xf32>
    %reduce_sum3A_48 = vector.multi_reduction <add>, %exp3A_46, %reduce_sum3A [1] : vector<384x1024xf32> to vector<384xf32>
    %broadcast_in_dim3A_49 = vector.shape_cast %reduce_sum3A_48 : vector<384xf32> to vector<384x1xf32>
    %add3A = arith.addf %mul3A_47, %broadcast_in_dim3A_49 : vector<384x1xf32>
    %get3A_50 = arith.constant 0 : index
    %get3A_51 = arith.constant 0 : index
    %get3A_52 = arith.constant 0 : index
    %get3A_53 = vector.load %arg13[%get3A_50, %get3A_51, %get3A_52] : memref<4x384x192xf32, #tpu.memory_space<vmem>>, vector<1x384x192xf32>
    %get3A_54 = vector.shape_cast %get3A_53 : vector<1x384x192xf32> to vector<384x192xf32>
    %mul3A_55 = vector.broadcast %exp3A : vector<384x1xf32> to vector<384x192xf32>
    %mul3A_56 = arith.mulf %get3A_54, %mul3A_55 : vector<384x192xf32>
    %dot_general3A_57 = arith.constant dense<0.000000e+00> : vector<384x192xf32>
    %dot_general3A_58 = tpu.matmul %exp3A_46, %dot_general3A_21, %dot_general3A_57 {dimension_numbers = #tpu.dot_dimension_numbers<[1], [0], [0], [1], [0, 0, 1, 1], [], []>, transpose_lhs_hint = false} : vector<384x1024xf32>, vector<1024x192xf32>, vector<384x192xf32> -> vector<384x192xf32>
    %add3A_59 = arith.addf %mul3A_56, %dot_general3A_58 : vector<384x192xf32>
    %swap3A = arith.constant 0 : index
    %swap3A_60 = arith.constant 0 : index
    %swap3A_61 = arith.constant 0 : index
    %swap3A_62 = vector.load %arg13[%swap3A, %swap3A_60, %swap3A_61] : memref<4x384x192xf32, #tpu.memory_space<vmem>>, vector<1x384x192xf32>
    %swap3A_63 = vector.shape_cast %swap3A_62 : vector<1x384x192xf32> to vector<384x192xf32>
    %swap3A_64 = vector.shape_cast %add3A_59 : vector<384x192xf32> to vector<1x384x192xf32>
    tpu.vector_store %arg13[%swap3A, %swap3A_60, %swap3A_61], %swap3A_64 {strides = array<i32>} : memref<4x384x192xf32, #tpu.memory_space<vmem>>, vector<1x384x192xf32>,
    %broadcast_in_dim3A_65 = vector.shape_cast %max3A : vector<384x1xf32> to vector<384x1xf32>
    %broadcast_in_dim3A_66 = vector.broadcast %broadcast_in_dim3A_65 : vector<384x1xf32> to vector<384x128xf32>
    %swap3A_67 = arith.constant 0 : index
    %swap3A_68 = arith.constant 0 : index
    %swap3A_69 = arith.constant 0 : index
    %swap3A_70 = arith.constant 0 : index
    %swap3A_71 = vector.load %arg14[%swap3A_67, %swap3A_68, %swap3A_69, %swap3A_70] : memref<2x4x384x128xf32, #tpu.memory_space<vmem>>, vector<1x1x384x128xf32>
    %swap3A_72 = vector.shape_cast %swap3A_71 : vector<1x1x384x128xf32> to vector<384x128xf32>
    %swap3A_73 = vector.shape_cast %broadcast_in_dim3A_66 : vector<384x128xf32> to vector<1x1x384x128xf32>
    tpu.vector_store %arg14[%swap3A_67, %swap3A_68, %swap3A_69, %swap3A_70], %swap3A_73 {strides = array<i32>} : memref<2x4x384x128xf32, #tpu.memory_space<vmem>>, vector<1x1x384x128xf32>,
    %broadcast_in_dim3A_74 = vector.shape_cast %add3A : vector<384x1xf32> to vector<384x1xf32>
    %broadcast_in_dim3A_75 = vector.broadcast %broadcast_in_dim3A_74 : vector<384x1xf32> to vector<384x128xf32>
    %swap3A_76 = arith.constant 1 : index
    %swap3A_77 = arith.constant 0 : index
    %swap3A_78 = arith.constant 0 : index
    %swap3A_79 = arith.constant 0 : index
    %swap3A_80 = vector.load %arg14[%swap3A_76, %swap3A_77, %swap3A_78, %swap3A_79] : memref<2x4x384x128xf32, #tpu.memory_space<vmem>>, vector<1x1x384x128xf32>
    %swap3A_81 = vector.shape_cast %swap3A_80 : vector<1x1x384x128xf32> to vector<384x128xf32>
    %swap3A_82 = vector.shape_cast %broadcast_in_dim3A_75 : vector<384x128xf32> to vector<1x1x384x128xf32>
    tpu.vector_store %arg14[%swap3A_76, %swap3A_77, %swap3A_78, %swap3A_79], %swap3A_82 {strides = array<i32>} : memref<2x4x384x128xf32, #tpu.memory_space<vmem>>, vector<1x1x384x128xf32>,
    %get3A_83 = arith.constant 1 : index
    %get3A_84 = arith.constant 0 : index
    %get3A_85 = arith.constant 0 : index
    %get3A_86 = vector.load %arg6[%get3A_83, %get3A_84, %get3A_85] : memref<4x768x192xf32, #tpu.memory_space<vmem>>, vector<1x768x192xf32>
    %get3A_87 = vector.shape_cast %get3A_86 : vector<1x768x192xf32> to vector<768x192xf32>
    %dot_general3A_88 = arith.constant dense<0.000000e+00> : vector<1024x192xf32>
    %dot_general3A_89 = tpu.matmul %get3A_8, %get3A_87, %dot_general3A_88 {dimension_numbers = #tpu.dot_dimension_numbers<[1], [0], [0], [1], [0, 0, 1, 1], [], []>, transpose_lhs_hint = false} : vector<1024x768xf32>, vector<768x192xf32>, vector<1024x192xf32> -> vector<1024x192xf32>
    %get3A_90 = arith.constant 1 : index
    %get3A_91 = arith.constant 0 : index
    %get3A_92 = arith.constant 0 : index
    %get3A_93 = vector.load %arg7[%get3A_90, %get3A_91, %get3A_92] : memref<4x768x192xf32, #tpu.memory_space<vmem>>, vector<1x768x192xf32>
    %get3A_94 = vector.shape_cast %get3A_93 : vector<1x768x192xf32> to vector<768x192xf32>
    %dot_general3A_95 = arith.constant dense<0.000000e+00> : vector<1024x192xf32>
    %dot_general3A_96 = tpu.matmul %get3A_8, %get3A_94, %dot_general3A_95 {dimension_numbers = #tpu.dot_dimension_numbers<[1], [0], [0], [1], [0, 0, 1, 1], [], []>, transpose_lhs_hint = false} : vector<1024x768xf32>, vector<768x192xf32>, vector<1024x192xf32> -> vector<1024x192xf32>
    %get3A_97 = arith.constant 1 : index
    %get3A_98 = arith.constant 0 : index
    %get3A_99 = arith.constant 0 : index
    %get3A_100 = vector.load %arg12[%get3A_97, %get3A_98, %get3A_99] : memref<4x384x192xf32, #tpu.memory_space<vmem>>, vector<1x384x192xf32>
    %get3A_101 = vector.shape_cast %get3A_100 : vector<1x384x192xf32> to vector<384x192xf32>
    %dot_general3A_102 = arith.constant dense<0.000000e+00> : vector<384x1024xf32>
    %dot_general3A_103 = tpu.matmul %get3A_101, %dot_general3A_89, %dot_general3A_102 {dimension_numbers = #tpu.dot_dimension_numbers<[1], [1], [0], [0], [0, 0, 1, 0], [], []>, transpose_lhs_hint = false} : vector<384x192xf32>, vector<1024x192xf32>, vector<384x1024xf32> -> vector<384x1024xf32>
    %mul3A_104 = arith.constant 0.0721687824 : f32
    %mul3A_105 = vector.broadcast %mul3A_104 : f32 to vector<384x1024xf32>
    %mul3A_106 = arith.mulf %dot_general3A_103, %mul3A_105 : vector<384x1024xf32>
    %get3A_107 = arith.constant 0 : index
    %get3A_108 = arith.constant 1 : index
    %get3A_109 = arith.constant 0 : index
    %get3A_110 = arith.constant 0 : index
    %get3A_111 = vector.load %arg14[%get3A_107, %get3A_108, %get3A_109, %get3A_110] : memref<2x4x384x128xf32, #tpu.memory_space<vmem>>, vector<1x1x384x1xf32>
    %get3A_112 = vector.shape_cast %get3A_111 : vector<1x1x384x1xf32> to vector<384x1xf32>
    %get3A_113 = arith.constant 1 : index
    %get3A_114 = arith.constant 1 : index
    %get3A_115 = arith.constant 0 : index
    %get3A_116 = arith.constant 0 : index
    %get3A_117 = vector.load %arg14[%get3A_113, %get3A_114, %get3A_115, %get3A_116] : memref<2x4x384x128xf32, #tpu.memory_space<vmem>>, vector<1x1x384x1xf32>
    %get3A_118 = vector.shape_cast %get3A_117 : vector<1x1x384x1xf32> to vector<384x1xf32>
    %reduce_max3A_119 = arith.constant dense<0xFF800000> : vector<384xf32>
    %reduce_max3A_120 = vector.multi_reduction <maximumf>, %mul3A_106, %reduce_max3A_119 [1] : vector<384x1024xf32> to vector<384xf32>
    %broadcast_in_dim3A_121 = vector.shape_cast %reduce_max3A_120 : vector<384xf32> to vector<384x1xf32>
    %max3A_122 = arith.maximumf %get3A_112, %broadcast_in_dim3A_121 : vector<384x1xf32>
    %sub3A_123 = arith.subf %get3A_112, %max3A_122 : vector<384x1xf32>
    %exp3A_124 = math.exp %sub3A_123 : vector<384x1xf32>
    %sub3A_125 = vector.broadcast %max3A_122 : vector<384x1xf32> to vector<384x1024xf32>
    %sub3A_126 = arith.subf %mul3A_106, %sub3A_125 : vector<384x1024xf32>
    %exp3A_127 = math.exp %sub3A_126 : vector<384x1024xf32>
    %mul3A_128 = arith.mulf %get3A_118, %exp3A_124 : vector<384x1xf32>
    %reduce_sum3A_129 = arith.constant dense<0.000000e+00> : vector<384xf32>
    %reduce_sum3A_130 = vector.multi_reduction <add>, %exp3A_127, %reduce_sum3A_129 [1] : vector<384x1024xf32> to vector<384xf32>
    %broadcast_in_dim3A_131 = vector.shape_cast %reduce_sum3A_130 : vector<384xf32> to vector<384x1xf32>
    %add3A_132 = arith.addf %mul3A_128, %broadcast_in_dim3A_131 : vector<384x1xf32>
    %get3A_133 = arith.constant 1 : index
    %get3A_134 = arith.constant 0 : index
    %get3A_135 = arith.constant 0 : index
    %get3A_136 = vector.load %arg13[%get3A_133, %get3A_134, %get3A_135] : memref<4x384x192xf32, #tpu.memory_space<vmem>>, vector<1x384x192xf32>
    %get3A_137 = vector.shape_cast %get3A_136 : vector<1x384x192xf32> to vector<384x192xf32>
    %mul3A_138 = vector.broadcast %exp3A_124 : vector<384x1xf32> to vector<384x192xf32>
    %mul3A_139 = arith.mulf %get3A_137, %mul3A_138 : vector<384x192xf32>
    %dot_general3A_140 = arith.constant dense<0.000000e+00> : vector<384x192xf32>
    %dot_general3A_141 = tpu.matmul %exp3A_127, %dot_general3A_96, %dot_general3A_140 {dimension_numbers = #tpu.dot_dimension_numbers<[1], [0], [0], [1], [0, 0, 1, 1], [], []>, transpose_lhs_hint = false} : vector<384x1024xf32>, vector<1024x192xf32>, vector<384x192xf32> -> vector<384x192xf32>
    %add3A_142 = arith.addf %mul3A_139, %dot_general3A_141 : vector<384x192xf32>
    %swap3A_143 = arith.constant 1 : index
    %swap3A_144 = arith.constant 0 : index
    %swap3A_145 = arith.constant 0 : index
    %swap3A_146 = vector.load %arg13[%swap3A_143, %swap3A_144, %swap3A_145] : memref<4x384x192xf32, #tpu.memory_space<vmem>>, vector<1x384x192xf32>
    %swap3A_147 = vector.shape_cast %swap3A_146 : vector<1x384x192xf32> to vector<384x192xf32>
    %swap3A_148 = vector.shape_cast %add3A_142 : vector<384x192xf32> to vector<1x384x192xf32>
    tpu.vector_store %arg13[%swap3A_143, %swap3A_144, %swap3A_145], %swap3A_148 {strides = array<i32>} : memref<4x384x192xf32, #tpu.memory_space<vmem>>, vector<1x384x192xf32>,
    %broadcast_in_dim3A_149 = vector.shape_cast %max3A_122 : vector<384x1xf32> to vector<384x1xf32>
    %broadcast_in_dim3A_150 = vector.broadcast %broadcast_in_dim3A_149 : vector<384x1xf32> to vector<384x128xf32>
    %swap3A_151 = arith.constant 0 : index
    %swap3A_152 = arith.constant 1 : index
    %swap3A_153 = arith.constant 0 : index
    %swap3A_154 = arith.constant 0 : index
    %swap3A_155 = vector.load %arg14[%swap3A_151, %swap3A_152, %swap3A_153, %swap3A_154] : memref<2x4x384x128xf32, #tpu.memory_space<vmem>>, vector<1x1x384x128xf32>
    %swap3A_156 = vector.shape_cast %swap3A_155 : vector<1x1x384x128xf32> to vector<384x128xf32>
    %swap3A_157 = vector.shape_cast %broadcast_in_dim3A_150 : vector<384x128xf32> to vector<1x1x384x128xf32>
    tpu.vector_store %arg14[%swap3A_151, %swap3A_152, %swap3A_153, %swap3A_154], %swap3A_157 {strides = array<i32>} : memref<2x4x384x128xf32, #tpu.memory_space<vmem>>, vector<1x1x384x128xf32>,
    %broadcast_in_dim3A_158 = vector.shape_cast %add3A_132 : vector<384x1xf32> to vector<384x1xf32>
    %broadcast_in_dim3A_159 = vector.broadcast %broadcast_in_dim3A_158 : vector<384x1xf32> to vector<384x128xf32>
    %swap3A_160 = arith.constant 1 : index
    %swap3A_161 = arith.constant 1 : index
    %swap3A_162 = arith.constant 0 : index
    %swap3A_163 = arith.constant 0 : index
    %swap3A_164 = vector.load %arg14[%swap3A_160, %swap3A_161, %swap3A_162, %swap3A_163] : memref<2x4x384x128xf32, #tpu.memory_space<vmem>>, vector<1x1x384x128xf32>
    %swap3A_165 = vector.shape_cast %swap3A_164 : vector<1x1x384x128xf32> to vector<384x128xf32>
    %swap3A_166 = vector.shape_cast %broadcast_in_dim3A_159 : vector<384x128xf32> to vector<1x1x384x128xf32>
    tpu.vector_store %arg14[%swap3A_160, %swap3A_161, %swap3A_162, %swap3A_163], %swap3A_166 {strides = array<i32>} : memref<2x4x384x128xf32, #tpu.memory_space<vmem>>, vector<1x1x384x128xf32>,
    %get3A_167 = arith.constant 2 : index
    %get3A_168 = arith.constant 0 : index
    %get3A_169 = arith.constant 0 : index
    %get3A_170 = vector.load %arg6[%get3A_167, %get3A_168, %get3A_169] : memref<4x768x192xf32, #tpu.memory_space<vmem>>, vector<1x768x192xf32>
    %get3A_171 = vector.shape_cast %get3A_170 : vector<1x768x192xf32> to vector<768x192xf32>
    %dot_general3A_172 = arith.constant dense<0.000000e+00> : vector<1024x192xf32>
    %dot_general3A_173 = tpu.matmul %get3A_8, %get3A_171, %dot_general3A_172 {dimension_numbers = #tpu.dot_dimension_numbers<[1], [0], [0], [1], [0, 0, 1, 1], [], []>, transpose_lhs_hint = false} : vector<1024x768xf32>, vector<768x192xf32>, vector<1024x192xf32> -> vector<1024x192xf32>
    %get3A_174 = arith.constant 2 : index
    %get3A_175 = arith.constant 0 : index
    %get3A_176 = arith.constant 0 : index
    %get3A_177 = vector.load %arg7[%get3A_174, %get3A_175, %get3A_176] : memref<4x768x192xf32, #tpu.memory_space<vmem>>, vector<1x768x192xf32>
    %get3A_178 = vector.shape_cast %get3A_177 : vector<1x768x192xf32> to vector<768x192xf32>
    %dot_general3A_179 = arith.constant dense<0.000000e+00> : vector<1024x192xf32>
    %dot_general3A_180 = tpu.matmul %get3A_8, %get3A_178, %dot_general3A_179 {dimension_numbers = #tpu.dot_dimension_numbers<[1], [0], [0], [1], [0, 0, 1, 1], [], []>, transpose_lhs_hint = false} : vector<1024x768xf32>, vector<768x192xf32>, vector<1024x192xf32> -> vector<1024x192xf32>
    %get3A_181 = arith.constant 2 : index
    %get3A_182 = arith.constant 0 : index
    %get3A_183 = arith.constant 0 : index
    %get3A_184 = vector.load %arg12[%get3A_181, %get3A_182, %get3A_183] : memref<4x384x192xf32, #tpu.memory_space<vmem>>, vector<1x384x192xf32>
    %get3A_185 = vector.shape_cast %get3A_184 : vector<1x384x192xf32> to vector<384x192xf32>
    %dot_general3A_186 = arith.constant dense<0.000000e+00> : vector<384x1024xf32>
    %dot_general3A_187 = tpu.matmul %get3A_185, %dot_general3A_173, %dot_general3A_186 {dimension_numbers = #tpu.dot_dimension_numbers<[1], [1], [0], [0], [0, 0, 1, 0], [], []>, transpose_lhs_hint = false} : vector<384x192xf32>, vector<1024x192xf32>, vector<384x1024xf32> -> vector<384x1024xf32>
    %mul3A_188 = arith.constant 0.0721687824 : f32
    %mul3A_189 = vector.broadcast %mul3A_188 : f32 to vector<384x1024xf32>
    %mul3A_190 = arith.mulf %dot_general3A_187, %mul3A_189 : vector<384x1024xf32>
    %get3A_191 = arith.constant 0 : index
    %get3A_192 = arith.constant 2 : index
    %get3A_193 = arith.constant 0 : index
    %get3A_194 = arith.constant 0 : index
    %get3A_195 = vector.load %arg14[%get3A_191, %get3A_192, %get3A_193, %get3A_194] : memref<2x4x384x128xf32, #tpu.memory_space<vmem>>, vector<1x1x384x1xf32>
    %get3A_196 = vector.shape_cast %get3A_195 : vector<1x1x384x1xf32> to vector<384x1xf32>
    %get3A_197 = arith.constant 1 : index
    %get3A_198 = arith.constant 2 : index
    %get3A_199 = arith.constant 0 : index
    %get3A_200 = arith.constant 0 : index
    %get3A_201 = vector.load %arg14[%get3A_197, %get3A_198, %get3A_199, %get3A_200] : memref<2x4x384x128xf32, #tpu.memory_space<vmem>>, vector<1x1x384x1xf32>
    %get3A_202 = vector.shape_cast %get3A_201 : vector<1x1x384x1xf32> to vector<384x1xf32>
    %reduce_max3A_203 = arith.constant dense<0xFF800000> : vector<384xf32>
    %reduce_max3A_204 = vector.multi_reduction <maximumf>, %mul3A_190, %reduce_max3A_203 [1] : vector<384x1024xf32> to vector<384xf32>
    %broadcast_in_dim3A_205 = vector.shape_cast %reduce_max3A_204 : vector<384xf32> to vector<384x1xf32>
    %max3A_206 = arith.maximumf %get3A_196, %broadcast_in_dim3A_205 : vector<384x1xf32>
    %sub3A_207 = arith.subf %get3A_196, %max3A_206 : vector<384x1xf32>
    %exp3A_208 = math.exp %sub3A_207 : vector<384x1xf32>
    %sub3A_209 = vector.broadcast %max3A_206 : vector<384x1xf32> to vector<384x1024xf32>
    %sub3A_210 = arith.subf %mul3A_190, %sub3A_209 : vector<384x1024xf32>
    %exp3A_211 = math.exp %sub3A_210 : vector<384x1024xf32>
    %mul3A_212 = arith.mulf %get3A_202, %exp3A_208 : vector<384x1xf32>
    %reduce_sum3A_213 = arith.constant dense<0.000000e+00> : vector<384xf32>
    %reduce_sum3A_214 = vector.multi_reduction <add>, %exp3A_211, %reduce_sum3A_213 [1] : vector<384x1024xf32> to vector<384xf32>
    %broadcast_in_dim3A_215 = vector.shape_cast %reduce_sum3A_214 : vector<384xf32> to vector<384x1xf32>
    %add3A_216 = arith.addf %mul3A_212, %broadcast_in_dim3A_215 : vector<384x1xf32>
    %get3A_217 = arith.constant 2 : index
    %get3A_218 = arith.constant 0 : index
    %get3A_219 = arith.constant 0 : index
    %get3A_220 = vector.load %arg13[%get3A_217, %get3A_218, %get3A_219] : memref<4x384x192xf32, #tpu.memory_space<vmem>>, vector<1x384x192xf32>
    %get3A_221 = vector.shape_cast %get3A_220 : vector<1x384x192xf32> to vector<384x192xf32>
    %mul3A_222 = vector.broadcast %exp3A_208 : vector<384x1xf32> to vector<384x192xf32>
    %mul3A_223 = arith.mulf %get3A_221, %mul3A_222 : vector<384x192xf32>
    %dot_general3A_224 = arith.constant dense<0.000000e+00> : vector<384x192xf32>
    %dot_general3A_225 = tpu.matmul %exp3A_211, %dot_general3A_180, %dot_general3A_224 {dimension_numbers = #tpu.dot_dimension_numbers<[1], [0], [0], [1], [0, 0, 1, 1], [], []>, transpose_lhs_hint = false} : vector<384x1024xf32>, vector<1024x192xf32>, vector<384x192xf32> -> vector<384x192xf32>
    %add3A_226 = arith.addf %mul3A_223, %dot_general3A_225 : vector<384x192xf32>
    %swap3A_227 = arith.constant 2 : index
    %swap3A_228 = arith.constant 0 : index
    %swap3A_229 = arith.constant 0 : index
    %swap3A_230 = vector.load %arg13[%swap3A_227, %swap3A_228, %swap3A_229] : memref<4x384x192xf32, #tpu.memory_space<vmem>>, vector<1x384x192xf32>
    %swap3A_231 = vector.shape_cast %swap3A_230 : vector<1x384x192xf32> to vector<384x192xf32>
    %swap3A_232 = vector.shape_cast %add3A_226 : vector<384x192xf32> to vector<1x384x192xf32>
    tpu.vector_store %arg13[%swap3A_227, %swap3A_228, %swap3A_229], %swap3A_232 {strides = array<i32>} : memref<4x384x192xf32, #tpu.memory_space<vmem>>, vector<1x384x192xf32>,
    %broadcast_in_dim3A_233 = vector.shape_cast %max3A_206 : vector<384x1xf32> to vector<384x1xf32>
    %broadcast_in_dim3A_234 = vector.broadcast %broadcast_in_dim3A_233 : vector<384x1xf32> to vector<384x128xf32>
    %swap3A_235 = arith.constant 0 : index
    %swap3A_236 = arith.constant 2 : index
    %swap3A_237 = arith.constant 0 : index
    %swap3A_238 = arith.constant 0 : index
    %swap3A_239 = vector.load %arg14[%swap3A_235, %swap3A_236, %swap3A_237, %swap3A_238] : memref<2x4x384x128xf32, #tpu.memory_space<vmem>>, vector<1x1x384x128xf32>
    %swap3A_240 = vector.shape_cast %swap3A_239 : vector<1x1x384x128xf32> to vector<384x128xf32>
    %swap3A_241 = vector.shape_cast %broadcast_in_dim3A_234 : vector<384x128xf32> to vector<1x1x384x128xf32>
    tpu.vector_store %arg14[%swap3A_235, %swap3A_236, %swap3A_237, %swap3A_238], %swap3A_241 {strides = array<i32>} : memref<2x4x384x128xf32, #tpu.memory_space<vmem>>, vector<1x1x384x128xf32>,
    %broadcast_in_dim3A_242 = vector.shape_cast %add3A_216 : vector<384x1xf32> to vector<384x1xf32>
    %broadcast_in_dim3A_243 = vector.broadcast %broadcast_in_dim3A_242 : vector<384x1xf32> to vector<384x128xf32>
    %swap3A_244 = arith.constant 1 : index
    %swap3A_245 = arith.constant 2 : index
    %swap3A_246 = arith.constant 0 : index
    %swap3A_247 = arith.constant 0 : index
    %swap3A_248 = vector.load %arg14[%swap3A_244, %swap3A_245, %swap3A_246, %swap3A_247] : memref<2x4x384x128xf32, #tpu.memory_space<vmem>>, vector<1x1x384x128xf32>
    %swap3A_249 = vector.shape_cast %swap3A_248 : vector<1x1x384x128xf32> to vector<384x128xf32>
    %swap3A_250 = vector.shape_cast %broadcast_in_dim3A_243 : vector<384x128xf32> to vector<1x1x384x128xf32>
    tpu.vector_store %arg14[%swap3A_244, %swap3A_245, %swap3A_246, %swap3A_247], %swap3A_250 {strides = array<i32>} : memref<2x4x384x128xf32, #tpu.memory_space<vmem>>, vector<1x1x384x128xf32>,
    %get3A_251 = arith.constant 3 : index
    %get3A_252 = arith.constant 0 : index
    %get3A_253 = arith.constant 0 : index
    %get3A_254 = vector.load %arg6[%get3A_251, %get3A_252, %get3A_253] : memref<4x768x192xf32, #tpu.memory_space<vmem>>, vector<1x768x192xf32>
    %get3A_255 = vector.shape_cast %get3A_254 : vector<1x768x192xf32> to vector<768x192xf32>
    %dot_general3A_256 = arith.constant dense<0.000000e+00> : vector<1024x192xf32>
    %dot_general3A_257 = tpu.matmul %get3A_8, %get3A_255, %dot_general3A_256 {dimension_numbers = #tpu.dot_dimension_numbers<[1], [0], [0], [1], [0, 0, 1, 1], [], []>, transpose_lhs_hint = false} : vector<1024x768xf32>, vector<768x192xf32>, vector<1024x192xf32> -> vector<1024x192xf32>
    %get3A_258 = arith.constant 3 : index
    %get3A_259 = arith.constant 0 : index
    %get3A_260 = arith.constant 0 : index
    %get3A_261 = vector.load %arg7[%get3A_258, %get3A_259, %get3A_260] : memref<4x768x192xf32, #tpu.memory_space<vmem>>, vector<1x768x192xf32>
    %get3A_262 = vector.shape_cast %get3A_261 : vector<1x768x192xf32> to vector<768x192xf32>
    %dot_general3A_263 = arith.constant dense<0.000000e+00> : vector<1024x192xf32>
    %dot_general3A_264 = tpu.matmul %get3A_8, %get3A_262, %dot_general3A_263 {dimension_numbers = #tpu.dot_dimension_numbers<[1], [0], [0], [1], [0, 0, 1, 1], [], []>, transpose_lhs_hint = false} : vector<1024x768xf32>, vector<768x192xf32>, vector<1024x192xf32> -> vector<1024x192xf32>
    %get3A_265 = arith.constant 3 : index
    %get3A_266 = arith.constant 0 : index
    %get3A_267 = arith.constant 0 : index
    %get3A_268 = vector.load %arg12[%get3A_265, %get3A_266, %get3A_267] : memref<4x384x192xf32, #tpu.memory_space<vmem>>, vector<1x384x192xf32>
    %get3A_269 = vector.shape_cast %get3A_268 : vector<1x384x192xf32> to vector<384x192xf32>
    %dot_general3A_270 = arith.constant dense<0.000000e+00> : vector<384x1024xf32>
    %dot_general3A_271 = tpu.matmul %get3A_269, %dot_general3A_257, %dot_general3A_270 {dimension_numbers = #tpu.dot_dimension_numbers<[1], [1], [0], [0], [0, 0, 1, 0], [], []>, transpose_lhs_hint = false} : vector<384x192xf32>, vector<1024x192xf32>, vector<384x1024xf32> -> vector<384x1024xf32>
    %mul3A_272 = arith.constant 0.0721687824 : f32
    %mul3A_273 = vector.broadcast %mul3A_272 : f32 to vector<384x1024xf32>
    %mul3A_274 = arith.mulf %dot_general3A_271, %mul3A_273 : vector<384x1024xf32>
    %get3A_275 = arith.constant 0 : index
    %get3A_276 = arith.constant 3 : index
    %get3A_277 = arith.constant 0 : index
    %get3A_278 = arith.constant 0 : index
    %get3A_279 = vector.load %arg14[%get3A_275, %get3A_276, %get3A_277, %get3A_278] : memref<2x4x384x128xf32, #tpu.memory_space<vmem>>, vector<1x1x384x1xf32>
    %get3A_280 = vector.shape_cast %get3A_279 : vector<1x1x384x1xf32> to vector<384x1xf32>
    %get3A_281 = arith.constant 1 : index
    %get3A_282 = arith.constant 3 : index
    %get3A_283 = arith.constant 0 : index
    %get3A_284 = arith.constant 0 : index
    %get3A_285 = vector.load %arg14[%get3A_281, %get3A_282, %get3A_283, %get3A_284] : memref<2x4x384x128xf32, #tpu.memory_space<vmem>>, vector<1x1x384x1xf32>
    %get3A_286 = vector.shape_cast %get3A_285 : vector<1x1x384x1xf32> to vector<384x1xf32>
    %reduce_max3A_287 = arith.constant dense<0xFF800000> : vector<384xf32>
    %reduce_max3A_288 = vector.multi_reduction <maximumf>, %mul3A_274, %reduce_max3A_287 [1] : vector<384x1024xf32> to vector<384xf32>
    %broadcast_in_dim3A_289 = vector.shape_cast %reduce_max3A_288 : vector<384xf32> to vector<384x1xf32>
    %max3A_290 = arith.maximumf %get3A_280, %broadcast_in_dim3A_289 : vector<384x1xf32>
    %sub3A_291 = arith.subf %get3A_280, %max3A_290 : vector<384x1xf32>
    %exp3A_292 = math.exp %sub3A_291 : vector<384x1xf32>
    %sub3A_293 = vector.broadcast %max3A_290 : vector<384x1xf32> to vector<384x1024xf32>
    %sub3A_294 = arith.subf %mul3A_274, %sub3A_293 : vector<384x1024xf32>
    %exp3A_295 = math.exp %sub3A_294 : vector<384x1024xf32>
    %mul3A_296 = arith.mulf %get3A_286, %exp3A_292 : vector<384x1xf32>
    %reduce_sum3A_297 = arith.constant dense<0.000000e+00> : vector<384xf32>
    %reduce_sum3A_298 = vector.multi_reduction <add>, %exp3A_295, %reduce_sum3A_297 [1] : vector<384x1024xf32> to vector<384xf32>
    %broadcast_in_dim3A_299 = vector.shape_cast %reduce_sum3A_298 : vector<384xf32> to vector<384x1xf32>
    %add3A_300 = arith.addf %mul3A_296, %broadcast_in_dim3A_299 : vector<384x1xf32>
    %get3A_301 = arith.constant 3 : index
    %get3A_302 = arith.constant 0 : index
    %get3A_303 = arith.constant 0 : index
    %get3A_304 = vector.load %arg13[%get3A_301, %get3A_302, %get3A_303] : memref<4x384x192xf32, #tpu.memory_space<vmem>>, vector<1x384x192xf32>
    %get3A_305 = vector.shape_cast %get3A_304 : vector<1x384x192xf32> to vector<384x192xf32>
    %mul3A_306 = vector.broadcast %exp3A_292 : vector<384x1xf32> to vector<384x192xf32>
    %mul3A_307 = arith.mulf %get3A_305, %mul3A_306 : vector<384x192xf32>
    %dot_general3A_308 = arith.constant dense<0.000000e+00> : vector<384x192xf32>
    %dot_general3A_309 = tpu.matmul %exp3A_295, %dot_general3A_264, %dot_general3A_308 {dimension_numbers = #tpu.dot_dimension_numbers<[1], [0], [0], [1], [0, 0, 1, 1], [], []>, transpose_lhs_hint = false} : vector<384x1024xf32>, vector<1024x192xf32>, vector<384x192xf32> -> vector<384x192xf32>
    %add3A_310 = arith.addf %mul3A_307, %dot_general3A_309 : vector<384x192xf32>
    %swap3A_311 = arith.constant 3 : index
    %swap3A_312 = arith.constant 0 : index
    %swap3A_313 = arith.constant 0 : index
    %swap3A_314 = vector.load %arg13[%swap3A_311, %swap3A_312, %swap3A_313] : memref<4x384x192xf32, #tpu.memory_space<vmem>>, vector<1x384x192xf32>
    %swap3A_315 = vector.shape_cast %swap3A_314 : vector<1x384x192xf32> to vector<384x192xf32>
    %swap3A_316 = vector.shape_cast %add3A_310 : vector<384x192xf32> to vector<1x384x192xf32>
    tpu.vector_store %arg13[%swap3A_311, %swap3A_312, %swap3A_313], %swap3A_316 {strides = array<i32>} : memref<4x384x192xf32, #tpu.memory_space<vmem>>, vector<1x384x192xf32>,
    %broadcast_in_dim3A_317 = vector.shape_cast %max3A_290 : vector<384x1xf32> to vector<384x1xf32>
    %broadcast_in_dim3A_318 = vector.broadcast %broadcast_in_dim3A_317 : vector<384x1xf32> to vector<384x128xf32>
    %swap3A_319 = arith.constant 0 : index
    %swap3A_320 = arith.constant 3 : index
    %swap3A_321 = arith.constant 0 : index
    %swap3A_322 = arith.constant 0 : index
    %swap3A_323 = vector.load %arg14[%swap3A_319, %swap3A_320, %swap3A_321, %swap3A_322] : memref<2x4x384x128xf32, #tpu.memory_space<vmem>>, vector<1x1x384x128xf32>
    %swap3A_324 = vector.shape_cast %swap3A_323 : vector<1x1x384x128xf32> to vector<384x128xf32>
    %swap3A_325 = vector.shape_cast %broadcast_in_dim3A_318 : vector<384x128xf32> to vector<1x1x384x128xf32>
    tpu.vector_store %arg14[%swap3A_319, %swap3A_320, %swap3A_321, %swap3A_322], %swap3A_325 {strides = array<i32>} : memref<2x4x384x128xf32, #tpu.memory_space<vmem>>, vector<1x1x384x128xf32>,
    %broadcast_in_dim3A_326 = vector.shape_cast %add3A_300 : vector<384x1xf32> to vector<384x1xf32>
    %broadcast_in_dim3A_327 = vector.broadcast %broadcast_in_dim3A_326 : vector<384x1xf32> to vector<384x128xf32>
    %swap3A_328 = arith.constant 1 : index
    %swap3A_329 = arith.constant 3 : index
    %swap3A_330 = arith.constant 0 : index
    %swap3A_331 = arith.constant 0 : index
    %swap3A_332 = vector.load %arg14[%swap3A_328, %swap3A_329, %swap3A_330, %swap3A_331] : memref<2x4x384x128xf32, #tpu.memory_space<vmem>>, vector<1x1x384x128xf32>
    %swap3A_333 = vector.shape_cast %swap3A_332 : vector<1x1x384x128xf32> to vector<384x128xf32>
    %swap3A_334 = vector.shape_cast %broadcast_in_dim3A_327 : vector<384x128xf32> to vector<1x1x384x128xf32>
    tpu.vector_store %arg14[%swap3A_328, %swap3A_329, %swap3A_330, %swap3A_331], %swap3A_334 {strides = array<i32>} : memref<2x4x384x128xf32, #tpu.memory_space<vmem>>, vector<1x1x384x128xf32>,
    %eq3A_335 = arith.constant 3 : i32
    %eq3A_336 = arith.cmpi eq, %arg1, %eq3A_335 : i32
    %convert_element_type3A_337 = arith.extui %eq3A_336 : i1 to i32
    %cond3A_338 = arith.constant 0 : i32
    %cond3A_339 = arith.cmpi ne, %convert_element_type3A_337, %cond3A_338 : i32
    scf.if %cond3A_339 {
      %broadcast_in_dim3A_340 = arith.constant 0.000000e+00 : f32
      %broadcast_in_dim3A_341 = vector.broadcast %broadcast_in_dim3A_340 : f32 to vector<384x768xf32>
      %get3A_342 = arith.constant 0 : index
      %get3A_343 = arith.constant 0 : index
      %get3A_344 = arith.constant 0 : index
      %get3A_345 = vector.load %arg13[%get3A_342, %get3A_343, %get3A_344] : memref<4x384x192xf32, #tpu.memory_space<vmem>>, vector<1x384x192xf32>
      %get3A_346 = vector.shape_cast %get3A_345 : vector<1x384x192xf32> to vector<384x192xf32>
      %get3A_347 = arith.constant 1 : index
      %get3A_348 = arith.constant 0 : index
      %get3A_349 = arith.constant 0 : index
      %get3A_350 = arith.constant 0 : index
      %get3A_351 = vector.load %arg14[%get3A_347, %get3A_348, %get3A_349, %get3A_350] : memref<2x4x384x128xf32, #tpu.memory_space<vmem>>, vector<1x1x384x1xf32>
      %get3A_352 = vector.shape_cast %get3A_351 : vector<1x1x384x1xf32> to vector<384x1xf32>
      %div3A = vector.broadcast %get3A_352 : vector<384x1xf32> to vector<384x192xf32>
      %div3A_353 = arith.divf %get3A_346, %div3A : vector<384x192xf32>
      %get3A_354 = arith.constant 0 : index
      %get3A_355 = arith.constant 0 : index
      %get3A_356 = arith.constant 0 : index
      %get3A_357 = vector.load %arg8[%get3A_354, %get3A_355, %get3A_356] : memref<4x192x768xf32, #tpu.memory_space<vmem>>, vector<1x192x768xf32>
      %get3A_358 = vector.shape_cast %get3A_357 : vector<1x192x768xf32> to vector<192x768xf32>
      %dot_general3A_359 = arith.constant dense<0.000000e+00> : vector<384x768xf32>
      %dot_general3A_360 = tpu.matmul %div3A_353, %get3A_358, %dot_general3A_359 {dimension_numbers = #tpu.dot_dimension_numbers<[1], [0], [0], [1], [0, 0, 1, 1], [], []>, transpose_lhs_hint = false} : vector<384x192xf32>, vector<192x768xf32>, vector<384x768xf32> -> vector<384x768xf32>
      %add3A_361 = arith.addf %broadcast_in_dim3A_341, %dot_general3A_360 : vector<384x768xf32>
      %get3A_362 = arith.constant 1 : index
      %get3A_363 = arith.constant 0 : index
      %get3A_364 = arith.constant 0 : index
      %get3A_365 = vector.load %arg13[%get3A_362, %get3A_363, %get3A_364] : memref<4x384x192xf32, #tpu.memory_space<vmem>>, vector<1x384x192xf32>
      %get3A_366 = vector.shape_cast %get3A_365 : vector<1x384x192xf32> to vector<384x192xf32>
      %get3A_367 = arith.constant 1 : index
      %get3A_368 = arith.constant 1 : index
      %get3A_369 = arith.constant 0 : index
      %get3A_370 = arith.constant 0 : index
      %get3A_371 = vector.load %arg14[%get3A_367, %get3A_368, %get3A_369, %get3A_370] : memref<2x4x384x128xf32, #tpu.memory_space<vmem>>, vector<1x1x384x1xf32>
      %get3A_372 = vector.shape_cast %get3A_371 : vector<1x1x384x1xf32> to vector<384x1xf32>
      %div3A_373 = vector.broadcast %get3A_372 : vector<384x1xf32> to vector<384x192xf32>
      %div3A_374 = arith.divf %get3A_366, %div3A_373 : vector<384x192xf32>
      %get3A_375 = arith.constant 1 : index
      %get3A_376 = arith.constant 0 : index
      %get3A_377 = arith.constant 0 : index
      %get3A_378 = vector.load %arg8[%get3A_375, %get3A_376, %get3A_377] : memref<4x192x768xf32, #tpu.memory_space<vmem>>, vector<1x192x768xf32>
      %get3A_379 = vector.shape_cast %get3A_378 : vector<1x192x768xf32> to vector<192x768xf32>
      %dot_general3A_380 = arith.constant dense<0.000000e+00> : vector<384x768xf32>
      %dot_general3A_381 = tpu.matmul %div3A_374, %get3A_379, %dot_general3A_380 {dimension_numbers = #tpu.dot_dimension_numbers<[1], [0], [0], [1], [0, 0, 1, 1], [], []>, transpose_lhs_hint = false} : vector<384x192xf32>, vector<192x768xf32>, vector<384x768xf32> -> vector<384x768xf32>
      %add3A_382 = arith.addf %add3A_361, %dot_general3A_381 : vector<384x768xf32>
      %get3A_383 = arith.constant 2 : index
      %get3A_384 = arith.constant 0 : index
      %get3A_385 = arith.constant 0 : index
      %get3A_386 = vector.load %arg13[%get3A_383, %get3A_384, %get3A_385] : memref<4x384x192xf32, #tpu.memory_space<vmem>>, vector<1x384x192xf32>
      %get3A_387 = vector.shape_cast %get3A_386 : vector<1x384x192xf32> to vector<384x192xf32>
      %get3A_388 = arith.constant 1 : index
      %get3A_389 = arith.constant 2 : index
      %get3A_390 = arith.constant 0 : index
      %get3A_391 = arith.constant 0 : index
      %get3A_392 = vector.load %arg14[%get3A_388, %get3A_389, %get3A_390, %get3A_391] : memref<2x4x384x128xf32, #tpu.memory_space<vmem>>, vector<1x1x384x1xf32>
      %get3A_393 = vector.shape_cast %get3A_392 : vector<1x1x384x1xf32> to vector<384x1xf32>
      %div3A_394 = vector.broadcast %get3A_393 : vector<384x1xf32> to vector<384x192xf32>
      %div3A_395 = arith.divf %get3A_387, %div3A_394 : vector<384x192xf32>
      %get3A_396 = arith.constant 2 : index
      %get3A_397 = arith.constant 0 : index
      %get3A_398 = arith.constant 0 : index
      %get3A_399 = vector.load %arg8[%get3A_396, %get3A_397, %get3A_398] : memref<4x192x768xf32, #tpu.memory_space<vmem>>, vector<1x192x768xf32>
      %get3A_400 = vector.shape_cast %get3A_399 : vector<1x192x768xf32> to vector<192x768xf32>
      %dot_general3A_401 = arith.constant dense<0.000000e+00> : vector<384x768xf32>
      %dot_general3A_402 = tpu.matmul %div3A_395, %get3A_400, %dot_general3A_401 {dimension_numbers = #tpu.dot_dimension_numbers<[1], [0], [0], [1], [0, 0, 1, 1], [], []>, transpose_lhs_hint = false} : vector<384x192xf32>, vector<192x768xf32>, vector<384x768xf32> -> vector<384x768xf32>
      %add3A_403 = arith.addf %add3A_382, %dot_general3A_402 : vector<384x768xf32>
      %get3A_404 = arith.constant 3 : index
      %get3A_405 = arith.constant 0 : index
      %get3A_406 = arith.constant 0 : index
      %get3A_407 = vector.load %arg13[%get3A_404, %get3A_405, %get3A_406] : memref<4x384x192xf32, #tpu.memory_space<vmem>>, vector<1x384x192xf32>
      %get3A_408 = vector.shape_cast %get3A_407 : vector<1x384x192xf32> to vector<384x192xf32>
      %get3A_409 = arith.constant 1 : index
      %get3A_410 = arith.constant 3 : index
      %get3A_411 = arith.constant 0 : index
      %get3A_412 = arith.constant 0 : index
      %get3A_413 = vector.load %arg14[%get3A_409, %get3A_410, %get3A_411, %get3A_412] : memref<2x4x384x128xf32, #tpu.memory_space<vmem>>, vector<1x1x384x1xf32>
      %get3A_414 = vector.shape_cast %get3A_413 : vector<1x1x384x1xf32> to vector<384x1xf32>
      %div3A_415 = vector.broadcast %get3A_414 : vector<384x1xf32> to vector<384x192xf32>
      %div3A_416 = arith.divf %get3A_408, %div3A_415 : vector<384x192xf32>
      %get3A_417 = arith.constant 3 : index
      %get3A_418 = arith.constant 0 : index
      %get3A_419 = arith.constant 0 : index
      %get3A_420 = vector.load %arg8[%get3A_417, %get3A_418, %get3A_419] : memref<4x192x768xf32, #tpu.memory_space<vmem>>, vector<1x192x768xf32>
      %get3A_421 = vector.shape_cast %get3A_420 : vector<1x192x768xf32> to vector<192x768xf32>
      %dot_general3A_422 = arith.constant dense<0.000000e+00> : vector<384x768xf32>
      %dot_general3A_423 = tpu.matmul %div3A_416, %get3A_421, %dot_general3A_422 {dimension_numbers = #tpu.dot_dimension_numbers<[1], [0], [0], [1], [0, 0, 1, 1], [], []>, transpose_lhs_hint = false} : vector<384x192xf32>, vector<192x768xf32>, vector<384x768xf32> -> vector<384x768xf32>
      %add3A_424 = arith.addf %add3A_403, %dot_general3A_423 : vector<384x768xf32>
      %get3A_425 = arith.constant 0 : index
      %get3A_426 = arith.constant 0 : index
      %get3A_427 = arith.constant 0 : index
      %get3A_428 = vector.load %arg2[%get3A_425, %get3A_426, %get3A_427] : memref<1x384x768xf32, #tpu.memory_space<vmem>>, vector<1x384x768xf32>
      %get3A_429 = vector.shape_cast %get3A_428 : vector<1x384x768xf32> to vector<384x768xf32>
      %get3A_430 = arith.constant 0 : index
      %get3A_431 = arith.constant 0 : index
      %get3A_432 = vector.load %arg10[%get3A_430, %get3A_431] : memref<1x768xf32, #tpu.memory_space<vmem>>, vector<1x768xf32>
      %get3A_433 = arith.constant 0 : index
      %get3A_434 = arith.constant 0 : index
      %get3A_435 = vector.load %arg9[%get3A_433, %get3A_434] : memref<1x768xf32, #tpu.memory_space<vmem>>, vector<1x768xf32>
      %add3A_436 = vector.broadcast %get3A_435 : vector<1x768xf32> to vector<384x768xf32>
      %add3A_437 = arith.addf %add3A_424, %add3A_436 : vector<384x768xf32>
      %mul3A_438 = vector.broadcast %get3A_432 : vector<1x768xf32> to vector<384x768xf32>
      %mul3A_439 = arith.mulf %mul3A_438, %add3A_437 : vector<384x768xf32>
      %add3A_440 = arith.addf %get3A_429, %mul3A_439 : vector<384x768xf32>
      %swap3A_441 = arith.constant 0 : index
      %swap3A_442 = arith.constant 0 : index
      %swap3A_443 = arith.constant 0 : index
      %swap3A_444 = vector.load %arg11[%swap3A_441, %swap3A_442, %swap3A_443] : memref<1x384x768xf32, #tpu.memory_space<vmem>>, vector<1x384x768xf32>
      %swap3A_445 = vector.shape_cast %swap3A_444 : vector<1x384x768xf32> to vector<384x768xf32>
      %swap3A_446 = vector.shape_cast %add3A_440 : vector<384x768xf32> to vector<1x384x768xf32>
      tpu.vector_store %arg11[%swap3A_441, %swap3A_442, %swap3A_443], %swap3A_446 {strides = array<i32>} : memref<1x384x768xf32, #tpu.memory_space<vmem>>, vector<1x384x768xf32>,
    } else {
    }
    return
  }
  func.func @transform_0(%arg0: i32, %arg1: i32) -> (i32, i32, i32) {
    %c0_i32 = arith.constant 0 : i32
    %c0_i32_0 = arith.constant 0 : i32
    %c0_i32_1 = arith.constant 0 : i32
    return %arg0, %c0_i32, %c0_i32_0 : i32, i32, i32
  }
  func.func @transform_1(%arg0: i32, %arg1: i32) -> (i32, i32, i32) {
    %c0_i32 = arith.constant 0 : i32
    %c0_i32_0 = arith.constant 0 : i32
    return %arg0, %arg1, %c0_i32 : i32, i32, i32
  }
  func.func @transform_2(%arg0: i32, %arg1: i32) -> (i32, i32) {
    %c0_i32 = arith.constant 0 : i32
    %c0_i32_0 = arith.constant 0 : i32
    %c0_i32_1 = arith.constant 0 : i32
    return %c0_i32, %c0_i32_0 : i32, i32
  }
  func.func @transform_3(%arg0: i32, %arg1: i32) -> (i32, i32, i32) {
    %c0_i32 = arith.constant 0 : i32
    %c0_i32_0 = arith.constant 0 : i32
    %c0_i32_1 = arith.constant 0 : i32
    %c0_i32_2 = arith.constant 0 : i32
    return %c0_i32, %c0_i32_0, %c0_i32_1 : i32, i32, i32
  }
  func.func @transform_4(%arg0: i32, %arg1: i32) -> (i32, i32, i32) {
    %c0_i32 = arith.constant 0 : i32
    %c0_i32_0 = arith.constant 0 : i32
    %c0_i32_1 = arith.constant 0 : i32
    %c0_i32_2 = arith.constant 0 : i32
    return %c0_i32, %c0_i32_0, %c0_i32_1 : i32, i32, i32
  }
  func.func @transform_5(%arg0: i32, %arg1: i32) -> (i32, i32, i32) {
    %c0_i32 = arith.constant 0 : i32
    %c0_i32_0 = arith.constant 0 : i32
    %c0_i32_1 = arith.constant 0 : i32
    %c0_i32_2 = arith.constant 0 : i32
    return %c0_i32, %c0_i32_0, %c0_i32_1 : i32, i32, i32
  }
  func.func @transform_6(%arg0: i32, %arg1: i32) -> (i32, i32, i32) {
    %c0_i32 = arith.constant 0 : i32
    %c0_i32_0 = arith.constant 0 : i32
    %c0_i32_1 = arith.constant 0 : i32
    %c0_i32_2 = arith.constant 0 : i32
    return %c0_i32, %c0_i32_0, %c0_i32_1 : i32, i32, i32
  }
  func.func @transform_7(%arg0: i32, %arg1: i32) -> (i32, i32) {
    %c0_i32 = arith.constant 0 : i32
    %c0_i32_0 = arith.constant 0 : i32
    %c0_i32_1 = arith.constant 0 : i32
    return %c0_i32, %c0_i32_0 : i32, i32
  }
  func.func @transform_8(%arg0: i32, %arg1: i32) -> (i32, i32) {
    %c0_i32 = arith.constant 0 : i32
    %c0_i32_0 = arith.constant 0 : i32
    %c0_i32_1 = arith.constant 0 : i32
    return %c0_i32, %c0_i32_0 : i32, i32
  }
  func.func @transform_9(%arg0: i32, %arg1: i32) -> (i32, i32, i32) {
    %c0_i32 = arith.constant 0 : i32
    %c0_i32_0 = arith.constant 0 : i32
    %c0_i32_1 = arith.constant 0 : i32
    return %arg0, %c0_i32, %c0_i32_0 : i32, i32, i32
  }
}

module attributes {stable_mosaic.version = 14 : i64} {
  func.func @_k3b_body(%arg0: i32, %arg1: memref<1x384x768xf32, #tpu.memory_space<vmem>>, %arg2: memref<10x768xf32, #tpu.memory_space<vmem>>, %arg3: memref<4x768x192xf32, #tpu.memory_space<vmem>>, %arg4: memref<4x768x192xf32, #tpu.memory_space<vmem>>, %arg5: memref<1x4x384x192xf32, #tpu.memory_space<vmem>>, %arg6: memref<1x4x384x192xf32, #tpu.memory_space<vmem>>) attributes {dimension_semantics = [#tpu.dimension_semantics<arbitrary>], iteration_bounds = array<i64: 4>, scalar_prefetch = 0 : i64, scratch_operands = 0 : i64, tpu.core_type = #tpu.core_type<tc>, window_params = [{transform_indices = @transform_0, window_bounds = array<i64: 1, 384, 768>}, {pipeline_mode = #tpu.pipeline_mode<synchronous>, transform_indices = @transform_1, window_bounds = array<i64: 10, 768>}, {pipeline_mode = #tpu.pipeline_mode<synchronous>, transform_indices = @transform_2, window_bounds = array<i64: 4, 768, 192>}, {pipeline_mode = #tpu.pipeline_mode<synchronous>, transform_indices = @transform_3, window_bounds = array<i64: 4, 768, 192>}, {transform_indices = @transform_4, window_bounds = array<i64: 1, 4, 384, 192>}, {transform_indices = @transform_5, window_bounds = array<i64: 1, 4, 384, 192>}]} {
    %get3A = arith.constant 0 : index
    %get3A_0 = arith.constant 0 : index
    %get3A_1 = vector.load %arg2[%get3A, %get3A_0] : memref<10x768xf32, #tpu.memory_space<vmem>>, vector<10x768xf32>
    %get3A_2 = arith.constant 0 : index
    %get3A_3 = arith.constant 0 : index
    %get3A_4 = arith.constant 0 : index
    %get3A_5 = vector.load %arg1[%get3A_2, %get3A_3, %get3A_4] : memref<1x384x768xf32, #tpu.memory_space<vmem>>, vector<1x384x768xf32>
    %get3A_6 = vector.shape_cast %get3A_5 : vector<1x384x768xf32> to vector<384x768xf32>
    %slice3A = vector.extract_strided_slice %get3A_1 {offsets = [6, 0], sizes = [1, 768], strides = [1, 1]} : vector<10x768xf32> to vector<1x768xf32>
    %slice3A_7 = vector.extract_strided_slice %get3A_1 {offsets = [7, 0], sizes = [1, 768], strides = [1, 1]} : vector<10x768xf32> to vector<1x768xf32>
    %reduce_sum3A = arith.constant dense<0.000000e+00> : vector<384xf32>
    %reduce_sum3A_8 = vector.multi_reduction <add>, %get3A_6, %reduce_sum3A [1] : vector<384x768xf32> to vector<384xf32>
    %broadcast_in_dim3A = vector.shape_cast %reduce_sum3A_8 : vector<384xf32> to vector<384x1xf32>
    %div3A = arith.constant 7.680000e+02 : f32
    %div3A_9 = vector.broadcast %div3A : f32 to vector<384x1xf32>
    %div3A_10 = arith.divf %broadcast_in_dim3A, %div3A_9 : vector<384x1xf32>
    %sub3A = vector.broadcast %div3A_10 : vector<384x1xf32> to vector<384x768xf32>
    %sub3A_11 = arith.subf %get3A_6, %sub3A : vector<384x768xf32>
    %integer_pow3A = arith.mulf %sub3A_11, %sub3A_11 : vector<384x768xf32>
    %reduce_sum3A_12 = arith.constant dense<0.000000e+00> : vector<384xf32>
    %reduce_sum3A_13 = vector.multi_reduction <add>, %integer_pow3A, %reduce_sum3A_12 [1] : vector<384x768xf32> to vector<384xf32>
    %broadcast_in_dim3A_14 = vector.shape_cast %reduce_sum3A_13 : vector<384xf32> to vector<384x1xf32>
    %div3A_15 = arith.constant 7.680000e+02 : f32
    %div3A_16 = vector.broadcast %div3A_15 : f32 to vector<384x1xf32>
    %div3A_17 = arith.divf %broadcast_in_dim3A_14, %div3A_16 : vector<384x1xf32>
    %sub3A_18 = vector.broadcast %div3A_10 : vector<384x1xf32> to vector<384x768xf32>
    %sub3A_19 = arith.subf %get3A_6, %sub3A_18 : vector<384x768xf32>
    %add3A = arith.constant 9.99999974E-6 : f32
    %add3A_20 = vector.broadcast %add3A : f32 to vector<384x1xf32>
    %add3A_21 = arith.addf %div3A_17, %add3A_20 : vector<384x1xf32>
    %sqrt3A = math.sqrt %add3A_21 : vector<384x1xf32>
    %div3A_22 = vector.broadcast %sqrt3A : vector<384x1xf32> to vector<384x768xf32>
    %div3A_23 = arith.divf %sub3A_19, %div3A_22 : vector<384x768xf32>
    %mul3A = vector.broadcast %slice3A : vector<1x768xf32> to vector<384x768xf32>
    %mul3A_24 = arith.mulf %div3A_23, %mul3A : vector<384x768xf32>
    %add3A_25 = vector.broadcast %slice3A_7 : vector<1x768xf32> to vector<384x768xf32>
    %add3A_26 = arith.addf %mul3A_24, %add3A_25 : vector<384x768xf32>
    %get3A_27 = arith.constant 0 : index
    %get3A_28 = arith.constant 0 : index
    %get3A_29 = arith.constant 0 : index
    %get3A_30 = vector.load %arg3[%get3A_27, %get3A_28, %get3A_29] : memref<4x768x192xf32, #tpu.memory_space<vmem>>, vector<1x768x192xf32>
    %get3A_31 = vector.shape_cast %get3A_30 : vector<1x768x192xf32> to vector<768x192xf32>
    %dot_general3A = arith.constant dense<0.000000e+00> : vector<384x192xf32>
    %dot_general3A_32 = tpu.matmul %add3A_26, %get3A_31, %dot_general3A {dimension_numbers = #tpu.dot_dimension_numbers<[1], [0], [0], [1], [0, 0, 1, 1], [], []>, transpose_lhs_hint = false} : vector<384x768xf32>, vector<768x192xf32>, vector<384x192xf32> -> vector<384x192xf32>
    %swap3A = arith.constant 0 : index
    %swap3A_33 = arith.constant 0 : index
    %swap3A_34 = arith.constant 0 : index
    %swap3A_35 = arith.constant 0 : index
    %swap3A_36 = vector.load %arg5[%swap3A, %swap3A_33, %swap3A_34, %swap3A_35] : memref<1x4x384x192xf32, #tpu.memory_space<vmem>>, vector<1x1x384x192xf32>
    %swap3A_37 = vector.shape_cast %swap3A_36 : vector<1x1x384x192xf32> to vector<384x192xf32>
    %swap3A_38 = vector.shape_cast %dot_general3A_32 : vector<384x192xf32> to vector<1x1x384x192xf32>
    tpu.vector_store %arg5[%swap3A, %swap3A_33, %swap3A_34, %swap3A_35], %swap3A_38 {strides = array<i32>} : memref<1x4x384x192xf32, #tpu.memory_space<vmem>>, vector<1x1x384x192xf32>,
    %get3A_39 = arith.constant 0 : index
    %get3A_40 = arith.constant 0 : index
    %get3A_41 = arith.constant 0 : index
    %get3A_42 = vector.load %arg4[%get3A_39, %get3A_40, %get3A_41] : memref<4x768x192xf32, #tpu.memory_space<vmem>>, vector<1x768x192xf32>
    %get3A_43 = vector.shape_cast %get3A_42 : vector<1x768x192xf32> to vector<768x192xf32>
    %dot_general3A_44 = arith.constant dense<0.000000e+00> : vector<384x192xf32>
    %dot_general3A_45 = tpu.matmul %add3A_26, %get3A_43, %dot_general3A_44 {dimension_numbers = #tpu.dot_dimension_numbers<[1], [0], [0], [1], [0, 0, 1, 1], [], []>, transpose_lhs_hint = false} : vector<384x768xf32>, vector<768x192xf32>, vector<384x192xf32> -> vector<384x192xf32>
    %swap3A_46 = arith.constant 0 : index
    %swap3A_47 = arith.constant 0 : index
    %swap3A_48 = arith.constant 0 : index
    %swap3A_49 = arith.constant 0 : index
    %swap3A_50 = vector.load %arg6[%swap3A_46, %swap3A_47, %swap3A_48, %swap3A_49] : memref<1x4x384x192xf32, #tpu.memory_space<vmem>>, vector<1x1x384x192xf32>
    %swap3A_51 = vector.shape_cast %swap3A_50 : vector<1x1x384x192xf32> to vector<384x192xf32>
    %swap3A_52 = vector.shape_cast %dot_general3A_45 : vector<384x192xf32> to vector<1x1x384x192xf32>
    tpu.vector_store %arg6[%swap3A_46, %swap3A_47, %swap3A_48, %swap3A_49], %swap3A_52 {strides = array<i32>} : memref<1x4x384x192xf32, #tpu.memory_space<vmem>>, vector<1x1x384x192xf32>,
    %get3A_53 = arith.constant 1 : index
    %get3A_54 = arith.constant 0 : index
    %get3A_55 = arith.constant 0 : index
    %get3A_56 = vector.load %arg3[%get3A_53, %get3A_54, %get3A_55] : memref<4x768x192xf32, #tpu.memory_space<vmem>>, vector<1x768x192xf32>
    %get3A_57 = vector.shape_cast %get3A_56 : vector<1x768x192xf32> to vector<768x192xf32>
    %dot_general3A_58 = arith.constant dense<0.000000e+00> : vector<384x192xf32>
    %dot_general3A_59 = tpu.matmul %add3A_26, %get3A_57, %dot_general3A_58 {dimension_numbers = #tpu.dot_dimension_numbers<[1], [0], [0], [1], [0, 0, 1, 1], [], []>, transpose_lhs_hint = false} : vector<384x768xf32>, vector<768x192xf32>, vector<384x192xf32> -> vector<384x192xf32>
    %swap3A_60 = arith.constant 0 : index
    %swap3A_61 = arith.constant 1 : index
    %swap3A_62 = arith.constant 0 : index
    %swap3A_63 = arith.constant 0 : index
    %swap3A_64 = vector.load %arg5[%swap3A_60, %swap3A_61, %swap3A_62, %swap3A_63] : memref<1x4x384x192xf32, #tpu.memory_space<vmem>>, vector<1x1x384x192xf32>
    %swap3A_65 = vector.shape_cast %swap3A_64 : vector<1x1x384x192xf32> to vector<384x192xf32>
    %swap3A_66 = vector.shape_cast %dot_general3A_59 : vector<384x192xf32> to vector<1x1x384x192xf32>
    tpu.vector_store %arg5[%swap3A_60, %swap3A_61, %swap3A_62, %swap3A_63], %swap3A_66 {strides = array<i32>} : memref<1x4x384x192xf32, #tpu.memory_space<vmem>>, vector<1x1x384x192xf32>,
    %get3A_67 = arith.constant 1 : index
    %get3A_68 = arith.constant 0 : index
    %get3A_69 = arith.constant 0 : index
    %get3A_70 = vector.load %arg4[%get3A_67, %get3A_68, %get3A_69] : memref<4x768x192xf32, #tpu.memory_space<vmem>>, vector<1x768x192xf32>
    %get3A_71 = vector.shape_cast %get3A_70 : vector<1x768x192xf32> to vector<768x192xf32>
    %dot_general3A_72 = arith.constant dense<0.000000e+00> : vector<384x192xf32>
    %dot_general3A_73 = tpu.matmul %add3A_26, %get3A_71, %dot_general3A_72 {dimension_numbers = #tpu.dot_dimension_numbers<[1], [0], [0], [1], [0, 0, 1, 1], [], []>, transpose_lhs_hint = false} : vector<384x768xf32>, vector<768x192xf32>, vector<384x192xf32> -> vector<384x192xf32>
    %swap3A_74 = arith.constant 0 : index
    %swap3A_75 = arith.constant 1 : index
    %swap3A_76 = arith.constant 0 : index
    %swap3A_77 = arith.constant 0 : index
    %swap3A_78 = vector.load %arg6[%swap3A_74, %swap3A_75, %swap3A_76, %swap3A_77] : memref<1x4x384x192xf32, #tpu.memory_space<vmem>>, vector<1x1x384x192xf32>
    %swap3A_79 = vector.shape_cast %swap3A_78 : vector<1x1x384x192xf32> to vector<384x192xf32>
    %swap3A_80 = vector.shape_cast %dot_general3A_73 : vector<384x192xf32> to vector<1x1x384x192xf32>
    tpu.vector_store %arg6[%swap3A_74, %swap3A_75, %swap3A_76, %swap3A_77], %swap3A_80 {strides = array<i32>} : memref<1x4x384x192xf32, #tpu.memory_space<vmem>>, vector<1x1x384x192xf32>,
    %get3A_81 = arith.constant 2 : index
    %get3A_82 = arith.constant 0 : index
    %get3A_83 = arith.constant 0 : index
    %get3A_84 = vector.load %arg3[%get3A_81, %get3A_82, %get3A_83] : memref<4x768x192xf32, #tpu.memory_space<vmem>>, vector<1x768x192xf32>
    %get3A_85 = vector.shape_cast %get3A_84 : vector<1x768x192xf32> to vector<768x192xf32>
    %dot_general3A_86 = arith.constant dense<0.000000e+00> : vector<384x192xf32>
    %dot_general3A_87 = tpu.matmul %add3A_26, %get3A_85, %dot_general3A_86 {dimension_numbers = #tpu.dot_dimension_numbers<[1], [0], [0], [1], [0, 0, 1, 1], [], []>, transpose_lhs_hint = false} : vector<384x768xf32>, vector<768x192xf32>, vector<384x192xf32> -> vector<384x192xf32>
    %swap3A_88 = arith.constant 0 : index
    %swap3A_89 = arith.constant 2 : index
    %swap3A_90 = arith.constant 0 : index
    %swap3A_91 = arith.constant 0 : index
    %swap3A_92 = vector.load %arg5[%swap3A_88, %swap3A_89, %swap3A_90, %swap3A_91] : memref<1x4x384x192xf32, #tpu.memory_space<vmem>>, vector<1x1x384x192xf32>
    %swap3A_93 = vector.shape_cast %swap3A_92 : vector<1x1x384x192xf32> to vector<384x192xf32>
    %swap3A_94 = vector.shape_cast %dot_general3A_87 : vector<384x192xf32> to vector<1x1x384x192xf32>
    tpu.vector_store %arg5[%swap3A_88, %swap3A_89, %swap3A_90, %swap3A_91], %swap3A_94 {strides = array<i32>} : memref<1x4x384x192xf32, #tpu.memory_space<vmem>>, vector<1x1x384x192xf32>,
    %get3A_95 = arith.constant 2 : index
    %get3A_96 = arith.constant 0 : index
    %get3A_97 = arith.constant 0 : index
    %get3A_98 = vector.load %arg4[%get3A_95, %get3A_96, %get3A_97] : memref<4x768x192xf32, #tpu.memory_space<vmem>>, vector<1x768x192xf32>
    %get3A_99 = vector.shape_cast %get3A_98 : vector<1x768x192xf32> to vector<768x192xf32>
    %dot_general3A_100 = arith.constant dense<0.000000e+00> : vector<384x192xf32>
    %dot_general3A_101 = tpu.matmul %add3A_26, %get3A_99, %dot_general3A_100 {dimension_numbers = #tpu.dot_dimension_numbers<[1], [0], [0], [1], [0, 0, 1, 1], [], []>, transpose_lhs_hint = false} : vector<384x768xf32>, vector<768x192xf32>, vector<384x192xf32> -> vector<384x192xf32>
    %swap3A_102 = arith.constant 0 : index
    %swap3A_103 = arith.constant 2 : index
    %swap3A_104 = arith.constant 0 : index
    %swap3A_105 = arith.constant 0 : index
    %swap3A_106 = vector.load %arg6[%swap3A_102, %swap3A_103, %swap3A_104, %swap3A_105] : memref<1x4x384x192xf32, #tpu.memory_space<vmem>>, vector<1x1x384x192xf32>
    %swap3A_107 = vector.shape_cast %swap3A_106 : vector<1x1x384x192xf32> to vector<384x192xf32>
    %swap3A_108 = vector.shape_cast %dot_general3A_101 : vector<384x192xf32> to vector<1x1x384x192xf32>
    tpu.vector_store %arg6[%swap3A_102, %swap3A_103, %swap3A_104, %swap3A_105], %swap3A_108 {strides = array<i32>} : memref<1x4x384x192xf32, #tpu.memory_space<vmem>>, vector<1x1x384x192xf32>,
    %get3A_109 = arith.constant 3 : index
    %get3A_110 = arith.constant 0 : index
    %get3A_111 = arith.constant 0 : index
    %get3A_112 = vector.load %arg3[%get3A_109, %get3A_110, %get3A_111] : memref<4x768x192xf32, #tpu.memory_space<vmem>>, vector<1x768x192xf32>
    %get3A_113 = vector.shape_cast %get3A_112 : vector<1x768x192xf32> to vector<768x192xf32>
    %dot_general3A_114 = arith.constant dense<0.000000e+00> : vector<384x192xf32>
    %dot_general3A_115 = tpu.matmul %add3A_26, %get3A_113, %dot_general3A_114 {dimension_numbers = #tpu.dot_dimension_numbers<[1], [0], [0], [1], [0, 0, 1, 1], [], []>, transpose_lhs_hint = false} : vector<384x768xf32>, vector<768x192xf32>, vector<384x192xf32> -> vector<384x192xf32>
    %swap3A_116 = arith.constant 0 : index
    %swap3A_117 = arith.constant 3 : index
    %swap3A_118 = arith.constant 0 : index
    %swap3A_119 = arith.constant 0 : index
    %swap3A_120 = vector.load %arg5[%swap3A_116, %swap3A_117, %swap3A_118, %swap3A_119] : memref<1x4x384x192xf32, #tpu.memory_space<vmem>>, vector<1x1x384x192xf32>
    %swap3A_121 = vector.shape_cast %swap3A_120 : vector<1x1x384x192xf32> to vector<384x192xf32>
    %swap3A_122 = vector.shape_cast %dot_general3A_115 : vector<384x192xf32> to vector<1x1x384x192xf32>
    tpu.vector_store %arg5[%swap3A_116, %swap3A_117, %swap3A_118, %swap3A_119], %swap3A_122 {strides = array<i32>} : memref<1x4x384x192xf32, #tpu.memory_space<vmem>>, vector<1x1x384x192xf32>,
    %get3A_123 = arith.constant 3 : index
    %get3A_124 = arith.constant 0 : index
    %get3A_125 = arith.constant 0 : index
    %get3A_126 = vector.load %arg4[%get3A_123, %get3A_124, %get3A_125] : memref<4x768x192xf32, #tpu.memory_space<vmem>>, vector<1x768x192xf32>
    %get3A_127 = vector.shape_cast %get3A_126 : vector<1x768x192xf32> to vector<768x192xf32>
    %dot_general3A_128 = arith.constant dense<0.000000e+00> : vector<384x192xf32>
    %dot_general3A_129 = tpu.matmul %add3A_26, %get3A_127, %dot_general3A_128 {dimension_numbers = #tpu.dot_dimension_numbers<[1], [0], [0], [1], [0, 0, 1, 1], [], []>, transpose_lhs_hint = false} : vector<384x768xf32>, vector<768x192xf32>, vector<384x192xf32> -> vector<384x192xf32>
    %swap3A_130 = arith.constant 0 : index
    %swap3A_131 = arith.constant 3 : index
    %swap3A_132 = arith.constant 0 : index
    %swap3A_133 = arith.constant 0 : index
    %swap3A_134 = vector.load %arg6[%swap3A_130, %swap3A_131, %swap3A_132, %swap3A_133] : memref<1x4x384x192xf32, #tpu.memory_space<vmem>>, vector<1x1x384x192xf32>
    %swap3A_135 = vector.shape_cast %swap3A_134 : vector<1x1x384x192xf32> to vector<384x192xf32>
    %swap3A_136 = vector.shape_cast %dot_general3A_129 : vector<384x192xf32> to vector<1x1x384x192xf32>
    tpu.vector_store %arg6[%swap3A_130, %swap3A_131, %swap3A_132, %swap3A_133], %swap3A_136 {strides = array<i32>} : memref<1x4x384x192xf32, #tpu.memory_space<vmem>>, vector<1x1x384x192xf32>,
    return
  }
  func.func @transform_0(%arg0: i32) -> (i32, i32, i32) {
    %c0_i32 = arith.constant 0 : i32
    %c0_i32_0 = arith.constant 0 : i32
    %c0_i32_1 = arith.constant 0 : i32
    return %arg0, %c0_i32, %c0_i32_0 : i32, i32, i32
  }
  func.func @transform_1(%arg0: i32) -> (i32, i32) {
    %c0_i32 = arith.constant 0 : i32
    %c0_i32_0 = arith.constant 0 : i32
    %c0_i32_1 = arith.constant 0 : i32
    return %c0_i32, %c0_i32_0 : i32, i32
  }
  func.func @transform_2(%arg0: i32) -> (i32, i32, i32) {
    %c0_i32 = arith.constant 0 : i32
    %c0_i32_0 = arith.constant 0 : i32
    %c0_i32_1 = arith.constant 0 : i32
    %c0_i32_2 = arith.constant 0 : i32
    return %c0_i32, %c0_i32_0, %c0_i32_1 : i32, i32, i32
  }
  func.func @transform_3(%arg0: i32) -> (i32, i32, i32) {
    %c0_i32 = arith.constant 0 : i32
    %c0_i32_0 = arith.constant 0 : i32
    %c0_i32_1 = arith.constant 0 : i32
    %c0_i32_2 = arith.constant 0 : i32
    return %c0_i32, %c0_i32_0, %c0_i32_1 : i32, i32, i32
  }
  func.func @transform_4(%arg0: i32) -> (i32, i32, i32, i32) {
    %c0_i32 = arith.constant 0 : i32
    %c0_i32_0 = arith.constant 0 : i32
    %c0_i32_1 = arith.constant 0 : i32
    %c0_i32_2 = arith.constant 0 : i32
    return %arg0, %c0_i32, %c0_i32_0, %c0_i32_1 : i32, i32, i32, i32
  }
  func.func @transform_5(%arg0: i32) -> (i32, i32, i32, i32) {
    %c0_i32 = arith.constant 0 : i32
    %c0_i32_0 = arith.constant 0 : i32
    %c0_i32_1 = arith.constant 0 : i32
    %c0_i32_2 = arith.constant 0 : i32
    return %arg0, %c0_i32, %c0_i32_0, %c0_i32_1 : i32, i32, i32, i32
  }
}

module attributes {stable_mosaic.version = 14 : i64} {
  func.func @_k4_body(%arg0: i32, %arg1: i32, %arg2: memref<1x1024x768xf32, #tpu.memory_space<vmem>>, %arg3: memref<1x1024x768xf32, #tpu.memory_space<vmem>>, %arg4: memref<1x4x384x192xf32, #tpu.memory_space<vmem>>, %arg5: memref<1x4x384x192xf32, #tpu.memory_space<vmem>>, %arg6: memref<10x768xf32, #tpu.memory_space<vmem>>, %arg7: memref<4x768x192xf32, #tpu.memory_space<vmem>>, %arg8: memref<4x192x768xf32, #tpu.memory_space<vmem>>, %arg9: memref<1x768xf32, #tpu.memory_space<vmem>>, %arg10: memref<1x768xf32, #tpu.memory_space<vmem>>, %arg11: memref<768x768xf32, #tpu.memory_space<vmem>>, %arg12: memref<1x768xf32, #tpu.memory_space<vmem>>, %arg13: memref<1x1x1024x768xf32, #tpu.memory_space<vmem>>) attributes {dimension_semantics = [#tpu.dimension_semantics<arbitrary>, #tpu.dimension_semantics<arbitrary>], iteration_bounds = array<i64: 4, 4>, scalar_prefetch = 0 : i64, scratch_operands = 0 : i64, tpu.core_type = #tpu.core_type<tc>, window_params = [{transform_indices = @transform_0, window_bounds = array<i64: 1, 1024, 768>}, {transform_indices = @transform_1, window_bounds = array<i64: 1, 1024, 768>}, {transform_indices = @transform_2, window_bounds = array<i64: 1, 4, 384, 192>}, {transform_indices = @transform_3, window_bounds = array<i64: 1, 4, 384, 192>}, {pipeline_mode = #tpu.pipeline_mode<synchronous>, transform_indices = @transform_4, window_bounds = array<i64: 10, 768>}, {pipeline_mode = #tpu.pipeline_mode<synchronous>, transform_indices = @transform_5, window_bounds = array<i64: 4, 768, 192>}, {pipeline_mode = #tpu.pipeline_mode<synchronous>, transform_indices = @transform_6, window_bounds = array<i64: 4, 192, 768>}, {pipeline_mode = #tpu.pipeline_mode<synchronous>, transform_indices = @transform_7, window_bounds = array<i64: 1, 768>}, {pipeline_mode = #tpu.pipeline_mode<synchronous>, transform_indices = @transform_8, window_bounds = array<i64: 1, 768>}, {pipeline_mode = #tpu.pipeline_mode<synchronous>, transform_indices = @transform_9, window_bounds = array<i64: 768, 768>}, {pipeline_mode = #tpu.pipeline_mode<synchronous>, transform_indices = @transform_10, window_bounds = array<i64: 1, 768>}, {transform_indices = @transform_11, window_bounds = array<i64: 1, 1, 1024, 768>}]} {
    %get3A = arith.constant 0 : index
    %get3A_0 = arith.constant 0 : index
    %get3A_1 = arith.constant 0 : index
    %get3A_2 = vector.load %arg2[%get3A, %get3A_0, %get3A_1] : memref<1x1024x768xf32, #tpu.memory_space<vmem>>, vector<1x1024x768xf32>
    %get3A_3 = vector.shape_cast %get3A_2 : vector<1x1024x768xf32> to vector<1024x768xf32>
    %get3A_4 = arith.constant 0 : index
    %get3A_5 = arith.constant 0 : index
    %get3A_6 = arith.constant 0 : index
    %get3A_7 = vector.load %arg3[%get3A_4, %get3A_5, %get3A_6] : memref<1x1024x768xf32, #tpu.memory_space<vmem>>, vector<1x1024x768xf32>
    %get3A_8 = vector.shape_cast %get3A_7 : vector<1x1024x768xf32> to vector<1024x768xf32>
    %get3A_9 = arith.constant 0 : index
    %get3A_10 = arith.constant 0 : index
    %get3A_11 = vector.load %arg6[%get3A_9, %get3A_10] : memref<10x768xf32, #tpu.memory_space<vmem>>, vector<10x768xf32>
    %broadcast_in_dim3A = arith.constant 0.000000e+00 : f32
    %broadcast_in_dim3A_12 = vector.broadcast %broadcast_in_dim3A : f32 to vector<1024x768xf32>
    %get3A_13 = arith.constant 0 : index
    %get3A_14 = arith.constant 0 : index
    %get3A_15 = arith.constant 0 : index
    %get3A_16 = vector.load %arg7[%get3A_13, %get3A_14, %get3A_15] : memref<4x768x192xf32, #tpu.memory_space<vmem>>, vector<1x768x192xf32>
    %get3A_17 = vector.shape_cast %get3A_16 : vector<1x768x192xf32> to vector<768x192xf32>
    %dot_general3A = arith.constant dense<0.000000e+00> : vector<1024x192xf32>
    %dot_general3A_18 = tpu.matmul %get3A_8, %get3A_17, %dot_general3A {dimension_numbers = #tpu.dot_dimension_numbers<[1], [0], [0], [1], [0, 0, 1, 1], [], []>, transpose_lhs_hint = false} : vector<1024x768xf32>, vector<768x192xf32>, vector<1024x192xf32> -> vector<1024x192xf32>
    %get3A_19 = arith.constant 0 : index
    %get3A_20 = arith.constant 0 : index
    %get3A_21 = arith.constant 0 : index
    %get3A_22 = arith.constant 0 : index
    %get3A_23 = vector.load %arg4[%get3A_19, %get3A_20, %get3A_21, %get3A_22] : memref<1x4x384x192xf32, #tpu.memory_space<vmem>>, vector<1x1x384x192xf32>
    %get3A_24 = vector.shape_cast %get3A_23 : vector<1x1x384x192xf32> to vector<384x192xf32>
    %dot_general3A_25 = arith.constant dense<0.000000e+00> : vector<1024x384xf32>
    %dot_general3A_26 = tpu.matmul %dot_general3A_18, %get3A_24, %dot_general3A_25 {dimension_numbers = #tpu.dot_dimension_numbers<[1], [1], [0], [0], [0, 0, 1, 0], [], []>, transpose_lhs_hint = false} : vector<1024x192xf32>, vector<384x192xf32>, vector<1024x384xf32> -> vector<1024x384xf32>
    %mul3A = arith.constant 0.0721687824 : f32
    %mul3A_27 = vector.broadcast %mul3A : f32 to vector<1024x384xf32>
    %mul3A_28 = arith.mulf %dot_general3A_26, %mul3A_27 : vector<1024x384xf32>
    %reduce_max3A = arith.constant dense<0xFF800000> : vector<1024xf32>
    %reduce_max3A_29 = vector.multi_reduction <maximumf>, %mul3A_28, %reduce_max3A [1] : vector<1024x384xf32> to vector<1024xf32>
    %broadcast_in_dim3A_30 = vector.shape_cast %reduce_max3A_29 : vector<1024xf32> to vector<1024x1xf32>
    %sub3A = vector.broadcast %broadcast_in_dim3A_30 : vector<1024x1xf32> to vector<1024x384xf32>
    %sub3A_31 = arith.subf %mul3A_28, %sub3A : vector<1024x384xf32>
    %exp3A = math.exp %sub3A_31 : vector<1024x384xf32>
    %reduce_sum3A = arith.constant dense<0.000000e+00> : vector<1024xf32>
    %reduce_sum3A_32 = vector.multi_reduction <add>, %exp3A, %reduce_sum3A [1] : vector<1024x384xf32> to vector<1024xf32>
    %broadcast_in_dim3A_33 = vector.shape_cast %reduce_sum3A_32 : vector<1024xf32> to vector<1024x1xf32>
    %div3A = vector.broadcast %broadcast_in_dim3A_33 : vector<1024x1xf32> to vector<1024x384xf32>
    %div3A_34 = arith.divf %exp3A, %div3A : vector<1024x384xf32>
    %get3A_35 = arith.constant 0 : index
    %get3A_36 = arith.constant 0 : index
    %get3A_37 = arith.constant 0 : index
    %get3A_38 = arith.constant 0 : index
    %get3A_39 = vector.load %arg5[%get3A_35, %get3A_36, %get3A_37, %get3A_38] : memref<1x4x384x192xf32, #tpu.memory_space<vmem>>, vector<1x1x384x192xf32>
    %get3A_40 = vector.shape_cast %get3A_39 : vector<1x1x384x192xf32> to vector<384x192xf32>
    %dot_general3A_41 = arith.constant dense<0.000000e+00> : vector<1024x192xf32>
    %dot_general3A_42 = tpu.matmul %div3A_34, %get3A_40, %dot_general3A_41 {dimension_numbers = #tpu.dot_dimension_numbers<[1], [0], [0], [1], [0, 0, 1, 1], [], []>, transpose_lhs_hint = false} : vector<1024x384xf32>, vector<384x192xf32>, vector<1024x192xf32> -> vector<1024x192xf32>
    %get3A_43 = arith.constant 0 : index
    %get3A_44 = arith.constant 0 : index
    %get3A_45 = arith.constant 0 : index
    %get3A_46 = vector.load %arg8[%get3A_43, %get3A_44, %get3A_45] : memref<4x192x768xf32, #tpu.memory_space<vmem>>, vector<1x192x768xf32>
    %get3A_47 = vector.shape_cast %get3A_46 : vector<1x192x768xf32> to vector<192x768xf32>
    %dot_general3A_48 = arith.constant dense<0.000000e+00> : vector<1024x768xf32>
    %dot_general3A_49 = tpu.matmul %dot_general3A_42, %get3A_47, %dot_general3A_48 {dimension_numbers = #tpu.dot_dimension_numbers<[1], [0], [0], [1], [0, 0, 1, 1], [], []>, transpose_lhs_hint = false} : vector<1024x192xf32>, vector<192x768xf32>, vector<1024x768xf32> -> vector<1024x768xf32>
    %add3A = arith.addf %broadcast_in_dim3A_12, %dot_general3A_49 : vector<1024x768xf32>
    %get3A_50 = arith.constant 1 : index
    %get3A_51 = arith.constant 0 : index
    %get3A_52 = arith.constant 0 : index
    %get3A_53 = vector.load %arg7[%get3A_50, %get3A_51, %get3A_52] : memref<4x768x192xf32, #tpu.memory_space<vmem>>, vector<1x768x192xf32>
    %get3A_54 = vector.shape_cast %get3A_53 : vector<1x768x192xf32> to vector<768x192xf32>
    %dot_general3A_55 = arith.constant dense<0.000000e+00> : vector<1024x192xf32>
    %dot_general3A_56 = tpu.matmul %get3A_8, %get3A_54, %dot_general3A_55 {dimension_numbers = #tpu.dot_dimension_numbers<[1], [0], [0], [1], [0, 0, 1, 1], [], []>, transpose_lhs_hint = false} : vector<1024x768xf32>, vector<768x192xf32>, vector<1024x192xf32> -> vector<1024x192xf32>
    %get3A_57 = arith.constant 0 : index
    %get3A_58 = arith.constant 1 : index
    %get3A_59 = arith.constant 0 : index
    %get3A_60 = arith.constant 0 : index
    %get3A_61 = vector.load %arg4[%get3A_57, %get3A_58, %get3A_59, %get3A_60] : memref<1x4x384x192xf32, #tpu.memory_space<vmem>>, vector<1x1x384x192xf32>
    %get3A_62 = vector.shape_cast %get3A_61 : vector<1x1x384x192xf32> to vector<384x192xf32>
    %dot_general3A_63 = arith.constant dense<0.000000e+00> : vector<1024x384xf32>
    %dot_general3A_64 = tpu.matmul %dot_general3A_56, %get3A_62, %dot_general3A_63 {dimension_numbers = #tpu.dot_dimension_numbers<[1], [1], [0], [0], [0, 0, 1, 0], [], []>, transpose_lhs_hint = false} : vector<1024x192xf32>, vector<384x192xf32>, vector<1024x384xf32> -> vector<1024x384xf32>
    %mul3A_65 = arith.constant 0.0721687824 : f32
    %mul3A_66 = vector.broadcast %mul3A_65 : f32 to vector<1024x384xf32>
    %mul3A_67 = arith.mulf %dot_general3A_64, %mul3A_66 : vector<1024x384xf32>
    %reduce_max3A_68 = arith.constant dense<0xFF800000> : vector<1024xf32>
    %reduce_max3A_69 = vector.multi_reduction <maximumf>, %mul3A_67, %reduce_max3A_68 [1] : vector<1024x384xf32> to vector<1024xf32>
    %broadcast_in_dim3A_70 = vector.shape_cast %reduce_max3A_69 : vector<1024xf32> to vector<1024x1xf32>
    %sub3A_71 = vector.broadcast %broadcast_in_dim3A_70 : vector<1024x1xf32> to vector<1024x384xf32>
    %sub3A_72 = arith.subf %mul3A_67, %sub3A_71 : vector<1024x384xf32>
    %exp3A_73 = math.exp %sub3A_72 : vector<1024x384xf32>
    %reduce_sum3A_74 = arith.constant dense<0.000000e+00> : vector<1024xf32>
    %reduce_sum3A_75 = vector.multi_reduction <add>, %exp3A_73, %reduce_sum3A_74 [1] : vector<1024x384xf32> to vector<1024xf32>
    %broadcast_in_dim3A_76 = vector.shape_cast %reduce_sum3A_75 : vector<1024xf32> to vector<1024x1xf32>
    %div3A_77 = vector.broadcast %broadcast_in_dim3A_76 : vector<1024x1xf32> to vector<1024x384xf32>
    %div3A_78 = arith.divf %exp3A_73, %div3A_77 : vector<1024x384xf32>
    %get3A_79 = arith.constant 0 : index
    %get3A_80 = arith.constant 1 : index
    %get3A_81 = arith.constant 0 : index
    %get3A_82 = arith.constant 0 : index
    %get3A_83 = vector.load %arg5[%get3A_79, %get3A_80, %get3A_81, %get3A_82] : memref<1x4x384x192xf32, #tpu.memory_space<vmem>>, vector<1x1x384x192xf32>
    %get3A_84 = vector.shape_cast %get3A_83 : vector<1x1x384x192xf32> to vector<384x192xf32>
    %dot_general3A_85 = arith.constant dense<0.000000e+00> : vector<1024x192xf32>
    %dot_general3A_86 = tpu.matmul %div3A_78, %get3A_84, %dot_general3A_85 {dimension_numbers = #tpu.dot_dimension_numbers<[1], [0], [0], [1], [0, 0, 1, 1], [], []>, transpose_lhs_hint = false} : vector<1024x384xf32>, vector<384x192xf32>, vector<1024x192xf32> -> vector<1024x192xf32>
    %get3A_87 = arith.constant 1 : index
    %get3A_88 = arith.constant 0 : index
    %get3A_89 = arith.constant 0 : index
    %get3A_90 = vector.load %arg8[%get3A_87, %get3A_88, %get3A_89] : memref<4x192x768xf32, #tpu.memory_space<vmem>>, vector<1x192x768xf32>
    %get3A_91 = vector.shape_cast %get3A_90 : vector<1x192x768xf32> to vector<192x768xf32>
    %dot_general3A_92 = arith.constant dense<0.000000e+00> : vector<1024x768xf32>
    %dot_general3A_93 = tpu.matmul %dot_general3A_86, %get3A_91, %dot_general3A_92 {dimension_numbers = #tpu.dot_dimension_numbers<[1], [0], [0], [1], [0, 0, 1, 1], [], []>, transpose_lhs_hint = false} : vector<1024x192xf32>, vector<192x768xf32>, vector<1024x768xf32> -> vector<1024x768xf32>
    %add3A_94 = arith.addf %add3A, %dot_general3A_93 : vector<1024x768xf32>
    %get3A_95 = arith.constant 2 : index
    %get3A_96 = arith.constant 0 : index
    %get3A_97 = arith.constant 0 : index
    %get3A_98 = vector.load %arg7[%get3A_95, %get3A_96, %get3A_97] : memref<4x768x192xf32, #tpu.memory_space<vmem>>, vector<1x768x192xf32>
    %get3A_99 = vector.shape_cast %get3A_98 : vector<1x768x192xf32> to vector<768x192xf32>
    %dot_general3A_100 = arith.constant dense<0.000000e+00> : vector<1024x192xf32>
    %dot_general3A_101 = tpu.matmul %get3A_8, %get3A_99, %dot_general3A_100 {dimension_numbers = #tpu.dot_dimension_numbers<[1], [0], [0], [1], [0, 0, 1, 1], [], []>, transpose_lhs_hint = false} : vector<1024x768xf32>, vector<768x192xf32>, vector<1024x192xf32> -> vector<1024x192xf32>
    %get3A_102 = arith.constant 0 : index
    %get3A_103 = arith.constant 2 : index
    %get3A_104 = arith.constant 0 : index
    %get3A_105 = arith.constant 0 : index
    %get3A_106 = vector.load %arg4[%get3A_102, %get3A_103, %get3A_104, %get3A_105] : memref<1x4x384x192xf32, #tpu.memory_space<vmem>>, vector<1x1x384x192xf32>
    %get3A_107 = vector.shape_cast %get3A_106 : vector<1x1x384x192xf32> to vector<384x192xf32>
    %dot_general3A_108 = arith.constant dense<0.000000e+00> : vector<1024x384xf32>
    %dot_general3A_109 = tpu.matmul %dot_general3A_101, %get3A_107, %dot_general3A_108 {dimension_numbers = #tpu.dot_dimension_numbers<[1], [1], [0], [0], [0, 0, 1, 0], [], []>, transpose_lhs_hint = false} : vector<1024x192xf32>, vector<384x192xf32>, vector<1024x384xf32> -> vector<1024x384xf32>
    %mul3A_110 = arith.constant 0.0721687824 : f32
    %mul3A_111 = vector.broadcast %mul3A_110 : f32 to vector<1024x384xf32>
    %mul3A_112 = arith.mulf %dot_general3A_109, %mul3A_111 : vector<1024x384xf32>
    %reduce_max3A_113 = arith.constant dense<0xFF800000> : vector<1024xf32>
    %reduce_max3A_114 = vector.multi_reduction <maximumf>, %mul3A_112, %reduce_max3A_113 [1] : vector<1024x384xf32> to vector<1024xf32>
    %broadcast_in_dim3A_115 = vector.shape_cast %reduce_max3A_114 : vector<1024xf32> to vector<1024x1xf32>
    %sub3A_116 = vector.broadcast %broadcast_in_dim3A_115 : vector<1024x1xf32> to vector<1024x384xf32>
    %sub3A_117 = arith.subf %mul3A_112, %sub3A_116 : vector<1024x384xf32>
    %exp3A_118 = math.exp %sub3A_117 : vector<1024x384xf32>
    %reduce_sum3A_119 = arith.constant dense<0.000000e+00> : vector<1024xf32>
    %reduce_sum3A_120 = vector.multi_reduction <add>, %exp3A_118, %reduce_sum3A_119 [1] : vector<1024x384xf32> to vector<1024xf32>
    %broadcast_in_dim3A_121 = vector.shape_cast %reduce_sum3A_120 : vector<1024xf32> to vector<1024x1xf32>
    %div3A_122 = vector.broadcast %broadcast_in_dim3A_121 : vector<1024x1xf32> to vector<1024x384xf32>
    %div3A_123 = arith.divf %exp3A_118, %div3A_122 : vector<1024x384xf32>
    %get3A_124 = arith.constant 0 : index
    %get3A_125 = arith.constant 2 : index
    %get3A_126 = arith.constant 0 : index
    %get3A_127 = arith.constant 0 : index
    %get3A_128 = vector.load %arg5[%get3A_124, %get3A_125, %get3A_126, %get3A_127] : memref<1x4x384x192xf32, #tpu.memory_space<vmem>>, vector<1x1x384x192xf32>
    %get3A_129 = vector.shape_cast %get3A_128 : vector<1x1x384x192xf32> to vector<384x192xf32>
    %dot_general3A_130 = arith.constant dense<0.000000e+00> : vector<1024x192xf32>
    %dot_general3A_131 = tpu.matmul %div3A_123, %get3A_129, %dot_general3A_130 {dimension_numbers = #tpu.dot_dimension_numbers<[1], [0], [0], [1], [0, 0, 1, 1], [], []>, transpose_lhs_hint = false} : vector<1024x384xf32>, vector<384x192xf32>, vector<1024x192xf32> -> vector<1024x192xf32>
    %get3A_132 = arith.constant 2 : index
    %get3A_133 = arith.constant 0 : index
    %get3A_134 = arith.constant 0 : index
    %get3A_135 = vector.load %arg8[%get3A_132, %get3A_133, %get3A_134] : memref<4x192x768xf32, #tpu.memory_space<vmem>>, vector<1x192x768xf32>
    %get3A_136 = vector.shape_cast %get3A_135 : vector<1x192x768xf32> to vector<192x768xf32>
    %dot_general3A_137 = arith.constant dense<0.000000e+00> : vector<1024x768xf32>
    %dot_general3A_138 = tpu.matmul %dot_general3A_131, %get3A_136, %dot_general3A_137 {dimension_numbers = #tpu.dot_dimension_numbers<[1], [0], [0], [1], [0, 0, 1, 1], [], []>, transpose_lhs_hint = false} : vector<1024x192xf32>, vector<192x768xf32>, vector<1024x768xf32> -> vector<1024x768xf32>
    %add3A_139 = arith.addf %add3A_94, %dot_general3A_138 : vector<1024x768xf32>
    %get3A_140 = arith.constant 3 : index
    %get3A_141 = arith.constant 0 : index
    %get3A_142 = arith.constant 0 : index
    %get3A_143 = vector.load %arg7[%get3A_140, %get3A_141, %get3A_142] : memref<4x768x192xf32, #tpu.memory_space<vmem>>, vector<1x768x192xf32>
    %get3A_144 = vector.shape_cast %get3A_143 : vector<1x768x192xf32> to vector<768x192xf32>
    %dot_general3A_145 = arith.constant dense<0.000000e+00> : vector<1024x192xf32>
    %dot_general3A_146 = tpu.matmul %get3A_8, %get3A_144, %dot_general3A_145 {dimension_numbers = #tpu.dot_dimension_numbers<[1], [0], [0], [1], [0, 0, 1, 1], [], []>, transpose_lhs_hint = false} : vector<1024x768xf32>, vector<768x192xf32>, vector<1024x192xf32> -> vector<1024x192xf32>
    %get3A_147 = arith.constant 0 : index
    %get3A_148 = arith.constant 3 : index
    %get3A_149 = arith.constant 0 : index
    %get3A_150 = arith.constant 0 : index
    %get3A_151 = vector.load %arg4[%get3A_147, %get3A_148, %get3A_149, %get3A_150] : memref<1x4x384x192xf32, #tpu.memory_space<vmem>>, vector<1x1x384x192xf32>
    %get3A_152 = vector.shape_cast %get3A_151 : vector<1x1x384x192xf32> to vector<384x192xf32>
    %dot_general3A_153 = arith.constant dense<0.000000e+00> : vector<1024x384xf32>
    %dot_general3A_154 = tpu.matmul %dot_general3A_146, %get3A_152, %dot_general3A_153 {dimension_numbers = #tpu.dot_dimension_numbers<[1], [1], [0], [0], [0, 0, 1, 0], [], []>, transpose_lhs_hint = false} : vector<1024x192xf32>, vector<384x192xf32>, vector<1024x384xf32> -> vector<1024x384xf32>
    %mul3A_155 = arith.constant 0.0721687824 : f32
    %mul3A_156 = vector.broadcast %mul3A_155 : f32 to vector<1024x384xf32>
    %mul3A_157 = arith.mulf %dot_general3A_154, %mul3A_156 : vector<1024x384xf32>
    %reduce_max3A_158 = arith.constant dense<0xFF800000> : vector<1024xf32>
    %reduce_max3A_159 = vector.multi_reduction <maximumf>, %mul3A_157, %reduce_max3A_158 [1] : vector<1024x384xf32> to vector<1024xf32>
    %broadcast_in_dim3A_160 = vector.shape_cast %reduce_max3A_159 : vector<1024xf32> to vector<1024x1xf32>
    %sub3A_161 = vector.broadcast %broadcast_in_dim3A_160 : vector<1024x1xf32> to vector<1024x384xf32>
    %sub3A_162 = arith.subf %mul3A_157, %sub3A_161 : vector<1024x384xf32>
    %exp3A_163 = math.exp %sub3A_162 : vector<1024x384xf32>
    %reduce_sum3A_164 = arith.constant dense<0.000000e+00> : vector<1024xf32>
    %reduce_sum3A_165 = vector.multi_reduction <add>, %exp3A_163, %reduce_sum3A_164 [1] : vector<1024x384xf32> to vector<1024xf32>
    %broadcast_in_dim3A_166 = vector.shape_cast %reduce_sum3A_165 : vector<1024xf32> to vector<1024x1xf32>
    %div3A_167 = vector.broadcast %broadcast_in_dim3A_166 : vector<1024x1xf32> to vector<1024x384xf32>
    %div3A_168 = arith.divf %exp3A_163, %div3A_167 : vector<1024x384xf32>
    %get3A_169 = arith.constant 0 : index
    %get3A_170 = arith.constant 3 : index
    %get3A_171 = arith.constant 0 : index
    %get3A_172 = arith.constant 0 : index
    %get3A_173 = vector.load %arg5[%get3A_169, %get3A_170, %get3A_171, %get3A_172] : memref<1x4x384x192xf32, #tpu.memory_space<vmem>>, vector<1x1x384x192xf32>
    %get3A_174 = vector.shape_cast %get3A_173 : vector<1x1x384x192xf32> to vector<384x192xf32>
    %dot_general3A_175 = arith.constant dense<0.000000e+00> : vector<1024x192xf32>
    %dot_general3A_176 = tpu.matmul %div3A_168, %get3A_174, %dot_general3A_175 {dimension_numbers = #tpu.dot_dimension_numbers<[1], [0], [0], [1], [0, 0, 1, 1], [], []>, transpose_lhs_hint = false} : vector<1024x384xf32>, vector<384x192xf32>, vector<1024x192xf32> -> vector<1024x192xf32>
    %get3A_177 = arith.constant 3 : index
    %get3A_178 = arith.constant 0 : index
    %get3A_179 = arith.constant 0 : index
    %get3A_180 = vector.load %arg8[%get3A_177, %get3A_178, %get3A_179] : memref<4x192x768xf32, #tpu.memory_space<vmem>>, vector<1x192x768xf32>
    %get3A_181 = vector.shape_cast %get3A_180 : vector<1x192x768xf32> to vector<192x768xf32>
    %dot_general3A_182 = arith.constant dense<0.000000e+00> : vector<1024x768xf32>
    %dot_general3A_183 = tpu.matmul %dot_general3A_176, %get3A_181, %dot_general3A_182 {dimension_numbers = #tpu.dot_dimension_numbers<[1], [0], [0], [1], [0, 0, 1, 1], [], []>, transpose_lhs_hint = false} : vector<1024x192xf32>, vector<192x768xf32>, vector<1024x768xf32> -> vector<1024x768xf32>
    %add3A_184 = arith.addf %add3A_139, %dot_general3A_183 : vector<1024x768xf32>
    %get3A_185 = arith.constant 0 : index
    %get3A_186 = arith.constant 0 : index
    %get3A_187 = vector.load %arg10[%get3A_185, %get3A_186] : memref<1x768xf32, #tpu.memory_space<vmem>>, vector<1x768xf32>
    %get3A_188 = arith.constant 0 : index
    %get3A_189 = arith.constant 0 : index
    %get3A_190 = vector.load %arg9[%get3A_188, %get3A_189] : memref<1x768xf32, #tpu.memory_space<vmem>>, vector<1x768xf32>
    %add3A_191 = vector.broadcast %get3A_190 : vector<1x768xf32> to vector<1024x768xf32>
    %add3A_192 = arith.addf %add3A_184, %add3A_191 : vector<1024x768xf32>
    %mul3A_193 = vector.broadcast %get3A_187 : vector<1x768xf32> to vector<1024x768xf32>
    %mul3A_194 = arith.mulf %mul3A_193, %add3A_192 : vector<1024x768xf32>
    %add3A_195 = arith.addf %get3A_3, %mul3A_194 : vector<1024x768xf32>
    %slice3A = vector.extract_strided_slice %get3A_11 {offsets = [8, 0], sizes = [1, 768], strides = [1, 1]} : vector<10x768xf32> to vector<1x768xf32>
    %slice3A_196 = vector.extract_strided_slice %get3A_11 {offsets = [9, 0], sizes = [1, 768], strides = [1, 1]} : vector<10x768xf32> to vector<1x768xf32>
    %reduce_sum3A_197 = arith.constant dense<0.000000e+00> : vector<1024xf32>
    %reduce_sum3A_198 = vector.multi_reduction <add>, %add3A_195, %reduce_sum3A_197 [1] : vector<1024x768xf32> to vector<1024xf32>
    %broadcast_in_dim3A_199 = vector.shape_cast %reduce_sum3A_198 : vector<1024xf32> to vector<1024x1xf32>
    %div3A_200 = arith.constant 7.680000e+02 : f32
    %div3A_201 = vector.broadcast %div3A_200 : f32 to vector<1024x1xf32>
    %div3A_202 = arith.divf %broadcast_in_dim3A_199, %div3A_201 : vector<1024x1xf32>
    %sub3A_203 = vector.broadcast %div3A_202 : vector<1024x1xf32> to vector<1024x768xf32>
    %sub3A_204 = arith.subf %add3A_195, %sub3A_203 : vector<1024x768xf32>
    %integer_pow3A = arith.mulf %sub3A_204, %sub3A_204 : vector<1024x768xf32>
    %reduce_sum3A_205 = arith.constant dense<0.000000e+00> : vector<1024xf32>
    %reduce_sum3A_206 = vector.multi_reduction <add>, %integer_pow3A, %reduce_sum3A_205 [1] : vector<1024x768xf32> to vector<1024xf32>
    %broadcast_in_dim3A_207 = vector.shape_cast %reduce_sum3A_206 : vector<1024xf32> to vector<1024x1xf32>
    %div3A_208 = arith.constant 7.680000e+02 : f32
    %div3A_209 = vector.broadcast %div3A_208 : f32 to vector<1024x1xf32>
    %div3A_210 = arith.divf %broadcast_in_dim3A_207, %div3A_209 : vector<1024x1xf32>
    %sub3A_211 = vector.broadcast %div3A_202 : vector<1024x1xf32> to vector<1024x768xf32>
    %sub3A_212 = arith.subf %add3A_195, %sub3A_211 : vector<1024x768xf32>
    %add3A_213 = arith.constant 9.99999974E-6 : f32
    %add3A_214 = vector.broadcast %add3A_213 : f32 to vector<1024x1xf32>
    %add3A_215 = arith.addf %div3A_210, %add3A_214 : vector<1024x1xf32>
    %sqrt3A = math.sqrt %add3A_215 : vector<1024x1xf32>
    %div3A_216 = vector.broadcast %sqrt3A : vector<1024x1xf32> to vector<1024x768xf32>
    %div3A_217 = arith.divf %sub3A_212, %div3A_216 : vector<1024x768xf32>
    %mul3A_218 = vector.broadcast %slice3A : vector<1x768xf32> to vector<1024x768xf32>
    %mul3A_219 = arith.mulf %div3A_217, %mul3A_218 : vector<1024x768xf32>
    %add3A_220 = vector.broadcast %slice3A_196 : vector<1x768xf32> to vector<1024x768xf32>
    %add3A_221 = arith.addf %mul3A_219, %add3A_220 : vector<1024x768xf32>
    %get3A_222 = arith.constant 0 : index
    %get3A_223 = arith.constant 0 : index
    %get3A_224 = vector.load %arg11[%get3A_222, %get3A_223] : memref<768x768xf32, #tpu.memory_space<vmem>>, vector<768x768xf32>
    %dot_general3A_225 = arith.constant dense<0.000000e+00> : vector<1024x768xf32>
    %dot_general3A_226 = tpu.matmul %add3A_221, %get3A_224, %dot_general3A_225 {dimension_numbers = #tpu.dot_dimension_numbers<[1], [0], [0], [1], [0, 0, 1, 1], [], []>, transpose_lhs_hint = false} : vector<1024x768xf32>, vector<768x768xf32>, vector<1024x768xf32> -> vector<1024x768xf32>
    %get3A_227 = arith.constant 0 : index
    %get3A_228 = arith.constant 0 : index
    %get3A_229 = vector.load %arg12[%get3A_227, %get3A_228] : memref<1x768xf32, #tpu.memory_space<vmem>>, vector<1x768xf32>
    %add3A_230 = vector.broadcast %get3A_229 : vector<1x768xf32> to vector<1024x768xf32>
    %add3A_231 = arith.addf %dot_general3A_226, %add3A_230 : vector<1024x768xf32>
    %add3A_232 = arith.addf %add3A_195, %add3A_231 : vector<1024x768xf32>
    %swap3A = arith.constant 0 : index
    %swap3A_233 = arith.constant 0 : index
    %swap3A_234 = arith.constant 0 : index
    %swap3A_235 = arith.constant 0 : index
    %swap3A_236 = vector.load %arg13[%swap3A, %swap3A_233, %swap3A_234, %swap3A_235] : memref<1x1x1024x768xf32, #tpu.memory_space<vmem>>, vector<1x1x1024x768xf32>
    %swap3A_237 = vector.shape_cast %swap3A_236 : vector<1x1x1024x768xf32> to vector<1024x768xf32>
    %swap3A_238 = vector.shape_cast %add3A_232 : vector<1024x768xf32> to vector<1x1x1024x768xf32>
    tpu.vector_store %arg13[%swap3A, %swap3A_233, %swap3A_234, %swap3A_235], %swap3A_238 {strides = array<i32>} : memref<1x1x1024x768xf32, #tpu.memory_space<vmem>>, vector<1x1x1024x768xf32>,
    return
  }
  func.func @transform_0(%arg0: i32, %arg1: i32) -> (i32, i32, i32) {
    %c0_i32 = arith.constant 0 : i32
    %c0_i32_0 = arith.constant 0 : i32
    return %arg0, %arg1, %c0_i32 : i32, i32, i32
  }
  func.func @transform_1(%arg0: i32, %arg1: i32) -> (i32, i32, i32) {
    %c0_i32 = arith.constant 0 : i32
    %c0_i32_0 = arith.constant 0 : i32
    return %arg0, %arg1, %c0_i32 : i32, i32, i32
  }
  func.func @transform_2(%arg0: i32, %arg1: i32) -> (i32, i32, i32, i32) {
    %c0_i32 = arith.constant 0 : i32
    %c0_i32_0 = arith.constant 0 : i32
    %c0_i32_1 = arith.constant 0 : i32
    %c0_i32_2 = arith.constant 0 : i32
    return %arg0, %c0_i32, %c0_i32_0, %c0_i32_1 : i32, i32, i32, i32
  }
  func.func @transform_3(%arg0: i32, %arg1: i32) -> (i32, i32, i32, i32) {
    %c0_i32 = arith.constant 0 : i32
    %c0_i32_0 = arith.constant 0 : i32
    %c0_i32_1 = arith.constant 0 : i32
    %c0_i32_2 = arith.constant 0 : i32
    return %arg0, %c0_i32, %c0_i32_0, %c0_i32_1 : i32, i32, i32, i32
  }
  func.func @transform_4(%arg0: i32, %arg1: i32) -> (i32, i32) {
    %c0_i32 = arith.constant 0 : i32
    %c0_i32_0 = arith.constant 0 : i32
    %c0_i32_1 = arith.constant 0 : i32
    return %c0_i32, %c0_i32_0 : i32, i32
  }
  func.func @transform_5(%arg0: i32, %arg1: i32) -> (i32, i32, i32) {
    %c0_i32 = arith.constant 0 : i32
    %c0_i32_0 = arith.constant 0 : i32
    %c0_i32_1 = arith.constant 0 : i32
    %c0_i32_2 = arith.constant 0 : i32
    return %c0_i32, %c0_i32_0, %c0_i32_1 : i32, i32, i32
  }
  func.func @transform_6(%arg0: i32, %arg1: i32) -> (i32, i32, i32) {
    %c0_i32 = arith.constant 0 : i32
    %c0_i32_0 = arith.constant 0 : i32
    %c0_i32_1 = arith.constant 0 : i32
    %c0_i32_2 = arith.constant 0 : i32
    return %c0_i32, %c0_i32_0, %c0_i32_1 : i32, i32, i32
  }
  func.func @transform_7(%arg0: i32, %arg1: i32) -> (i32, i32) {
    %c0_i32 = arith.constant 0 : i32
    %c0_i32_0 = arith.constant 0 : i32
    %c0_i32_1 = arith.constant 0 : i32
    return %c0_i32, %c0_i32_0 : i32, i32
  }
  func.func @transform_8(%arg0: i32, %arg1: i32) -> (i32, i32) {
    %c0_i32 = arith.constant 0 : i32
    %c0_i32_0 = arith.constant 0 : i32
    %c0_i32_1 = arith.constant 0 : i32
    return %c0_i32, %c0_i32_0 : i32, i32
  }
  func.func @transform_9(%arg0: i32, %arg1: i32) -> (i32, i32) {
    %c0_i32 = arith.constant 0 : i32
    %c0_i32_0 = arith.constant 0 : i32
    %c0_i32_1 = arith.constant 0 : i32
    return %c0_i32, %c0_i32_0 : i32, i32
  }
  func.func @transform_10(%arg0: i32, %arg1: i32) -> (i32, i32) {
    %c0_i32 = arith.constant 0 : i32
    %c0_i32_0 = arith.constant 0 : i32
    %c0_i32_1 = arith.constant 0 : i32
    return %c0_i32, %c0_i32_0 : i32, i32
  }
  func.func @transform_11(%arg0: i32, %arg1: i32) -> (i32, i32, i32, i32) {
    %c0_i32 = arith.constant 0 : i32
    %c0_i32_0 = arith.constant 0 : i32
    %c0_i32_1 = arith.constant 0 : i32
    return %arg0, %c0_i32, %arg1, %c0_i32_0 : i32, i32, i32, i32
  }
}

</mosaic_0001>

<sc_bundles>
// kernel: kernel.9.cloned.1.call-start
scs
__scs_entry_jumppad:
0x0: {  	(pc) =	sbr.rel $0x88, $3  }
0x1: {  	(tag) =	ssettag $0x0;
	lr =	simm.s32 $0x1  }
0x2: {  	[smem:$0x3F7D] =	sst lr;
	_ =	strace $0xD0000000  }
0x3: {  	_ = 	snop  }
0x4: {  	_ = 	snop  }
0x5: {  	_ = 	snop  }
0x6: {  	_ = 	snop  }
0x7: {  	_ = 	snop  }
__scs_overlays_trampoline_lowered:
0x8: {  	[smem:$0x3F8C] =	sst s0  }
0x9: {  	[smem:$0x3F8D] =	sst s1  }
0xa: {  	[smem:$0x3F8E] =	sst s2  }
0xb: {  	[smem:$0x3F8F] =	sst s3  }
0xc: {  	[smem:$0x3F90] =	sst s4  }
0xd: {  	[smem:$0x3F91] =	sst s5  }
0xe: {  	[smem:$0x3F92] =	sst s6  }
0xf: {  	[smem:$0x3F93] =	sst s7  }
0x10: {  	[smem:$0x3F94] =	sst s8  }
0x11: {  	[smem:$0x3F95] =	sst s9;
	s0 =	simm.s32 @!p0 $0x0  }
0x12: {  	s1 =	sld [smem:$0x3F7B];
	s0 =	simm.s32 @p0 $0x1  }
0x13: {  	[smem:$0x3F96] =	sst s0;
	s0 =	simm.s32 @!p1 $0x0  }
0x14: {  	s2 =	sld [smem:$0x3F7A];
	s0 =	simm.s32 @p1 $0x1  }
0x15: {  	[smem:$0x3F97] =	sst s0;
	s0 =	simm.s32 @!p2 $0x0  }
0x16: {  	s3 =	sld [smem:$0x3FDB];
	s0 =	simm.s32 @p2 $0x1  }
0x17: {  	s4 =	simm.s32 $0x1BF5;
	[smem:$0x3F99] =	sst s0  }
0x18: {  	s0 =	sld [smem:$0x3F7C];
	_ =	swait.ge [sflag:s4], $0x0  }
0x19: {  	s7 =	sld [smem:$0x3F7D]  }
0x1a: {  	s8 =	sadd.s32 $0xFFFFE003, lr  }
0x1b: {  	s9 =	sadd.s32 $0xFFFFFEF7, lr;
	s5 =	simm.s32 $0xFFFFFFFF;
	p2 =	slt.u32 s8, $0xFFFFF086  }
0x1c: {  	p1 =	slt.u32 s9, $0xF7A;
	s5 =	simm.s32 @!p2 $0x0  }
0x1d: {  	s5 =	simm.s32 @p1 $0x1;
	p0 =	seq.s32 s7, s2  }
0x1e: {  	s7 =	smul.u32 @!p0 $0xF7A, s2;
	p2 =	seq.s32 @!p0 s5, $0x0  }
0x1f: {  	s9 =	smul.u32 $0xF7A, s1;
	s8 =	simm.s32 @!p0 $0x1BF5;
	p2 =	por !p2, p0  }
0x20: {  	[sflag:s8] =	ssyncset.s32 @!p0 $0xFFFFF086;
	s6 =	sadd.s32 @!p0 s3, s7;
	s7 =	simm.s32 @!p0 $0x108  }
0x21: {  	s3 =	sadd.s32 s3, s9;
	s6 =	sadd.s32 @!p0 $0x88, s6;
	s7 =	simm.s32 @p2 $0x1082  }
0x22: {  	[simem:s7], [sflag:s8] =	dma.local @!p0 [hbm:s6], $0xF7A  }
0x23: {  	s9 =	sor.u32 $0xD0000000, s2;
	s6 =	simm.s32 $0x108;
	_ =	swait.ge @!p0 [sflag:s8], $0x0  }
0x24: {  	s3 =	sadd.s32 $0x88, s3;
	s6 =	simm.s32 @!p1 $0x1082;
	[sflag:s4] =	ssyncset.s32 $0xFFFFF086  }
0x25: {  	[simem:s6], [sflag:s4] =	dma.local [hbm:s3], $0xF7A  }
0x26: {  	[smem:$0x3F7D] =	sst s1;
	(tag) =	ssettag s2;
	_ =	strace s9  }
0x27: {  	s1 =	sld [smem:$0x3F8D]  }
0x28: {  	s2 =	sld [smem:$0x3F8E]  }
0x29: {  	s4 =	sld [smem:$0x3F90]  }
0x2a: {  	p0 =	seq.s32 s5, $0x0;
	s5 =	sld [smem:$0x3F91]  }
0x2b: {  	s6 =	sld [smem:$0x3F92]  }
0x2c: {  	s7 =	sld [smem:$0x3F93]  }
0x2d: {  	s3 =	simm.s32 $0x108;
	s8 =	sld [smem:$0x3F94]  }
0x2e: {  	s3 =	simm.s32 @!p0 $0x1082;
	s9 =	sld [smem:$0x3F95]  }
0x2f: {  	lr =	sadd.s32 s0, s3;
	s0 =	sld [smem:$0x3F8C]  }
0x30: {  	s3 =	sld [smem:$0x3F8F]  }
0x31: {  	[smem:$0x3F98] =	sst s10  }
0x32: {  	s10 =	sld [smem:$0x3F96];
	_ =	sdelay $0x3  }
0x33: {  	p0 =	seq.s32 s10, $0x1;
	s10 =	sld [smem:$0x3F98];
	_ =	sdelay $0x3  }
0x34: {  	[smem:$0x3F98] =	sst s10  }
0x35: {  	s10 =	sld [smem:$0x3F97];
	_ =	sdelay $0x3  }
0x36: {  	p1 =	seq.s32 s10, $0x1;
	s10 =	sld [smem:$0x3F98];
	_ =	sdelay $0x3  }
0x37: {  	[smem:$0x3F98] =	sst s10  }
0x38: {  	s10 =	sld [smem:$0x3F99]  }
0x39: {  	_ = 	snop;
	(pc) =	sbr.ind lr, $3  }
0x3a: {  	_ = 	snop  }
0x3b: {  	_ = 	snop  }
0x3c: {  	p2 =	seq.s32 s10, $0x1;
	s10 =	sld [smem:$0x3F98]  }
0x3d: {  	_ =	shalt  }
0x3e: {  	_ =	shalt  }
0x3f: {  	_ =	shalt  }
0x40: {  	_ =	shalt  }
0x41: {  	_ =	shalt  }
0x42: {  	_ =	shalt  }
0x43: {  	_ =	shalt  }
0x44: {  	_ =	shalt  }
0x45: {  	_ =	shalt  }
0x46: {  	_ =	shalt  }
0x47: {  	_ =	shalt  }
0x48: {  	_ =	shalt  }
0x49: {  	_ =	shalt  }
0x4a: {  	_ =	shalt  }
0x4b: {  	_ =	shalt  }
0x4c: {  	_ =	shalt  }
0x4d: {  	_ =	shalt  }
0x4e: {  	_ =	shalt  }
0x4f: {  	_ =	shalt  }
0x50: {  	_ =	shalt  }
0x51: {  	_ =	shalt  }
0x52: {  	_ =	shalt  }
0x53: {  	_ =	shalt  }
0x54: {  	_ =	shalt  }
0x55: {  	_ =	shalt  }
0x56: {  	_ =	shalt  }
0x57: {  	_ =	shalt  }
0x58: {  	_ =	shalt  }
0x59: {  	_ =	shalt  }
0x5a: {  	_ =	shalt  }
0x5b: {  	_ =	shalt  }
0x5c: {  	_ =	shalt  }
0x5d: {  	_ =	shalt  }
0x5e: {  	_ =	shalt  }
0x5f: {  	_ =	shalt  }
0x60: {  	_ =	shalt  }
0x61: {  	_ =	shalt  }
0x62: {  	_ =	shalt  }
0x63: {  	_ =	shalt  }
0x64: {  	_ =	shalt  }
0x65: {  	_ =	shalt  }
0x66: {  	_ =	shalt  }
0x67: {  	_ =	shalt  }
0x68: {  	_ =	shalt  }
0x69: {  	_ =	shalt  }
0x6a: {  	_ =	shalt  }
0x6b: {  	_ =	shalt  }
0x6c: {  	_ =	shalt  }
0x6d: {  	_ =	shalt  }
0x6e: {  	_ =	shalt  }
0x6f: {  	_ =	shalt  }
0x70: {  	_ =	shalt  }
0x71: {  	_ =	shalt  }
0x72: {  	_ =	shalt  }
0x73: {  	_ =	shalt  }
0x74: {  	_ =	shalt  }
0x75: {  	_ =	shalt  }
0x76: {  	_ =	shalt  }
0x77: {  	_ =	shalt  }
0x78: {  	_ =	shalt  }
0x79: {  	_ =	shalt  }
0x7a: {  	_ =	shalt  }
0x7b: {  	_ =	shalt  }
0x7c: {  	_ =	shalt  }
0x7d: {  	_ =	shalt  }
0x7e: {  	_ =	shalt  }
0x7f: {  	_ =	shalt  }
0x80: {  	_ =	shalt  }
0x81: {  	_ =	shalt  }
0x82: {  	_ =	shalt  }
0x83: {  	_ =	shalt  }
0x84: {  	_ =	shalt  }
0x85: {  	_ =	shalt  }
0x86: {  	_ =	shalt  }
0x87: {  	_ =	shalt  }
.Lfunc_end0:
.L_simem_size_0:
called_computation_lowered:
.L_overlay_start_0:
0x88: {  	s2 =	sld [smem:$0x3FD9]  }
0x89: {  	s3 =	sld [smem:$0x3FFE];
	_ =	sdelay $0x1  }
0x8a: {  	s1 =	srdreg.scid  }
0x8b: {  	s0 =	sand.u32 $0x1, s1  }
0x8c: {  	s17 =	sshll.u32 s0, $0xA;
	s2 =	sadd.s32 s3, s2  }
0x8d: {  	s2 =	sadd.s32 s2, s17  }
0x8e: {  	[smem:$0x3FA4] =	sst s2  }
0x8f: {  	_ = 	snop  }
0x90: {  	s2 =	sld [smem:$0x3FC9]  }
0x91: {  	s18 =	sld [smem:$0x3FC7];
	(tm) =	ssettm $0x1  }
0x92: {  	s4 =	sld [smem:$0x3FFB];
	_ =	sdelay $0x3  }
0x93: {  	_ =	strace s4  }
0x94: {  	s4 =	sld [smem:$0x3FFC];
	_ =	sdelay $0x3  }
0x95: {  	_ =	strace s4  }
0x96: {  	s4 =	sld [smem:$0x3FFD];
	_ =	sdelay $0x3  }
0x97: {  	_ =	strace s4  }
0x98: {  	_ =	strace $0x8FFFFFFF  }
0x99: {  	s19 =	sld [smem:$0x3FDB];
	_ =	sdelay $0x1  }
0x9a: {  	s5 =	simm.s32 $_scs_section_size  }
0x9b: {  	s6 =	simm.s32 $_size__tile_overlayer_lowered;
	s7 =	simm.s32 $_tile_overlayer_lowered  }
0x9c: {  	s22 =	simm.s32 $0x1BFF;
	s21 =	sshll.u32 s7, $0x1;
	s4 =	sadd.s32 s5, s19  }
0x9d: {  	s8 =	simm.s32 $0x0;
	s20 =	sshll.u32 s6, $0x1;
	s6 =	sadd.s32 s21, s4  }
0x9e: {  	[timem:s8], [sflag:s22] =	dma.local [hbm:s6], s20  }
0x9f: {  	_ =	swait.ge [sflag:s22], s20  }
0xa0: {  	s5 =	ssub.s32 $0x0, s20;
	[sflag:s22] =	ssyncset.done $0x0  }
0xa1: {  	[sflag:s22] =	ssyncadd.s32 s5;
	_ =	sdelay $0x1  }
0xa2: {  	s23 =	simm.s32 $0x1B8B  }
0xa3: {  	_ =	swait.ge [sflag:s23], $0x1  }
0xa4: {  	[sflag:s23] =	ssyncset.done $0x0  }
0xa5: {  	s25 =	simm.s32 $0x1B8E;
	s24 =	sld [smem:$0x3FFE];
	[sflag:s23] =	ssyncadd.s32 $0xFFFFFFFF  }
0xa6: {  	s26 =	simm.s32 $execute0_lowered;
	[smem:$0x3FD2] =	sst s25  }
0xa7: {  	s6 =	sshll.u32 s26, $0x1;
	_ =	strace $0x80000046;
	[dreg:$0x1] =	wrdreg $0xFFFFFFFF  }
0xa8: {  	s28 =	simm.s32 $_size_execute0_lowered;
	s4 =	sadd.s32 s4, s6;
	[dreg:$0x0] =	wrdreg $0x0  }
0xa9: {  	s6 =	sshll.u32 s28, $0x1;
	[dreg:$0x2] =	wrdreg s4  }
0xaa: {  	[dreg:$0x3] =	wrdreg s6  }
0xab: {  	[dreg:$0x4] =	wrdreg $0xC0  }
0xac: {  	_ =	task [dreg:s8], $0x5FFFF  }
0xad: {  	[dreg:$0x1] =	wrdreg $0xFFFFFFFF  }
0xae: {  	[dreg:$0x0] =	wrdreg $0x60  }
0xaf: {  	[dreg:$0x2] =	wrdreg s2  }
0xb0: {  	[dreg:$0x3] =	wrdreg s18  }
0xb1: {  	[dreg:$0x4] =	wrdreg s24  }
0xb2: {  	[dreg:$0x5] =	wrdreg $0x9  }
0xb3: {  	_ =	task.clear_ibuf [dreg:s8], $0x6FFFF;
	_ =	strace $0x90000046  }
0xb4: {  	s29 =	simm.s32 $0x9;
	_ =	strace $0x80000048  }
0xb5: {  	_ =	swait.ge [sflag:s29], $0x1  }
0xb6: {  	[sflag:s29] =	ssyncadd.s32 $0xFFFFFFFF  }
0xb7: {  	_ =	strace $0x90000048  }
0xb8: {  	_ =	sfence  }
0xb9: {  	s30 =	sld [smem:$0x0];
	_ =	sdelay $0x2  }
0xba: {  	s31 =	sshll.u32 s1, $0xD;
	s1 =	sshrl.u32 s1, $0x2  }
0xbb: {  	s3 =	sand.u32 $0x4000, s31;
	s1 =	sadd.s32 s1, s30  }
0xbc: {  	s0 =	sor.u32 s3, s0;
	s1 =	sshll.u32 s1, $0x11  }
0xbd: {  	s0 =	sor.u32 s1, s0  }
0xbe: {  	s0 =	sadd.s32 $0x8F2B, s0  }
0xbf: {  	[sflag:s0] =	ssyncadd.remote.s32 $0x1  }
0xc0: {  	_ =	sfence.sel $0xFFFF  }
0xc1: {  	[dreg:$0x0] =	wrdreg $0xFFFFFFFF;
	(pc) =	sbr.abs _section_cstart, $3  }
0xc2: {  	[dreg:$0x1] =	wrdreg $0xFFFFFFFF  }
0xc3: {  	_ =	task.clear_ibuf [dreg:s8], $0x2FFFF;
	_ =	strace $0x9FFFFFFF  }
0xc4: {  	(tm) =	ssettm $0x7FFFFFFF  }
0xc5: {  	_ =	shalt  }
tec
execute0_lowered:
.L_overlay_start_1:
0x0: {  	(tag) =	ssettag $0x1  }
0x1: {  	s2 =	srdreg.scid  }
0x2: {  	s0 =	stileid.u32;
	s1 =	rddreg [dreg:$0x0]  }
0x3: {  	s3 =	rddreg [dreg:$0x1];
	s2 =	sand.u32 $0x1, s2;
	s4 =	sshll.u32 s0, $0x1  }
0x4: {  	s6 =	rddreg [dreg:$0x2];
	s5 =	sor.u32 s2, s4;
	s4 =	simm.s32 $0x0  }
0x5: {  	s10 =	simm.s32 $0x9080;
	[smem:$0x7FF] =	sst s4  }
0x6: {  	s11 =	simm.s32 $0x880;
	_ =	strace $0x80000047;
	[dreg:$0x8] =	wrdreg s10  }
0x7: {  	s12 =	simm.s32 $0x1080;
	[dreg:$0x9] =	wrdreg s11  }
0x8: {  	s13 =	simm.s32 $0x1880;
	[dreg:$0xa] =	wrdreg s12  }
0x9: {  	s14 =	simm.s32 $0x2080;
	[dreg:$0xb] =	wrdreg s13  }
0xa: {  	s15 =	simm.s32 $0x2880;
	[dreg:$0xc] =	wrdreg s14  }
0xb: {  	s16 =	simm.s32 $0x3080;
	s17 =	simm.s32 $0x3880;
	[dreg:$0xd] =	wrdreg s15  }
0xc: {  	s18 =	simm.s32 $0x4080;
	s20 =	simm.s32 $0x4880;
	[dreg:$0xe] =	wrdreg s16  }
0xd: {  	s21 =	simm.s32 $0x5080;
	s22 =	simm.s32 $0x5880;
	[dreg:$0xf] =	wrdreg s17  }
0xe: {  	s23 =	simm.s32 $0x6080;
	s24 =	simm.s32 $0x7880;
	[dreg:$0x10] =	wrdreg s18  }
0xf: {  	s25 =	simm.s32 $0x8080;
	s26 =	simm.s32 $0x8880;
	[dreg:$0x11] =	wrdreg s20  }
0x10: {  	s28 =	simm.s32 $0x10900;
	s29 =	simm.s32 $0x11100;
	[dreg:$0x12] =	wrdreg s21  }
0x11: {  	s30 =	simm.s32 $0x11900;
	s31 =	simm.s32 $0x1;
	[dreg:$0x13] =	wrdreg s22  }
0x12: {  	s2 =	ssub.s32 $0x2, s2;
	s7 =	smul.u32 $0x6, s5;
	[dreg:$0x14] =	wrdreg s23  }
0x13: {  	s5 =	smul.u32 $0x1200, s5;
	s19 =	sshrl.u32 s2, $0x1;
	[dreg:$0x17] =	wrdreg s24  }
0x14: {  	s2 =	ssub.s32 s2, s19;
	s10 =	simm.s32 $0x7080;
	[dreg:$0x18] =	wrdreg s25  }
0x15: {  	s11 =	simm.s32 $0x80;
	[dreg:$0x19] =	wrdreg s26;
	s12 =	simm.s32 $0x9100  }
0x16: {  	s14 =	simm.s32 $0xA100;
	s15 =	simm.s32 $0xA900;
	s16 =	simm.s32 $0xB100  }
0x17: {  	s17 =	simm.s32 $0xB900;
	s18 =	simm.s32 $0xC100;
	s19 =	simm.s32 $0xC900  }
0x18: {  	s20 =	simm.s32 $0xD100;
	s21 =	simm.s32 $0xD900;
	s22 =	simm.s32 $0xE100  }
0x19: {  	s23 =	simm.s32 $0xE900;
	s24 =	simm.s32 $0xF100;
	s25 =	simm.s32 $0xF900  }
0x1a: {  	s26 =	simm.s32 $0x10100;
	s7 =	sadd.s32 s7, s6;
	s5 =	sadd.s32 s5, s6  }
0x1b: {  	s6 =	sadd.s32 $0x200, s1;
	[dreg:$0x16] =	wrdreg s10;
	s8 =	sadd.s32 $0x9A00, s7  }
0x1c: {  	s10 =	simm.s32 $0x3;
	s9 =	sadd.s32 $0x9C00, s5;
	[dreg:$0x4] =	wrdreg s8  }
0x1d: {  	s5 =	sadd.s32 $0x2DC00, s5;
	s8 =	sadd.s32 $0x2E00, s7;
	[dreg:$0x6] =	wrdreg s9  }
0x1e: {  	v2 =	vlaneseq.u32;
	[dreg:$0x7] =	wrdreg s5;
	s5 =	sadd.s32 $0x100, s1;
	s7 =	sadd.s32 $0x100, s3  }
0x1f: {  	vm0 =	vmmov $0xffff;
	v1 =	vshrl.u32 v2, $0x3;
	s9 =	simm.s32 $0x6880;
	[dreg:$0x5] =	wrdreg s8;
	s8 =	sadd.s32 $0x200, s3  }
0x20: {  	v0 =	vand.u32 $0x7, v2;
	v2 =	vor.u32 $0x8, v2;
	v1 =	vmul.u32 $0x8, v1;
	[dreg:$0x15] =	wrdreg s9;
	s9 =	smax.u32 s2, $0x1;
	s2 =	simm.s32 $0x2  }
.LBB2_1:
0x21: {  	s0 =	rddreg [dreg:$0x4]  }
0x22: {  	[tilespmem:s4], [sflag:$0x3] =	stream.linear.gather [hbm4b:s0+s4], $0x30, $0x38;
	[tilespmem:$0x12100] =	vst v63  }
0x23: {  	_ =	swait.ge [sflag:s10], $0x30  }
0x24: {  	s0 =	rddreg [dreg:$0x5];
	[sflag:s10] =	ssyncset.done $0x0  }
0x25: {  	s13 =	rddreg [dreg:$0x8];
	[sflag:s10] =	ssyncadd.s32 $0xFFFFFFD0  }
0x26: {  	[tilespmem:s13], [sflag:$0x3] =	stream.linear.gather [hbm4b:s0+s4], $0x30, $0x38;
	[tilespmem:$0x12100] =	vst v63  }
0x27: {  	_ =	swait.ge [sflag:s10], $0x30  }
0x28: {  	[sflag:s10] =	ssyncset.done $0x0  }
0x29: {  	[sflag:s10] =	ssyncadd.s32 $0xFFFFFFD0  }
0x2a: {  	v3 =	vld [tilespmem:$0x0];
	_ =	sdelay $0x4  }
0x2b: {  	v4 =	vshrl.u32 v3, $0x3  }
0x2c: {  	v4 =	vmul.u32 $0x30, v4  }
0x2d: {  	v3 =	vand.u32 $0x7, v3  }
0x2e: {  	v3 =	vor.u32 v3, v4  }
0x2f: {  	v4 =	vperm.xlane v3, v0;
	_ =	sdelay $0x1  }
0x30: {  	v4 =	vadd.s32 v1, v4;
	_ =	sdelay $0x3  }
0x31: {  	v3 =	vperm.xlane v3, v2  }
0x32: {  	[tilespmem:s11], [sflag:$0x1] =	stream.indirect_vreg.gather [hbm4b:s1+s4], $0x80, v4, vm0, $0xb8;
	[tilespmem:$0x12100] =	vst v63  }
0x33: {  	s0 =	rddreg [dreg:$0x9];
	v3 =	vadd.s32 v1, v3  }
0x34: {  	[tilespmem:s0], [sflag:$0x1] =	stream.indirect_vreg.gather [hbm4b:s5+s4], $0x80, v4, vm0, $0xb8;
	[tilespmem:$0x12100] =	vst v63  }
0x35: {  	s13 =	rddreg [dreg:$0xa]  }
0x36: {  	[tilespmem:s13], [sflag:$0x1] =	stream.indirect_vreg.gather [hbm4b:s6+s4], $0x80, v4, vm0, $0xb8;
	[tilespmem:$0x12100] =	vst v63  }
0x37: {  	s0 =	rddreg [dreg:$0xb]  }
0x38: {  	[tilespmem:s0], [sflag:$0x1] =	stream.indirect_vreg.gather [hbm4b:s1+s4], $0x80, v3, vm0, $0xb8;
	[tilespmem:$0x12100] =	vst v63  }
0x39: {  	s13 =	rddreg [dreg:$0xc]  }
0x3a: {  	[tilespmem:s13], [sflag:$0x1] =	stream.indirect_vreg.gather [hbm4b:s5+s4], $0x80, v3, vm0, $0xb8;
	[tilespmem:$0x12100] =	vst v63  }
0x3b: {  	s0 =	rddreg [dreg:$0xd]  }
0x3c: {  	[tilespmem:s0], [sflag:$0x1] =	stream.indirect_vreg.gather [hbm4b:s6+s4], $0x80, v3, vm0, $0xb8;
	[tilespmem:$0x12100] =	vst v63  }
0x3d: {  	v3 =	vld [tilespmem:$0x10];
	_ =	sdelay $0x4  }
0x3e: {  	v59 =	vshrl.u32 v3, $0x3  }
0x3f: {  	v4 =	vmul.u32 $0x30, v59  }
0x40: {  	v3 =	vand.u32 $0x7, v3  }
0x41: {  	v3 =	vor.u32 v3, v4  }
0x42: {  	v4 =	vperm.xlane v3, v0;
	_ =	sdelay $0x1  }
0x43: {  	v4 =	vadd.s32 v1, v4;
	_ =	sdelay $0x3  }
0x44: {  	s0 =	rddreg [dreg:$0xe];
	v3 =	vperm.xlane v3, v2  }
0x45: {  	[tilespmem:s0], [sflag:$0x1] =	stream.indirect_vreg.gather [hbm4b:s1+s4], $0x80, v4, vm0, $0xb8;
	[tilespmem:$0x12100] =	vst v63  }
0x46: {  	s13 =	rddreg [dreg:$0xf];
	v3 =	vadd.s32 v1, v3  }
0x47: {  	[tilespmem:s13], [sflag:$0x1] =	stream.indirect_vreg.gather [hbm4b:s5+s4], $0x80, v4, vm0, $0xb8;
	[tilespmem:$0x12100] =	vst v63  }
0x48: {  	s0 =	rddreg [dreg:$0x10]  }
0x49: {  	[tilespmem:s0], [sflag:$0x1] =	stream.indirect_vreg.gather [hbm4b:s6+s4], $0x80, v4, vm0, $0xb8;
	[tilespmem:$0x12100] =	vst v63  }
0x4a: {  	s13 =	rddreg [dreg:$0x11]  }
0x4b: {  	[tilespmem:s13], [sflag:$0x1] =	stream.indirect_vreg.gather [hbm4b:s1+s4], $0x80, v3, vm0, $0xb8;
	[tilespmem:$0x12100] =	vst v63  }
0x4c: {  	s0 =	rddreg [dreg:$0x12]  }
0x4d: {  	[tilespmem:s0], [sflag:$0x1] =	stream.indirect_vreg.gather [hbm4b:s5+s4], $0x80, v3, vm0, $0xb8;
	[tilespmem:$0x12100] =	vst v63  }
0x4e: {  	s13 =	rddreg [dreg:$0x13]  }
0x4f: {  	[tilespmem:s13], [sflag:$0x1] =	stream.indirect_vreg.gather [hbm4b:s6+s4], $0x80, v3, vm0, $0xb8;
	[tilespmem:$0x12100] =	vst v63  }
0x50: {  	v3 =	vld [tilespmem:$0x20];
	_ =	sdelay $0x4  }
0x51: {  	v60 =	vshrl.u32 v3, $0x3  }
0x52: {  	v4 =	vmul.u32 $0x30, v60  }
0x53: {  	v3 =	vand.u32 $0x7, v3  }
0x54: {  	v3 =	vor.u32 v3, v4  }
0x55: {  	v4 =	vperm.xlane v3, v0;
	_ =	sdelay $0x1  }
0x56: {  	v4 =	vadd.s32 v1, v4;
	_ =	sdelay $0x3  }
0x57: {  	s0 =	rddreg [dreg:$0x14];
	v3 =	vperm.xlane v3, v2  }
0x58: {  	[tilespmem:s0], [sflag:$0x1] =	stream.indirect_vreg.gather [hbm4b:s1+s4], $0x80, v4, vm0, $0xb8;
	[tilespmem:$0x12100] =	vst v63  }
0x59: {  	s13 =	rddreg [dreg:$0x15];
	v3 =	vadd.s32 v1, v3  }
0x5a: {  	[tilespmem:s13], [sflag:$0x1] =	stream.indirect_vreg.gather [hbm4b:s5+s4], $0x80, v4, vm0, $0xb8;
	[tilespmem:$0x12100] =	vst v63  }
0x5b: {  	s0 =	rddreg [dreg:$0x16]  }
0x5c: {  	[tilespmem:s0], [sflag:$0x1] =	stream.indirect_vreg.gather [hbm4b:s6+s4], $0x80, v4, vm0, $0xb8;
	[tilespmem:$0x12100] =	vst v63  }
0x5d: {  	s13 =	rddreg [dreg:$0x17]  }
0x5e: {  	[tilespmem:s13], [sflag:$0x1] =	stream.indirect_vreg.gather [hbm4b:s1+s4], $0x80, v3, vm0, $0xb8;
	[tilespmem:$0x12100] =	vst v63  }
0x5f: {  	s0 =	rddreg [dreg:$0x18]  }
0x60: {  	[tilespmem:s0], [sflag:$0x1] =	stream.indirect_vreg.gather [hbm4b:s5+s4], $0x80, v3, vm0, $0xb8;
	[tilespmem:$0x12100] =	vst v63  }
0x61: {  	s13 =	rddreg [dreg:$0x19]  }
0x62: {  	[tilespmem:s13], [sflag:$0x1] =	stream.indirect_vreg.gather [hbm4b:s6+s4], $0x80, v3, vm0, $0xb8;
	[tilespmem:$0x12100] =	vst v63  }
0x63: {  	v3 =	vld [tilespmem:$0x9080];
	_ =	sdelay $0x4  }
0x64: {  	v61 =	vshrl.u32 v3, $0x3  }
0x65: {  	v4 =	vmul.u32 $0x30, v61  }
0x66: {  	v3 =	vand.u32 $0x7, v3  }
0x67: {  	v3 =	vor.u32 v3, v4  }
0x68: {  	v4 =	vperm.xlane v3, v0;
	_ =	sdelay $0x1  }
0x69: {  	v4 =	vadd.s32 v1, v4;
	_ =	sdelay $0x3  }
0x6a: {  	v3 =	vperm.xlane v3, v2  }
0x6b: {  	[tilespmem:s12], [sflag:$0x2] =	stream.indirect_vreg.gather [hbm4b:s3+s4], $0x80, v4, vm0, $0xb8;
	[tilespmem:$0x12100] =	vst v63  }
0x6c: {  	s13 =	simm.s32 $0x9900;
	v3 =	vadd.s32 v1, v3  }
0x6d: {  	[tilespmem:s13], [sflag:$0x2] =	stream.indirect_vreg.gather [hbm4b:s7+s4], $0x80, v4, vm0, $0xb8;
	[tilespmem:$0x12100] =	vst v63  }
0x6e: {  	_ = 	snop  }
0x6f: {  	[tilespmem:s14], [sflag:$0x2] =	stream.indirect_vreg.gather [hbm4b:s8+s4], $0x80, v4, vm0, $0xb8;
	[tilespmem:$0x12100] =	vst v63  }
0x70: {  	_ = 	snop  }
0x71: {  	[tilespmem:s15], [sflag:$0x2] =	stream.indirect_vreg.gather [hbm4b:s3+s4], $0x80, v3, vm0, $0xb8;
	[tilespmem:$0x12100] =	vst v63  }
0x72: {  	_ = 	snop  }
0x73: {  	[tilespmem:s16], [sflag:$0x2] =	stream.indirect_vreg.gather [hbm4b:s7+s4], $0x80, v3, vm0, $0xb8;
	[tilespmem:$0x12100] =	vst v63  }
0x74: {  	_ = 	snop  }
0x75: {  	[tilespmem:s17], [sflag:$0x2] =	stream.indirect_vreg.gather [hbm4b:s8+s4], $0x80, v3, vm0, $0xb8;
	[tilespmem:$0x12100] =	vst v63  }
0x76: {  	v3 =	vld [tilespmem:$0x9090];
	_ =	sdelay $0x4  }
0x77: {  	v62 =	vshrl.u32 v3, $0x3  }
0x78: {  	v4 =	vmul.u32 $0x30, v62  }
0x79: {  	v3 =	vand.u32 $0x7, v3  }
0x7a: {  	v3 =	vor.u32 v3, v4  }
0x7b: {  	v4 =	vperm.xlane v3, v0;
	_ =	sdelay $0x1  }
0x7c: {  	v4 =	vadd.s32 v1, v4;
	_ =	sdelay $0x3  }
0x7d: {  	v3 =	vperm.xlane v3, v2  }
0x7e: {  	[tilespmem:s18], [sflag:$0x2] =	stream.indirect_vreg.gather [hbm4b:s3+s4], $0x80, v4, vm0, $0xb8;
	[tilespmem:$0x12100] =	vst v63  }
0x7f: {  	v3 =	vadd.s32 v1, v3  }
0x80: {  	[tilespmem:s19], [sflag:$0x2] =	stream.indirect_vreg.gather [hbm4b:s7+s4], $0x80, v4, vm0, $0xb8;
	[tilespmem:$0x12100] =	vst v63  }
0x81: {  	_ = 	snop  }
0x82: {  	[tilespmem:s20], [sflag:$0x2] =	stream.indirect_vreg.gather [hbm4b:s8+s4], $0x80, v4, vm0, $0xb8;
	[tilespmem:$0x12100] =	vst v63  }
0x83: {  	_ = 	snop  }
0x84: {  	[tilespmem:s21], [sflag:$0x2] =	stream.indirect_vreg.gather [hbm4b:s3+s4], $0x80, v3, vm0, $0xb8;
	[tilespmem:$0x12100] =	vst v63  }
0x85: {  	_ = 	snop  }
0x86: {  	[tilespmem:s22], [sflag:$0x2] =	stream.indirect_vreg.gather [hbm4b:s7+s4], $0x80, v3, vm0, $0xb8;
	[tilespmem:$0x12100] =	vst v63  }
0x87: {  	_ = 	snop  }
0x88: {  	[tilespmem:s23], [sflag:$0x2] =	stream.indirect_vreg.gather [hbm4b:s8+s4], $0x80, v3, vm0, $0xb8;
	[tilespmem:$0x12100] =	vst v63  }
0x89: {  	v3 =	vld [tilespmem:$0x90A0];
	_ =	sdelay $0x4  }
0x8a: {  	v63 =	vshrl.u32 v3, $0x3  }
0x8b: {  	v4 =	vmul.u32 $0x30, v63  }
0x8c: {  	v3 =	vand.u32 $0x7, v3  }
0x8d: {  	v3 =	vor.u32 v3, v4  }
0x8e: {  	v4 =	vperm.xlane v3, v0;
	_ =	sdelay $0x1  }
0x8f: {  	v4 =	vadd.s32 v1, v4;
	_ =	sdelay $0x3  }
0x90: {  	v3 =	vperm.xlane v3, v2  }
0x91: {  	[tilespmem:s24], [sflag:$0x2] =	stream.indirect_vreg.gather [hbm4b:s3+s4], $0x80, v4, vm0, $0xb8;
	[tilespmem:$0x12100] =	vst v63  }
0x92: {  	v3 =	vadd.s32 v1, v3  }
0x93: {  	[tilespmem:s25], [sflag:$0x2] =	stream.indirect_vreg.gather [hbm4b:s7+s4], $0x80, v4, vm0, $0xb8;
	[tilespmem:$0x12100] =	vst v63  }
0x94: {  	_ = 	snop  }
0x95: {  	[tilespmem:s26], [sflag:$0x2] =	stream.indirect_vreg.gather [hbm4b:s8+s4], $0x80, v4, vm0, $0xb8;
	[tilespmem:$0x12100] =	vst v63  }
0x96: {  	_ = 	snop  }
0x97: {  	[tilespmem:s28], [sflag:$0x2] =	stream.indirect_vreg.gather [hbm4b:s3+s4], $0x80, v3, vm0, $0xb8;
	[tilespmem:$0x12100] =	vst v63  }
0x98: {  	_ = 	snop  }
0x99: {  	[tilespmem:s29], [sflag:$0x2] =	stream.indirect_vreg.gather [hbm4b:s7+s4], $0x80, v3, vm0, $0xb8;
	[tilespmem:$0x12100] =	vst v63  }
0x9a: {  	_ = 	snop  }
0x9b: {  	[tilespmem:s30], [sflag:$0x2] =	stream.indirect_vreg.gather [hbm4b:s8+s4], $0x80, v3, vm0, $0xb8;
	[tilespmem:$0x12100] =	vst v63  }
0x9c: {  	_ =	swait.ge [sflag:s31], $0x9000  }
0x9d: {  	[sflag:s31] =	ssyncset.done $0x0  }
0x9e: {  	[sflag:s31] =	ssyncadd.s32 $0xFFFF7000  }
0x9f: {  	_ =	swait.ge [sflag:s2], $0x9000  }
0xa0: {  	[sflag:s2] =	ssyncset.done $0x0  }
0xa1: {  	s13 =	rddreg [dreg:$0x6];
	[sflag:s2] =	ssyncadd.s32 $0xFFFF7000  }
0xa2: {  	[hbm4b:s13+s4] =	stream.linear.scatter [tilespmem:s11], [sflag:$0x3], $0x9000, $0x38;
	[tilespmem:$0x12100] =	vst v63  }
0xa3: {  	_ =	swait.ge [sflag:s10], $0x9000  }
0xa4: {  	p0 =	sne.s32 s9, $0x1;
	[sflag:s10] =	ssyncset.done $0x0  }
.Ltmp0:
0xa5: {  	s13 =	rddreg [dreg:$0x7];
	[sflag:s10] =	ssyncadd.s32 $0xFFFF7000;
	(pc) =	sbr.rel @p0 .LBB2_1-.Ltmp0, $4  }
0xa6: {  	[hbm4b:s13+s4] =	stream.linear.scatter [tilespmem:s12], [sflag:$0x3], $0x9000, $0x38;
	[tilespmem:$0x12100] =	vst v63  }
0xa7: {  	_ =	swait.ge [sflag:s10], $0x9000  }
0xa8: {  	[sflag:s10] =	ssyncset.done $0x0  }
0xa9: {  	s9 =	sadd.s32 $0xFFFFFFFF, s9;
	[sflag:s10] =	ssyncadd.s32 $0xFFFF7000  }
0xaa: {  	_ =	sfence.sel $0x180000  }
0xab: {  	[bflag:$0x0] =	sbarrier.arrive $0xFFFF  }
0xac: {  	_ =	strace $0x90000047  }
0xad: {  	s0 =	stileid.u32;
	[bflag:$0x2] =	sbarrier.arrive $0xFFFF  }
0xae: {  	p0 =	sne.s32 s0, $0x0;
	s0 =	rddreg [dreg:$0x3]  }
0xaf: {  	s0 =	sadd.s32 @!p0 $0x100000, s0  }
0xb0: {  	[sflag:s0] =	ssyncadd.tile.s32 @!p0 $0x1;
	_ =	shalt  }
.Lfunc_end2:
_tile_overlayer_lowered:
.L_overlay_start_2:
0xb1: {  	(tag) =	ssettag $0x2  }
0xb2: {  	s0 =	rddreg [dreg:$0x0];
	s2 =	stileid.u32  }
0xb3: {  	s1 =	rddreg [dreg:$0x1];
	p0 =	sne.s32 s2, $0x0  }
0xb4: {  	s3 =	rddreg [dreg:$0x2];
	[bflag:$0x3] =	sbarrier.arrive $0xFFFF;
	s2 =	simm.s32 @!p0 $0x1C03  }
0xb5: {  	[timem:s3], [sflag:s2] =	dma.local @!p0 [hbm:s0], s1  }
0xb6: {  	s0 =	simm.s32 @!p0 $0x3  }
0xb7: {  	_ =	swait.ge @!p0 [sflag:s0], s1  }
0xb8: {  	s1 =	ssub.s32 @!p0 $0x0, s1;
	[sflag:s0] =	ssyncset.done @!p0 $0x0  }
0xb9: {  	[sflag:s0] =	ssyncadd.s32 @!p0 s1  }
0xba: {  	[bflag:$0x3] =	sbarrier.arrive $0xFFFF  }
0xbb: {  	_ =	shalt  }

</sc_bundles>
